<compile_context>
chip_gen: v7x
topology: tpu7x:2x2x1
jax: 0.10.2.dev20260603
libtpu: 0.0.44.dev20260713+nightly
codegen_flags: <defaults>
</compile_context>

<pallas_src>
import functools

import jax
import jax.numpy as jnp
from jax import lax
from jax.experimental import pallas as pl
from jax.experimental.pallas import tpu as pltpu
from jax.experimental.pallas import tpu_sc as plsc

_NSLOT = 8


def _sc_gather(table_t, idx, B, D, nw):
    bpw = B // nw
    ngrp = bpw // 16

    @functools.partial(
        pl.kernel,
        mesh=plsc.VectorSubcoreMesh(core_axis_name="c", subcore_axis_name="s"),
        out_type=jax.ShapeDtypeStruct((D, B), jnp.float32),
        scratch_types=[
            pltpu.VMEM((bpw,), jnp.int32),
            pltpu.VMEM((_NSLOT, D, 128), jnp.float32),
            pltpu.VMEM((D, bpw), jnp.float32),
            [pltpu.SemaphoreType.DMA] * _NSLOT,
        ],
        compiler_params=pltpu.CompilerParams(
            disable_bounds_checks=True, needs_layout_passes=False),
    )
    def gather_k(table_hbm, idx_hbm, out_hbm, idx_v, slabs_v, embt_v, sems):
        nc = 2
        wid = lax.axis_index("s") * nc + lax.axis_index("c")
        base = pl.multiple_of(wid * bpw, bpw)
        pltpu.sync_copy(idx_hbm.at[pl.ds(base, bpw)], idx_v)

        lanes = lax.iota(jnp.int32, 16)

        def slab_copy(i, slot):
            off = pl.multiple_of((i >> 7) * 128, 128)
            pltpu.async_copy(
                table_hbm.at[:, pl.ds(off, 128)], slabs_v.at[slot],
                sems[slot])

        def slab_wait(slot):
            pltpu.make_async_copy(
                table_hbm.at[:, pl.ds(0, 128)], slabs_v.at[slot],
                sems[slot]).wait()

        v0 = idx_v[pl.ds(0, 16)]
        for l in range(_NSLOT):
            slab_copy(v0[l], l)

        def group(g, _):
            v = idx_v[pl.ds(g * 16, 16)]
            g1 = jnp.minimum(g + 1, ngrp - 1)
            vn = idx_v[pl.ds(g1 * 16, 16)]
            scalars = [v[l] for l in range(16)]
            nscalars = [vn[l] for l in range(16)]
            ahead = scalars[_NSLOT:] + nscalars[:_NSLOT]
            for l in range(16):
                slot = l % _NSLOT
                slab_wait(slot)
                r = scalars[l] & 127
                rvec = jnp.full((16,), r, jnp.int32)
                col = g * 16 + l
                cvec = jnp.full((16,), col, jnp.int32)
                for t in range(D // 16):
                    c0 = lanes + (16 * t)
                    vals = plsc.load_gather(slabs_v.at[slot], [c0, rvec])
                    plsc.store_scatter(embt_v, [c0, cvec], vals)
                slab_copy(ahead[l], slot)
            return 0

        lax.fori_loop(0, ngrp, group, 0)
        for s in range(_NSLOT):
            slab_wait(s)
        pltpu.sync_copy(embt_v, out_hbm.at[:, pl.ds(base, bpw)])

    return gather_k(table_t, idx)


def _head_body(x_ref, w0x_ref, b0_ref, a_ref):
    a_ref[...] = jnp.dot(x_ref[...], w0x_ref[...],
                         preferred_element_type=jnp.float32,
                         precision=lax.Precision.DEFAULT) + b0_ref[...]


def _tail_body(a_ref, et_ref, w0e_ref, w1_ref, b1_ref,
               w2_ref, b2_ref, wt_ref, bt_ref, o_ref):
    f32 = jnp.float32
    hi = lax.Precision.DEFAULT
    h = a_ref[...] + lax.dot_general(et_ref[...], w0e_ref[...],
                                     (((0,), (0,)), ((), ())),
                                     preferred_element_type=f32, precision=hi)
    h = jnp.maximum(h, 0.0)
    h = h + jnp.maximum(
        jnp.dot(h, w1_ref[...], preferred_element_type=f32,
                precision=hi) + b1_ref[...], 0.0)
    h = h + jnp.maximum(
        jnp.dot(h, w2_ref[...], preferred_element_type=f32,
                precision=hi) + b2_ref[...], 0.0)
    o_ref[...] = jnp.dot(h, wt_ref[...], preferred_element_type=f32,
                         precision=hi) + bt_ref[...]


def kernel(x, table, W0, b0, W1, b1, W2, b2, Wt, bt):
    B, C = x.shape
    D = table.shape[1]
    H = W0.shape[1]
    HP = 128

    info = plsc.get_sparse_core_info()
    nw = info.num_cores * info.num_subcores

    idx = x[:, 0].astype(jnp.int32)
    embt = _sc_gather(table.T, idx, B, D, nw)

    ph = HP - H
    w0x = jnp.pad(W0[D:], ((1, 0), (0, ph)))
    w0e = jnp.pad(W0[:D], ((0, 0), (0, ph)))
    w1 = jnp.pad(W1, ((0, ph), (0, ph)))
    w2 = jnp.pad(W2, ((0, ph), (0, ph)))
    wt = jnp.pad(Wt, ((0, ph), (0, 0)))
    b0p = jnp.pad(b0, (0, ph)).reshape(1, HP)
    b1p = jnp.pad(b1, (0, ph)).reshape(1, HP)
    b2p = jnp.pad(b2, (0, ph)).reshape(1, HP)
    btp = bt.reshape(1, 1)

    BB = 2048
    nb = B // BB
    rep = lambda i: (0, 0)

    a0 = pl.pallas_call(
        _head_body,
        grid=(nb,),
        in_specs=[
            pl.BlockSpec((BB, C), lambda i: (i, 0)),
            pl.BlockSpec((C, HP), rep),
            pl.BlockSpec((1, HP), rep),
        ],
        out_specs=pl.BlockSpec((BB, HP), lambda i: (i, 0)),
        out_shape=jax.ShapeDtypeStruct((B, HP), jnp.float32),
    )(x, w0x, b0p)

    out = pl.pallas_call(
        _tail_body,
        grid=(nb,),
        in_specs=[
            pl.BlockSpec((BB, HP), lambda i: (i, 0)),
            pl.BlockSpec((D, BB), lambda i: (0, i)),
            pl.BlockSpec((D, HP), rep),
            pl.BlockSpec((HP, HP), rep),
            pl.BlockSpec((1, HP), rep),
            pl.BlockSpec((HP, HP), rep),
            pl.BlockSpec((1, HP), rep),
            pl.BlockSpec((HP, 1), rep),
            pl.BlockSpec((1, 1), rep),
        ],
        out_specs=pl.BlockSpec((BB, 1), lambda i: (i, 0)),
        out_shape=jax.ShapeDtypeStruct((B, 1), jnp.float32),
    )(a0, embt, w0e, w1, b1p, w2, b2p, wt, btp)
    return out

# --- scband reference (transcript-rebuilt; emitter-appended) ---
"""Pipeline reference for scband-embed-mlp-11845519802742 (READ-ONLY COPY).

The authoritative reference and input builder live on the scoring server;
editing this copy changes nothing except your own understanding.
"""

import jax, jax.numpy as jnp
import numpy as np

BATCH = 16384
INPUT_DIM = 300
HIDDEN = 100
DEPTH = 2
VOCAB = 1000000
EDIM = 64


def setup_inputs(seed: int = 0) -> dict:
    key = jax.random.key(seed)
    ks = jax.random.split(key, 12)
    # first column is a categorical id in [0, VOCAB); remaining 299 columns are dense floats
    idx_col = jax.random.randint(ks[0], (BATCH,), 0, VOCAB).astype(jnp.float32)
    feats = jax.random.normal(ks[1], (BATCH, INPUT_DIM - 1), dtype=jnp.float32)
    x = jnp.concatenate([idx_col[:, None], feats], axis=1)

    table = jax.random.normal(ks[2], (VOCAB, EDIM), dtype=jnp.float32) * 0.02

    d_in = INPUT_DIM - 1 + EDIM  # 363
    W0 = jax.random.normal(ks[3], (d_in, HIDDEN), dtype=jnp.float32) / np.sqrt(d_in)
    b0 = jnp.zeros((HIDDEN,), dtype=jnp.float32)
    W1 = jax.random.normal(ks[4], (HIDDEN, HIDDEN), dtype=jnp.float32) / np.sqrt(HIDDEN)
    b1 = jnp.zeros((HIDDEN,), dtype=jnp.float32)
    W2 = jax.random.normal(ks[5], (HIDDEN, HIDDEN), dtype=jnp.float32) / np.sqrt(HIDDEN)
    b2 = jnp.zeros((HIDDEN,), dtype=jnp.float32)
    Wt = jax.random.normal(ks[6], (HIDDEN, 1), dtype=jnp.float32) / np.sqrt(HIDDEN)
    bt = jnp.zeros((1,), dtype=jnp.float32)
    return {"x": x, "table": table, "W0": W0, "b0": b0, "W1": W1, "b1": b1,
            "W2": W2, "b2": b2, "Wt": Wt, "bt": bt}


def reference(x, table, W0, b0, W1, b1, W2, b2, Wt, bt):
    # embedding = self.embedder(x[:, 0].long())
    idx = x[:, 0].astype(jnp.int32)
    emb = jnp.take(table, idx, axis=0)
    # x = cat([embedding, x[:, 1:]], dim=1)
    h = jnp.concatenate([emb, x[:, 1:]], axis=1)
    # fc0 + activation
    h = jax.nn.relu(h @ W0 + b0)
    # residual blocks (depth=2): h = h + relu(linear(h)); dropout=0.0 is identity
    h = h + jax.nn.relu(h @ W1 + b1)
    h = h + jax.nn.relu(h @ W2 + b2)
    # tail
    return h @ Wt + bt

if __name__ == "__main__":
    import jax
    _d = setup_inputs()
    print(jax.jit(kernel)(*tuple(_d.values())))

</pallas_src>

<mosaic_0001>
#map = affine_map<(d0, d1) -> (0, 0)>
#map1 = affine_map<(d0, d1) -> (0)>
module attributes {stable_mosaic.version = 14 : i64} {
  func.func @gather_k(%arg0: i32, %arg1: i32, %arg2: memref<64x1000000xf32, #tpu.memory_space<hbm>>, %arg3: memref<16384xi32, #tpu.memory_space<hbm>>, %arg4: memref<64x16384xf32, #tpu.memory_space<hbm>>, %arg5: memref<512xi32, #tpu.memory_space<vmem>>, %arg6: memref<8x64x128xf32, #tpu.memory_space<vmem>>, %arg7: memref<64x512xf32, #tpu.memory_space<vmem>>, %arg8: memref<!tpu.dma_semaphore, #tpu.memory_space<semaphore_mem>>, %arg9: memref<!tpu.dma_semaphore, #tpu.memory_space<semaphore_mem>>, %arg10: memref<!tpu.dma_semaphore, #tpu.memory_space<semaphore_mem>>, %arg11: memref<!tpu.dma_semaphore, #tpu.memory_space<semaphore_mem>>, %arg12: memref<!tpu.dma_semaphore, #tpu.memory_space<semaphore_mem>>, %arg13: memref<!tpu.dma_semaphore, #tpu.memory_space<semaphore_mem>>, %arg14: memref<!tpu.dma_semaphore, #tpu.memory_space<semaphore_mem>>, %arg15: memref<!tpu.dma_semaphore, #tpu.memory_space<semaphore_mem>>) attributes {dimension_semantics = [#tpu.dimension_semantics<core_parallel>, #tpu.dimension_semantics<subcore_parallel>], iteration_bounds = array<i64: 2, 16>, scalar_prefetch = 0 : i64, scratch_operands = 11 : i64, tpu.core_type = #tpu.core_type<sc_vector_subcore>, window_params = [{transform_indices = #map}, {transform_indices = #map1}, {transform_indices = #map}]} {
    %mul3A = arith.constant 2 : i32
    %mul3A_0 = arith.muli %arg1, %mul3A : i32
    %add3A = arith.addi %mul3A_0, %arg0 : i32
    %mul3A_1 = arith.constant 512 : i32
    %mul3A_2 = arith.muli %add3A, %mul3A_1 : i32
    %multiple_of3A = tpu.assume_multiple %mul3A_2, 512 : i32
    "tpu.region"() ({
      %run_scoped3A = tpu.sem_alloc : memref<!tpu.dma_semaphore, #tpu.memory_space<semaphore_mem>>
      %dma_start3A_285 = tpu.memref_slice %arg3[%multiple_of3A] : memref<16384xi32, #tpu.memory_space<hbm>> -> memref<512xi32, #tpu.memory_space<hbm>>
      %dma_start3A_286 = tpu.memref_slice %arg3[%multiple_of3A] : memref<16384xi32, #tpu.memory_space<hbm>> -> memref<512xi32, #tpu.memory_space<hbm>>
      tpu.enqueue_dma source(%dma_start3A_286 : memref<512xi32, #tpu.memory_space<hbm>>) target(%arg5 : memref<512xi32, #tpu.memory_space<vmem>>) target_semaphore(%run_scoped3A : memref<!tpu.dma_semaphore, #tpu.memory_space<semaphore_mem>>)
      %dma_wait3A_287 = tpu.memref_slice %arg3[%multiple_of3A] : memref<16384xi32, #tpu.memory_space<hbm>> -> memref<512xi32, #tpu.memory_space<hbm>>
      %dma_wait3A_288 = tpu.memref_slice %arg3[%multiple_of3A] : memref<16384xi32, #tpu.memory_space<hbm>> -> memref<512xi32, #tpu.memory_space<hbm>>
      tpu.wait_dma2 semaphore(%run_scoped3A : memref<!tpu.dma_semaphore, #tpu.memory_space<semaphore_mem>>) src(%dma_wait3A_288 : memref<512xi32, #tpu.memory_space<hbm>>) dst(%arg5 : memref<512xi32, #tpu.memory_space<vmem>>)
      tpu.yield
    }) : () -> ()
    %iota3A = tpu.iota {dimensions = array<i32: 0>} : vector<16xi32>
    %get3A = arith.constant 0 : index
    %get3A_3 = tpu.vector_load %arg5[%get3A] {strides = array<i32>} : memref<512xi32, #tpu.memory_space<vmem>>, vector<16xi32>,
    %slice3A = vector.extract_strided_slice %get3A_3 {offsets = [0], sizes = [1], strides = [1]} : vector<16xi32> to vector<1xi32>
    %squeeze3A = vector.extract %slice3A[0] : i32 from vector<1xi32>
    %shift_right_arithmetic3A = arith.constant 7 : i32
    %shift_right_arithmetic3A_4 = arith.shrsi %squeeze3A, %shift_right_arithmetic3A : i32
    %mul3A_5 = arith.constant 128 : i32
    %mul3A_6 = arith.muli %shift_right_arithmetic3A_4, %mul3A_5 : i32
    %multiple_of3A_7 = tpu.assume_multiple %mul3A_6, 128 : i32
    %dma_start3A = arith.constant 0 : i32
    %dma_start3A_8 = arith.constant 0 : i32
    %dma_start3A_9 = arith.constant 0 : i32
    %dma_start3A_10 = tpu.memref_slice %arg6[%dma_start3A, %dma_start3A_8, %dma_start3A_9] : memref<8x64x128xf32, #tpu.memory_space<vmem>> -> memref<1x64x128xf32, #tpu.memory_space<vmem>>
    %dma_start3A_11 = tpu.memref_squeeze %dma_start3A_10 : memref<1x64x128xf32, #tpu.memory_space<vmem>> -> memref<64x128xf32, #tpu.memory_space<vmem>>
    %dma_start3A_12 = arith.constant 0 : i32
    %dma_start3A_13 = tpu.memref_slice %arg2[%dma_start3A_12, %multiple_of3A_7] : memref<64x1000000xf32, #tpu.memory_space<hbm>> -> memref<64x128xf32, #tpu.memory_space<hbm>>
    %dma_start3A_14 = arith.constant 0 : i32
    %dma_start3A_15 = arith.constant 0 : i32
    %dma_start3A_16 = tpu.memref_slice %arg6[%dma_start3A, %dma_start3A_14, %dma_start3A_15] : memref<8x64x128xf32, #tpu.memory_space<vmem>> -> memref<1x64x128xf32, #tpu.memory_space<vmem>>
    %dma_start3A_17 = tpu.memref_squeeze %dma_start3A_16 : memref<1x64x128xf32, #tpu.memory_space<vmem>> -> memref<64x128xf32, #tpu.memory_space<vmem>>
    %dma_start3A_18 = arith.constant 0 : i32
    %dma_start3A_19 = tpu.memref_slice %arg2[%dma_start3A_18, %multiple_of3A_7] : memref<64x1000000xf32, #tpu.memory_space<hbm>> -> memref<64x128xf32, #tpu.memory_space<hbm>>
    tpu.enqueue_dma source(%dma_start3A_19 : memref<64x128xf32, #tpu.memory_space<hbm>>) target(%dma_start3A_17 : memref<64x128xf32, #tpu.memory_space<vmem>>) target_semaphore(%arg8 : memref<!tpu.dma_semaphore, #tpu.memory_space<semaphore_mem>>)
    %slice3A_20 = vector.extract_strided_slice %get3A_3 {offsets = [1], sizes = [1], strides = [1]} : vector<16xi32> to vector<1xi32>
    %squeeze3A_21 = vector.extract %slice3A_20[0] : i32 from vector<1xi32>
    %shift_right_arithmetic3A_22 = arith.constant 7 : i32
    %shift_right_arithmetic3A_23 = arith.shrsi %squeeze3A_21, %shift_right_arithmetic3A_22 : i32
    %mul3A_24 = arith.constant 128 : i32
    %mul3A_25 = arith.muli %shift_right_arithmetic3A_23, %mul3A_24 : i32
    %multiple_of3A_26 = tpu.assume_multiple %mul3A_25, 128 : i32
    %dma_start3A_27 = arith.constant 1 : i32
    %dma_start3A_28 = arith.constant 0 : i32
    %dma_start3A_29 = arith.constant 0 : i32
    %dma_start3A_30 = tpu.memref_slice %arg6[%dma_start3A_27, %dma_start3A_28, %dma_start3A_29] : memref<8x64x128xf32, #tpu.memory_space<vmem>> -> memref<1x64x128xf32, #tpu.memory_space<vmem>>
    %dma_start3A_31 = tpu.memref_squeeze %dma_start3A_30 : memref<1x64x128xf32, #tpu.memory_space<vmem>> -> memref<64x128xf32, #tpu.memory_space<vmem>>
    %dma_start3A_32 = arith.constant 0 : i32
    %dma_start3A_33 = tpu.memref_slice %arg2[%dma_start3A_32, %multiple_of3A_26] : memref<64x1000000xf32, #tpu.memory_space<hbm>> -> memref<64x128xf32, #tpu.memory_space<hbm>>
    %dma_start3A_34 = arith.constant 0 : i32
    %dma_start3A_35 = arith.constant 0 : i32
    %dma_start3A_36 = tpu.memref_slice %arg6[%dma_start3A_27, %dma_start3A_34, %dma_start3A_35] : memref<8x64x128xf32, #tpu.memory_space<vmem>> -> memref<1x64x128xf32, #tpu.memory_space<vmem>>
    %dma_start3A_37 = tpu.memref_squeeze %dma_start3A_36 : memref<1x64x128xf32, #tpu.memory_space<vmem>> -> memref<64x128xf32, #tpu.memory_space<vmem>>
    %dma_start3A_38 = arith.constant 0 : i32
    %dma_start3A_39 = tpu.memref_slice %arg2[%dma_start3A_38, %multiple_of3A_26] : memref<64x1000000xf32, #tpu.memory_space<hbm>> -> memref<64x128xf32, #tpu.memory_space<hbm>>
    tpu.enqueue_dma source(%dma_start3A_39 : memref<64x128xf32, #tpu.memory_space<hbm>>) target(%dma_start3A_37 : memref<64x128xf32, #tpu.memory_space<vmem>>) target_semaphore(%arg9 : memref<!tpu.dma_semaphore, #tpu.memory_space<semaphore_mem>>)
    %slice3A_40 = vector.extract_strided_slice %get3A_3 {offsets = [2], sizes = [1], strides = [1]} : vector<16xi32> to vector<1xi32>
    %squeeze3A_41 = vector.extract %slice3A_40[0] : i32 from vector<1xi32>
    %shift_right_arithmetic3A_42 = arith.constant 7 : i32
    %shift_right_arithmetic3A_43 = arith.shrsi %squeeze3A_41, %shift_right_arithmetic3A_42 : i32
    %mul3A_44 = arith.constant 128 : i32
    %mul3A_45 = arith.muli %shift_right_arithmetic3A_43, %mul3A_44 : i32
    %multiple_of3A_46 = tpu.assume_multiple %mul3A_45, 128 : i32
    %dma_start3A_47 = arith.constant 2 : i32
    %dma_start3A_48 = arith.constant 0 : i32
    %dma_start3A_49 = arith.constant 0 : i32
    %dma_start3A_50 = tpu.memref_slice %arg6[%dma_start3A_47, %dma_start3A_48, %dma_start3A_49] : memref<8x64x128xf32, #tpu.memory_space<vmem>> -> memref<1x64x128xf32, #tpu.memory_space<vmem>>
    %dma_start3A_51 = tpu.memref_squeeze %dma_start3A_50 : memref<1x64x128xf32, #tpu.memory_space<vmem>> -> memref<64x128xf32, #tpu.memory_space<vmem>>
    %dma_start3A_52 = arith.constant 0 : i32
    %dma_start3A_53 = tpu.memref_slice %arg2[%dma_start3A_52, %multiple_of3A_46] : memref<64x1000000xf32, #tpu.memory_space<hbm>> -> memref<64x128xf32, #tpu.memory_space<hbm>>
    %dma_start3A_54 = arith.constant 0 : i32
    %dma_start3A_55 = arith.constant 0 : i32
    %dma_start3A_56 = tpu.memref_slice %arg6[%dma_start3A_47, %dma_start3A_54, %dma_start3A_55] : memref<8x64x128xf32, #tpu.memory_space<vmem>> -> memref<1x64x128xf32, #tpu.memory_space<vmem>>
    %dma_start3A_57 = tpu.memref_squeeze %dma_start3A_56 : memref<1x64x128xf32, #tpu.memory_space<vmem>> -> memref<64x128xf32, #tpu.memory_space<vmem>>
    %dma_start3A_58 = arith.constant 0 : i32
    %dma_start3A_59 = tpu.memref_slice %arg2[%dma_start3A_58, %multiple_of3A_46] : memref<64x1000000xf32, #tpu.memory_space<hbm>> -> memref<64x128xf32, #tpu.memory_space<hbm>>
    tpu.enqueue_dma source(%dma_start3A_59 : memref<64x128xf32, #tpu.memory_space<hbm>>) target(%dma_start3A_57 : memref<64x128xf32, #tpu.memory_space<vmem>>) target_semaphore(%arg10 : memref<!tpu.dma_semaphore, #tpu.memory_space<semaphore_mem>>)
    %slice3A_60 = vector.extract_strided_slice %get3A_3 {offsets = [3], sizes = [1], strides = [1]} : vector<16xi32> to vector<1xi32>
    %squeeze3A_61 = vector.extract %slice3A_60[0] : i32 from vector<1xi32>
    %shift_right_arithmetic3A_62 = arith.constant 7 : i32
    %shift_right_arithmetic3A_63 = arith.shrsi %squeeze3A_61, %shift_right_arithmetic3A_62 : i32
    %mul3A_64 = arith.constant 128 : i32
    %mul3A_65 = arith.muli %shift_right_arithmetic3A_63, %mul3A_64 : i32
    %multiple_of3A_66 = tpu.assume_multiple %mul3A_65, 128 : i32
    %dma_start3A_67 = arith.constant 3 : i32
    %dma_start3A_68 = arith.constant 0 : i32
    %dma_start3A_69 = arith.constant 0 : i32
    %dma_start3A_70 = tpu.memref_slice %arg6[%dma_start3A_67, %dma_start3A_68, %dma_start3A_69] : memref<8x64x128xf32, #tpu.memory_space<vmem>> -> memref<1x64x128xf32, #tpu.memory_space<vmem>>
    %dma_start3A_71 = tpu.memref_squeeze %dma_start3A_70 : memref<1x64x128xf32, #tpu.memory_space<vmem>> -> memref<64x128xf32, #tpu.memory_space<vmem>>
    %dma_start3A_72 = arith.constant 0 : i32
    %dma_start3A_73 = tpu.memref_slice %arg2[%dma_start3A_72, %multiple_of3A_66] : memref<64x1000000xf32, #tpu.memory_space<hbm>> -> memref<64x128xf32, #tpu.memory_space<hbm>>
    %dma_start3A_74 = arith.constant 0 : i32
    %dma_start3A_75 = arith.constant 0 : i32
    %dma_start3A_76 = tpu.memref_slice %arg6[%dma_start3A_67, %dma_start3A_74, %dma_start3A_75] : memref<8x64x128xf32, #tpu.memory_space<vmem>> -> memref<1x64x128xf32, #tpu.memory_space<vmem>>
    %dma_start3A_77 = tpu.memref_squeeze %dma_start3A_76 : memref<1x64x128xf32, #tpu.memory_space<vmem>> -> memref<64x128xf32, #tpu.memory_space<vmem>>
    %dma_start3A_78 = arith.constant 0 : i32
    %dma_start3A_79 = tpu.memref_slice %arg2[%dma_start3A_78, %multiple_of3A_66] : memref<64x1000000xf32, #tpu.memory_space<hbm>> -> memref<64x128xf32, #tpu.memory_space<hbm>>
    tpu.enqueue_dma source(%dma_start3A_79 : memref<64x128xf32, #tpu.memory_space<hbm>>) target(%dma_start3A_77 : memref<64x128xf32, #tpu.memory_space<vmem>>) target_semaphore(%arg11 : memref<!tpu.dma_semaphore, #tpu.memory_space<semaphore_mem>>)
    %slice3A_80 = vector.extract_strided_slice %get3A_3 {offsets = [4], sizes = [1], strides = [1]} : vector<16xi32> to vector<1xi32>
    %squeeze3A_81 = vector.extract %slice3A_80[0] : i32 from vector<1xi32>
    %shift_right_arithmetic3A_82 = arith.constant 7 : i32
    %shift_right_arithmetic3A_83 = arith.shrsi %squeeze3A_81, %shift_right_arithmetic3A_82 : i32
    %mul3A_84 = arith.constant 128 : i32
    %mul3A_85 = arith.muli %shift_right_arithmetic3A_83, %mul3A_84 : i32
    %multiple_of3A_86 = tpu.assume_multiple %mul3A_85, 128 : i32
    %dma_start3A_87 = arith.constant 4 : i32
    %dma_start3A_88 = arith.constant 0 : i32
    %dma_start3A_89 = arith.constant 0 : i32
    %dma_start3A_90 = tpu.memref_slice %arg6[%dma_start3A_87, %dma_start3A_88, %dma_start3A_89] : memref<8x64x128xf32, #tpu.memory_space<vmem>> -> memref<1x64x128xf32, #tpu.memory_space<vmem>>
    %dma_start3A_91 = tpu.memref_squeeze %dma_start3A_90 : memref<1x64x128xf32, #tpu.memory_space<vmem>> -> memref<64x128xf32, #tpu.memory_space<vmem>>
    %dma_start3A_92 = arith.constant 0 : i32
    %dma_start3A_93 = tpu.memref_slice %arg2[%dma_start3A_92, %multiple_of3A_86] : memref<64x1000000xf32, #tpu.memory_space<hbm>> -> memref<64x128xf32, #tpu.memory_space<hbm>>
    %dma_start3A_94 = arith.constant 0 : i32
    %dma_start3A_95 = arith.constant 0 : i32
    %dma_start3A_96 = tpu.memref_slice %arg6[%dma_start3A_87, %dma_start3A_94, %dma_start3A_95] : memref<8x64x128xf32, #tpu.memory_space<vmem>> -> memref<1x64x128xf32, #tpu.memory_space<vmem>>
    %dma_start3A_97 = tpu.memref_squeeze %dma_start3A_96 : memref<1x64x128xf32, #tpu.memory_space<vmem>> -> memref<64x128xf32, #tpu.memory_space<vmem>>
    %dma_start3A_98 = arith.constant 0 : i32
    %dma_start3A_99 = tpu.memref_slice %arg2[%dma_start3A_98, %multiple_of3A_86] : memref<64x1000000xf32, #tpu.memory_space<hbm>> -> memref<64x128xf32, #tpu.memory_space<hbm>>
    tpu.enqueue_dma source(%dma_start3A_99 : memref<64x128xf32, #tpu.memory_space<hbm>>) target(%dma_start3A_97 : memref<64x128xf32, #tpu.memory_space<vmem>>) target_semaphore(%arg12 : memref<!tpu.dma_semaphore, #tpu.memory_space<semaphore_mem>>)
    %slice3A_100 = vector.extract_strided_slice %get3A_3 {offsets = [5], sizes = [1], strides = [1]} : vector<16xi32> to vector<1xi32>
    %squeeze3A_101 = vector.extract %slice3A_100[0] : i32 from vector<1xi32>
    %shift_right_arithmetic3A_102 = arith.constant 7 : i32
    %shift_right_arithmetic3A_103 = arith.shrsi %squeeze3A_101, %shift_right_arithmetic3A_102 : i32
    %mul3A_104 = arith.constant 128 : i32
    %mul3A_105 = arith.muli %shift_right_arithmetic3A_103, %mul3A_104 : i32
    %multiple_of3A_106 = tpu.assume_multiple %mul3A_105, 128 : i32
    %dma_start3A_107 = arith.constant 5 : i32
    %dma_start3A_108 = arith.constant 0 : i32
    %dma_start3A_109 = arith.constant 0 : i32
    %dma_start3A_110 = tpu.memref_slice %arg6[%dma_start3A_107, %dma_start3A_108, %dma_start3A_109] : memref<8x64x128xf32, #tpu.memory_space<vmem>> -> memref<1x64x128xf32, #tpu.memory_space<vmem>>
    %dma_start3A_111 = tpu.memref_squeeze %dma_start3A_110 : memref<1x64x128xf32, #tpu.memory_space<vmem>> -> memref<64x128xf32, #tpu.memory_space<vmem>>
    %dma_start3A_112 = arith.constant 0 : i32
    %dma_start3A_113 = tpu.memref_slice %arg2[%dma_start3A_112, %multiple_of3A_106] : memref<64x1000000xf32, #tpu.memory_space<hbm>> -> memref<64x128xf32, #tpu.memory_space<hbm>>
    %dma_start3A_114 = arith.constant 0 : i32
    %dma_start3A_115 = arith.constant 0 : i32
    %dma_start3A_116 = tpu.memref_slice %arg6[%dma_start3A_107, %dma_start3A_114, %dma_start3A_115] : memref<8x64x128xf32, #tpu.memory_space<vmem>> -> memref<1x64x128xf32, #tpu.memory_space<vmem>>
    %dma_start3A_117 = tpu.memref_squeeze %dma_start3A_116 : memref<1x64x128xf32, #tpu.memory_space<vmem>> -> memref<64x128xf32, #tpu.memory_space<vmem>>
    %dma_start3A_118 = arith.constant 0 : i32
    %dma_start3A_119 = tpu.memref_slice %arg2[%dma_start3A_118, %multiple_of3A_106] : memref<64x1000000xf32, #tpu.memory_space<hbm>> -> memref<64x128xf32, #tpu.memory_space<hbm>>
    tpu.enqueue_dma source(%dma_start3A_119 : memref<64x128xf32, #tpu.memory_space<hbm>>) target(%dma_start3A_117 : memref<64x128xf32, #tpu.memory_space<vmem>>) target_semaphore(%arg13 : memref<!tpu.dma_semaphore, #tpu.memory_space<semaphore_mem>>)
    %slice3A_120 = vector.extract_strided_slice %get3A_3 {offsets = [6], sizes = [1], strides = [1]} : vector<16xi32> to vector<1xi32>
    %squeeze3A_121 = vector.extract %slice3A_120[0] : i32 from vector<1xi32>
    %shift_right_arithmetic3A_122 = arith.constant 7 : i32
    %shift_right_arithmetic3A_123 = arith.shrsi %squeeze3A_121, %shift_right_arithmetic3A_122 : i32
    %mul3A_124 = arith.constant 128 : i32
    %mul3A_125 = arith.muli %shift_right_arithmetic3A_123, %mul3A_124 : i32
    %multiple_of3A_126 = tpu.assume_multiple %mul3A_125, 128 : i32
    %dma_start3A_127 = arith.constant 6 : i32
    %dma_start3A_128 = arith.constant 0 : i32
    %dma_start3A_129 = arith.constant 0 : i32
    %dma_start3A_130 = tpu.memref_slice %arg6[%dma_start3A_127, %dma_start3A_128, %dma_start3A_129] : memref<8x64x128xf32, #tpu.memory_space<vmem>> -> memref<1x64x128xf32, #tpu.memory_space<vmem>>
    %dma_start3A_131 = tpu.memref_squeeze %dma_start3A_130 : memref<1x64x128xf32, #tpu.memory_space<vmem>> -> memref<64x128xf32, #tpu.memory_space<vmem>>
    %dma_start3A_132 = arith.constant 0 : i32
    %dma_start3A_133 = tpu.memref_slice %arg2[%dma_start3A_132, %multiple_of3A_126] : memref<64x1000000xf32, #tpu.memory_space<hbm>> -> memref<64x128xf32, #tpu.memory_space<hbm>>
    %dma_start3A_134 = arith.constant 0 : i32
    %dma_start3A_135 = arith.constant 0 : i32
    %dma_start3A_136 = tpu.memref_slice %arg6[%dma_start3A_127, %dma_start3A_134, %dma_start3A_135] : memref<8x64x128xf32, #tpu.memory_space<vmem>> -> memref<1x64x128xf32, #tpu.memory_space<vmem>>
    %dma_start3A_137 = tpu.memref_squeeze %dma_start3A_136 : memref<1x64x128xf32, #tpu.memory_space<vmem>> -> memref<64x128xf32, #tpu.memory_space<vmem>>
    %dma_start3A_138 = arith.constant 0 : i32
    %dma_start3A_139 = tpu.memref_slice %arg2[%dma_start3A_138, %multiple_of3A_126] : memref<64x1000000xf32, #tpu.memory_space<hbm>> -> memref<64x128xf32, #tpu.memory_space<hbm>>
    tpu.enqueue_dma source(%dma_start3A_139 : memref<64x128xf32, #tpu.memory_space<hbm>>) target(%dma_start3A_137 : memref<64x128xf32, #tpu.memory_space<vmem>>) target_semaphore(%arg14 : memref<!tpu.dma_semaphore, #tpu.memory_space<semaphore_mem>>)
    %slice3A_140 = vector.extract_strided_slice %get3A_3 {offsets = [7], sizes = [1], strides = [1]} : vector<16xi32> to vector<1xi32>
    %squeeze3A_141 = vector.extract %slice3A_140[0] : i32 from vector<1xi32>
    %shift_right_arithmetic3A_142 = arith.constant 7 : i32
    %shift_right_arithmetic3A_143 = arith.shrsi %squeeze3A_141, %shift_right_arithmetic3A_142 : i32
    %mul3A_144 = arith.constant 128 : i32
    %mul3A_145 = arith.muli %shift_right_arithmetic3A_143, %mul3A_144 : i32
    %multiple_of3A_146 = tpu.assume_multiple %mul3A_145, 128 : i32
    %dma_start3A_147 = arith.constant 7 : i32
    %dma_start3A_148 = arith.constant 0 : i32
    %dma_start3A_149 = arith.constant 0 : i32
    %dma_start3A_150 = tpu.memref_slice %arg6[%dma_start3A_147, %dma_start3A_148, %dma_start3A_149] : memref<8x64x128xf32, #tpu.memory_space<vmem>> -> memref<1x64x128xf32, #tpu.memory_space<vmem>>
    %dma_start3A_151 = tpu.memref_squeeze %dma_start3A_150 : memref<1x64x128xf32, #tpu.memory_space<vmem>> -> memref<64x128xf32, #tpu.memory_space<vmem>>
    %dma_start3A_152 = arith.constant 0 : i32
    %dma_start3A_153 = tpu.memref_slice %arg2[%dma_start3A_152, %multiple_of3A_146] : memref<64x1000000xf32, #tpu.memory_space<hbm>> -> memref<64x128xf32, #tpu.memory_space<hbm>>
    %dma_start3A_154 = arith.constant 0 : i32
    %dma_start3A_155 = arith.constant 0 : i32
    %dma_start3A_156 = tpu.memref_slice %arg6[%dma_start3A_147, %dma_start3A_154, %dma_start3A_155] : memref<8x64x128xf32, #tpu.memory_space<vmem>> -> memref<1x64x128xf32, #tpu.memory_space<vmem>>
    %dma_start3A_157 = tpu.memref_squeeze %dma_start3A_156 : memref<1x64x128xf32, #tpu.memory_space<vmem>> -> memref<64x128xf32, #tpu.memory_space<vmem>>
    %dma_start3A_158 = arith.constant 0 : i32
    %dma_start3A_159 = tpu.memref_slice %arg2[%dma_start3A_158, %multiple_of3A_146] : memref<64x1000000xf32, #tpu.memory_space<hbm>> -> memref<64x128xf32, #tpu.memory_space<hbm>>
    tpu.enqueue_dma source(%dma_start3A_159 : memref<64x128xf32, #tpu.memory_space<hbm>>) target(%dma_start3A_157 : memref<64x128xf32, #tpu.memory_space<vmem>>) target_semaphore(%arg15 : memref<!tpu.dma_semaphore, #tpu.memory_space<semaphore_mem>>)
    %scan3A = arith.constant 0 : i32
    %scan3A_160 = arith.constant 0 : i32
    %scan3A_161 = arith.constant 32 : i32
    %scan3A_162 = arith.addi %scan3A_160, %scan3A_161 : i32
    %scan3A_163 = arith.constant 1 : i32
    %scan3A_164 = scf.for %scan3A_285 = %scan3A_160 to %scan3A_162 step %scan3A_163 iter_args(%scan3A_286 = %scan3A) -> (i32)  : i32 {
      %mul3A_287 = arith.constant 16 : i32
      %mul3A_288 = arith.muli %scan3A_285, %mul3A_287 : i32
      %get3A_289 = arith.index_cast %mul3A_288 : i32 to index
      %get3A_290 = tpu.vector_load %arg5[%get3A_289] {strides = array<i32>} : memref<512xi32, #tpu.memory_space<vmem>>, vector<16xi32>,
      %add3A_291 = arith.constant 1 : i32
      %add3A_292 = arith.addi %scan3A_285, %add3A_291 : i32
      %min3A = arith.constant 31 : i32
      %min3A_293 = arith.minsi %add3A_292, %min3A : i32
      %mul3A_294 = arith.constant 16 : i32
      %mul3A_295 = arith.muli %min3A_293, %mul3A_294 : i32
      %get3A_296 = arith.index_cast %mul3A_295 : i32 to index
      %get3A_297 = tpu.vector_load %arg5[%get3A_296] {strides = array<i32>} : memref<512xi32, #tpu.memory_space<vmem>>, vector<16xi32>,
      %slice3A_298 = vector.extract_strided_slice %get3A_290 {offsets = [0], sizes = [1], strides = [1]} : vector<16xi32> to vector<1xi32>
      %squeeze3A_299 = vector.extract %slice3A_298[0] : i32 from vector<1xi32>
      %slice3A_300 = vector.extract_strided_slice %get3A_290 {offsets = [1], sizes = [1], strides = [1]} : vector<16xi32> to vector<1xi32>
      %squeeze3A_301 = vector.extract %slice3A_300[0] : i32 from vector<1xi32>
      %slice3A_302 = vector.extract_strided_slice %get3A_290 {offsets = [2], sizes = [1], strides = [1]} : vector<16xi32> to vector<1xi32>
      %squeeze3A_303 = vector.extract %slice3A_302[0] : i32 from vector<1xi32>
      %slice3A_304 = vector.extract_strided_slice %get3A_290 {offsets = [3], sizes = [1], strides = [1]} : vector<16xi32> to vector<1xi32>
      %squeeze3A_305 = vector.extract %slice3A_304[0] : i32 from vector<1xi32>
      %slice3A_306 = vector.extract_strided_slice %get3A_290 {offsets = [4], sizes = [1], strides = [1]} : vector<16xi32> to vector<1xi32>
      %squeeze3A_307 = vector.extract %slice3A_306[0] : i32 from vector<1xi32>
      %slice3A_308 = vector.extract_strided_slice %get3A_290 {offsets = [5], sizes = [1], strides = [1]} : vector<16xi32> to vector<1xi32>
      %squeeze3A_309 = vector.extract %slice3A_308[0] : i32 from vector<1xi32>
      %slice3A_310 = vector.extract_strided_slice %get3A_290 {offsets = [6], sizes = [1], strides = [1]} : vector<16xi32> to vector<1xi32>
      %squeeze3A_311 = vector.extract %slice3A_310[0] : i32 from vector<1xi32>
      %slice3A_312 = vector.extract_strided_slice %get3A_290 {offsets = [7], sizes = [1], strides = [1]} : vector<16xi32> to vector<1xi32>
      %squeeze3A_313 = vector.extract %slice3A_312[0] : i32 from vector<1xi32>
      %slice3A_314 = vector.extract_strided_slice %get3A_290 {offsets = [8], sizes = [1], strides = [1]} : vector<16xi32> to vector<1xi32>
      %squeeze3A_315 = vector.extract %slice3A_314[0] : i32 from vector<1xi32>
      %slice3A_316 = vector.extract_strided_slice %get3A_290 {offsets = [9], sizes = [1], strides = [1]} : vector<16xi32> to vector<1xi32>
      %squeeze3A_317 = vector.extract %slice3A_316[0] : i32 from vector<1xi32>
      %slice3A_318 = vector.extract_strided_slice %get3A_290 {offsets = [10], sizes = [1], strides = [1]} : vector<16xi32> to vector<1xi32>
      %squeeze3A_319 = vector.extract %slice3A_318[0] : i32 from vector<1xi32>
      %slice3A_320 = vector.extract_strided_slice %get3A_290 {offsets = [11], sizes = [1], strides = [1]} : vector<16xi32> to vector<1xi32>
      %squeeze3A_321 = vector.extract %slice3A_320[0] : i32 from vector<1xi32>
      %slice3A_322 = vector.extract_strided_slice %get3A_290 {offsets = [12], sizes = [1], strides = [1]} : vector<16xi32> to vector<1xi32>
      %squeeze3A_323 = vector.extract %slice3A_322[0] : i32 from vector<1xi32>
      %slice3A_324 = vector.extract_strided_slice %get3A_290 {offsets = [13], sizes = [1], strides = [1]} : vector<16xi32> to vector<1xi32>
      %squeeze3A_325 = vector.extract %slice3A_324[0] : i32 from vector<1xi32>
      %slice3A_326 = vector.extract_strided_slice %get3A_290 {offsets = [14], sizes = [1], strides = [1]} : vector<16xi32> to vector<1xi32>
      %squeeze3A_327 = vector.extract %slice3A_326[0] : i32 from vector<1xi32>
      %slice3A_328 = vector.extract_strided_slice %get3A_290 {offsets = [15], sizes = [1], strides = [1]} : vector<16xi32> to vector<1xi32>
      %squeeze3A_329 = vector.extract %slice3A_328[0] : i32 from vector<1xi32>
      %slice3A_330 = vector.extract_strided_slice %get3A_297 {offsets = [0], sizes = [1], strides = [1]} : vector<16xi32> to vector<1xi32>
      %squeeze3A_331 = vector.extract %slice3A_330[0] : i32 from vector<1xi32>
      %slice3A_332 = vector.extract_strided_slice %get3A_297 {offsets = [1], sizes = [1], strides = [1]} : vector<16xi32> to vector<1xi32>
      %squeeze3A_333 = vector.extract %slice3A_332[0] : i32 from vector<1xi32>
      %slice3A_334 = vector.extract_strided_slice %get3A_297 {offsets = [2], sizes = [1], strides = [1]} : vector<16xi32> to vector<1xi32>
      %squeeze3A_335 = vector.extract %slice3A_334[0] : i32 from vector<1xi32>
      %slice3A_336 = vector.extract_strided_slice %get3A_297 {offsets = [3], sizes = [1], strides = [1]} : vector<16xi32> to vector<1xi32>
      %squeeze3A_337 = vector.extract %slice3A_336[0] : i32 from vector<1xi32>
      %slice3A_338 = vector.extract_strided_slice %get3A_297 {offsets = [4], sizes = [1], strides = [1]} : vector<16xi32> to vector<1xi32>
      %squeeze3A_339 = vector.extract %slice3A_338[0] : i32 from vector<1xi32>
      %slice3A_340 = vector.extract_strided_slice %get3A_297 {offsets = [5], sizes = [1], strides = [1]} : vector<16xi32> to vector<1xi32>
      %squeeze3A_341 = vector.extract %slice3A_340[0] : i32 from vector<1xi32>
      %slice3A_342 = vector.extract_strided_slice %get3A_297 {offsets = [6], sizes = [1], strides = [1]} : vector<16xi32> to vector<1xi32>
      %squeeze3A_343 = vector.extract %slice3A_342[0] : i32 from vector<1xi32>
      %slice3A_344 = vector.extract_strided_slice %get3A_297 {offsets = [7], sizes = [1], strides = [1]} : vector<16xi32> to vector<1xi32>
      %squeeze3A_345 = vector.extract %slice3A_344[0] : i32 from vector<1xi32>
      %slice3A_346 = vector.extract_strided_slice %get3A_297 {offsets = [8], sizes = [1], strides = [1]} : vector<16xi32> to vector<1xi32>
      %squeeze3A_347 = vector.extract %slice3A_346[0] : i32 from vector<1xi32>
      %slice3A_348 = vector.extract_strided_slice %get3A_297 {offsets = [9], sizes = [1], strides = [1]} : vector<16xi32> to vector<1xi32>
      %squeeze3A_349 = vector.extract %slice3A_348[0] : i32 from vector<1xi32>
      %slice3A_350 = vector.extract_strided_slice %get3A_297 {offsets = [10], sizes = [1], strides = [1]} : vector<16xi32> to vector<1xi32>
      %squeeze3A_351 = vector.extract %slice3A_350[0] : i32 from vector<1xi32>
      %slice3A_352 = vector.extract_strided_slice %get3A_297 {offsets = [11], sizes = [1], strides = [1]} : vector<16xi32> to vector<1xi32>
      %squeeze3A_353 = vector.extract %slice3A_352[0] : i32 from vector<1xi32>
      %slice3A_354 = vector.extract_strided_slice %get3A_297 {offsets = [12], sizes = [1], strides = [1]} : vector<16xi32> to vector<1xi32>
      %squeeze3A_355 = vector.extract %slice3A_354[0] : i32 from vector<1xi32>
      %slice3A_356 = vector.extract_strided_slice %get3A_297 {offsets = [13], sizes = [1], strides = [1]} : vector<16xi32> to vector<1xi32>
      %squeeze3A_357 = vector.extract %slice3A_356[0] : i32 from vector<1xi32>
      %slice3A_358 = vector.extract_strided_slice %get3A_297 {offsets = [14], sizes = [1], strides = [1]} : vector<16xi32> to vector<1xi32>
      %squeeze3A_359 = vector.extract %slice3A_358[0] : i32 from vector<1xi32>
      %slice3A_360 = vector.extract_strided_slice %get3A_297 {offsets = [15], sizes = [1], strides = [1]} : vector<16xi32> to vector<1xi32>
      %squeeze3A_361 = vector.extract %slice3A_360[0] : i32 from vector<1xi32>
      %dma_wait3A_362 = arith.constant 0 : i32
      %dma_wait3A_363 = arith.constant 0 : i32
      %dma_wait3A_364 = arith.constant 0 : i32
      %dma_wait3A_365 = tpu.memref_slice %arg6[%dma_wait3A_362, %dma_wait3A_363, %dma_wait3A_364] : memref<8x64x128xf32, #tpu.memory_space<vmem>> -> memref<1x64x128xf32, #tpu.memory_space<vmem>>
      %dma_wait3A_366 = tpu.memref_squeeze %dma_wait3A_365 : memref<1x64x128xf32, #tpu.memory_space<vmem>> -> memref<64x128xf32, #tpu.memory_space<vmem>>
      %dma_wait3A_367 = arith.constant 0 : i32
      %dma_wait3A_368 = arith.constant 0 : i32
      %dma_wait3A_369 = tpu.memref_slice %arg2[%dma_wait3A_367, %dma_wait3A_368] : memref<64x1000000xf32, #tpu.memory_space<hbm>> -> memref<64x128xf32, #tpu.memory_space<hbm>>
      %dma_wait3A_370 = arith.constant 0 : i32
      %dma_wait3A_371 = arith.constant 0 : i32
      %dma_wait3A_372 = tpu.memref_slice %arg6[%dma_wait3A_362, %dma_wait3A_370, %dma_wait3A_371] : memref<8x64x128xf32, #tpu.memory_space<vmem>> -> memref<1x64x128xf32, #tpu.memory_space<vmem>>
      %dma_wait3A_373 = tpu.memref_squeeze %dma_wait3A_372 : memref<1x64x128xf32, #tpu.memory_space<vmem>> -> memref<64x128xf32, #tpu.memory_space<vmem>>
      %dma_wait3A_374 = arith.constant 0 : i32
      %dma_wait3A_375 = arith.constant 0 : i32
      %dma_wait3A_376 = tpu.memref_slice %arg2[%dma_wait3A_374, %dma_wait3A_375] : memref<64x1000000xf32, #tpu.memory_space<hbm>> -> memref<64x128xf32, #tpu.memory_space<hbm>>
      tpu.wait_dma2 semaphore(%arg8 : memref<!tpu.dma_semaphore, #tpu.memory_space<semaphore_mem>>) src(%dma_wait3A_376 : memref<64x128xf32, #tpu.memory_space<hbm>>) dst(%dma_wait3A_373 : memref<64x128xf32, #tpu.memory_space<vmem>>)
      %and3A = arith.constant 127 : i32
      %and3A_377 = arith.andi %squeeze3A_299, %and3A : i32
      %broadcast_in_dim3A = vector.broadcast %and3A_377 : i32 to vector<16xi32>
      %mul3A_378 = arith.constant 16 : i32
      %mul3A_379 = arith.muli %scan3A_285, %mul3A_378 : i32
      %add3A_380 = arith.constant 0 : i32
      %add3A_381 = arith.addi %mul3A_379, %add3A_380 : i32
      %broadcast_in_dim3A_382 = vector.broadcast %add3A_381 : i32 to vector<16xi32>
      %add3A_383 = arith.constant 0 : i32
      %add3A_384 = vector.broadcast %add3A_383 : i32 to vector<16xi32>
      %add3A_385 = arith.addi %iota3A, %add3A_384 : vector<16xi32>
      %gather3A = arith.constant 0 : i32
      %gather3A_386 = arith.constant 0 : i32
      %gather3A_387 = arith.constant 0 : i32
      %gather3A_388 = tpu.memref_slice %arg6[%gather3A, %gather3A_386, %gather3A_387] : memref<8x64x128xf32, #tpu.memory_space<vmem>> -> memref<1x64x128xf32, #tpu.memory_space<vmem>>
      %gather3A_389 = tpu.memref_squeeze %gather3A_388 : memref<1x64x128xf32, #tpu.memory_space<vmem>> -> memref<64x128xf32, #tpu.memory_space<vmem>>
      %gather3A_390 = tpu.vector_load_idx %gather3A_389[%add3A_385, %broadcast_in_dim3A] : memref<64x128xf32, #tpu.memory_space<vmem>>[vector<16xi32>, vector<16xi32>], vector<16xf32>,
      tpu.vector_store_idx %arg7[%add3A_385, %broadcast_in_dim3A_382], %gather3A_390 : memref<64x512xf32, #tpu.memory_space<vmem>>[vector<16xi32>, vector<16xi32>], vector<16xf32>,
      %add3A_391 = arith.constant 16 : i32
      %add3A_392 = vector.broadcast %add3A_391 : i32 to vector<16xi32>
      %add3A_393 = arith.addi %iota3A, %add3A_392 : vector<16xi32>
      %gather3A_394 = arith.constant 0 : i32
      %gather3A_395 = arith.constant 0 : i32
      %gather3A_396 = arith.constant 0 : i32
      %gather3A_397 = tpu.memref_slice %arg6[%gather3A_394, %gather3A_395, %gather3A_396] : memref<8x64x128xf32, #tpu.memory_space<vmem>> -> memref<1x64x128xf32, #tpu.memory_space<vmem>>
      %gather3A_398 = tpu.memref_squeeze %gather3A_397 : memref<1x64x128xf32, #tpu.memory_space<vmem>> -> memref<64x128xf32, #tpu.memory_space<vmem>>
      %gather3A_399 = tpu.vector_load_idx %gather3A_398[%add3A_393, %broadcast_in_dim3A] : memref<64x128xf32, #tpu.memory_space<vmem>>[vector<16xi32>, vector<16xi32>], vector<16xf32>,
      tpu.vector_store_idx %arg7[%add3A_393, %broadcast_in_dim3A_382], %gather3A_399 : memref<64x512xf32, #tpu.memory_space<vmem>>[vector<16xi32>, vector<16xi32>], vector<16xf32>,
      %add3A_400 = arith.constant 32 : i32
      %add3A_401 = vector.broadcast %add3A_400 : i32 to vector<16xi32>
      %add3A_402 = arith.addi %iota3A, %add3A_401 : vector<16xi32>
      %gather3A_403 = arith.constant 0 : i32
      %gather3A_404 = arith.constant 0 : i32
      %gather3A_405 = arith.constant 0 : i32
      %gather3A_406 = tpu.memref_slice %arg6[%gather3A_403, %gather3A_404, %gather3A_405] : memref<8x64x128xf32, #tpu.memory_space<vmem>> -> memref<1x64x128xf32, #tpu.memory_space<vmem>>
      %gather3A_407 = tpu.memref_squeeze %gather3A_406 : memref<1x64x128xf32, #tpu.memory_space<vmem>> -> memref<64x128xf32, #tpu.memory_space<vmem>>
      %gather3A_408 = tpu.vector_load_idx %gather3A_407[%add3A_402, %broadcast_in_dim3A] : memref<64x128xf32, #tpu.memory_space<vmem>>[vector<16xi32>, vector<16xi32>], vector<16xf32>,
      tpu.vector_store_idx %arg7[%add3A_402, %broadcast_in_dim3A_382], %gather3A_408 : memref<64x512xf32, #tpu.memory_space<vmem>>[vector<16xi32>, vector<16xi32>], vector<16xf32>,
      %add3A_409 = arith.constant 48 : i32
      %add3A_410 = vector.broadcast %add3A_409 : i32 to vector<16xi32>
      %add3A_411 = arith.addi %iota3A, %add3A_410 : vector<16xi32>
      %gather3A_412 = arith.constant 0 : i32
      %gather3A_413 = arith.constant 0 : i32
      %gather3A_414 = arith.constant 0 : i32
      %gather3A_415 = tpu.memref_slice %arg6[%gather3A_412, %gather3A_413, %gather3A_414] : memref<8x64x128xf32, #tpu.memory_space<vmem>> -> memref<1x64x128xf32, #tpu.memory_space<vmem>>
      %gather3A_416 = tpu.memref_squeeze %gather3A_415 : memref<1x64x128xf32, #tpu.memory_space<vmem>> -> memref<64x128xf32, #tpu.memory_space<vmem>>
      %gather3A_417 = tpu.vector_load_idx %gather3A_416[%add3A_411, %broadcast_in_dim3A] : memref<64x128xf32, #tpu.memory_space<vmem>>[vector<16xi32>, vector<16xi32>], vector<16xf32>,
      tpu.vector_store_idx %arg7[%add3A_411, %broadcast_in_dim3A_382], %gather3A_417 : memref<64x512xf32, #tpu.memory_space<vmem>>[vector<16xi32>, vector<16xi32>], vector<16xf32>,
      %shift_right_arithmetic3A_418 = arith.constant 7 : i32
      %shift_right_arithmetic3A_419 = arith.shrsi %squeeze3A_315, %shift_right_arithmetic3A_418 : i32
      %mul3A_420 = arith.constant 128 : i32
      %mul3A_421 = arith.muli %shift_right_arithmetic3A_419, %mul3A_420 : i32
      %multiple_of3A_422 = tpu.assume_multiple %mul3A_421, 128 : i32
      %dma_start3A_423 = arith.constant 0 : i32
      %dma_start3A_424 = arith.constant 0 : i32
      %dma_start3A_425 = arith.constant 0 : i32
      %dma_start3A_426 = tpu.memref_slice %arg6[%dma_start3A_423, %dma_start3A_424, %dma_start3A_425] : memref<8x64x128xf32, #tpu.memory_space<vmem>> -> memref<1x64x128xf32, #tpu.memory_space<vmem>>
      %dma_start3A_427 = tpu.memref_squeeze %dma_start3A_426 : memref<1x64x128xf32, #tpu.memory_space<vmem>> -> memref<64x128xf32, #tpu.memory_space<vmem>>
      %dma_start3A_428 = arith.constant 0 : i32
      %dma_start3A_429 = tpu.memref_slice %arg2[%dma_start3A_428, %multiple_of3A_422] : memref<64x1000000xf32, #tpu.memory_space<hbm>> -> memref<64x128xf32, #tpu.memory_space<hbm>>
      %dma_start3A_430 = arith.constant 0 : i32
      %dma_start3A_431 = arith.constant 0 : i32
      %dma_start3A_432 = tpu.memref_slice %arg6[%dma_start3A_423, %dma_start3A_430, %dma_start3A_431] : memref<8x64x128xf32, #tpu.memory_space<vmem>> -> memref<1x64x128xf32, #tpu.memory_space<vmem>>
      %dma_start3A_433 = tpu.memref_squeeze %dma_start3A_432 : memref<1x64x128xf32, #tpu.memory_space<vmem>> -> memref<64x128xf32, #tpu.memory_space<vmem>>
      %dma_start3A_434 = arith.constant 0 : i32
      %dma_start3A_435 = tpu.memref_slice %arg2[%dma_start3A_434, %multiple_of3A_422] : memref<64x1000000xf32, #tpu.memory_space<hbm>> -> memref<64x128xf32, #tpu.memory_space<hbm>>
      tpu.enqueue_dma source(%dma_start3A_435 : memref<64x128xf32, #tpu.memory_space<hbm>>) target(%dma_start3A_433 : memref<64x128xf32, #tpu.memory_space<vmem>>) target_semaphore(%arg8 : memref<!tpu.dma_semaphore, #tpu.memory_space<semaphore_mem>>)
      %dma_wait3A_436 = arith.constant 1 : i32
      %dma_wait3A_437 = arith.constant 0 : i32
      %dma_wait3A_438 = arith.constant 0 : i32
      %dma_wait3A_439 = tpu.memref_slice %arg6[%dma_wait3A_436, %dma_wait3A_437, %dma_wait3A_438] : memref<8x64x128xf32, #tpu.memory_space<vmem>> -> memref<1x64x128xf32, #tpu.memory_space<vmem>>
      %dma_wait3A_440 = tpu.memref_squeeze %dma_wait3A_439 : memref<1x64x128xf32, #tpu.memory_space<vmem>> -> memref<64x128xf32, #tpu.memory_space<vmem>>
      %dma_wait3A_441 = arith.constant 0 : i32
      %dma_wait3A_442 = arith.constant 0 : i32
      %dma_wait3A_443 = tpu.memref_slice %arg2[%dma_wait3A_441, %dma_wait3A_442] : memref<64x1000000xf32, #tpu.memory_space<hbm>> -> memref<64x128xf32, #tpu.memory_space<hbm>>
      %dma_wait3A_444 = arith.constant 0 : i32
      %dma_wait3A_445 = arith.constant 0 : i32
      %dma_wait3A_446 = tpu.memref_slice %arg6[%dma_wait3A_436, %dma_wait3A_444, %dma_wait3A_445] : memref<8x64x128xf32, #tpu.memory_space<vmem>> -> memref<1x64x128xf32, #tpu.memory_space<vmem>>
      %dma_wait3A_447 = tpu.memref_squeeze %dma_wait3A_446 : memref<1x64x128xf32, #tpu.memory_space<vmem>> -> memref<64x128xf32, #tpu.memory_space<vmem>>
      %dma_wait3A_448 = arith.constant 0 : i32
      %dma_wait3A_449 = arith.constant 0 : i32
      %dma_wait3A_450 = tpu.memref_slice %arg2[%dma_wait3A_448, %dma_wait3A_449] : memref<64x1000000xf32, #tpu.memory_space<hbm>> -> memref<64x128xf32, #tpu.memory_space<hbm>>
      tpu.wait_dma2 semaphore(%arg9 : memref<!tpu.dma_semaphore, #tpu.memory_space<semaphore_mem>>) src(%dma_wait3A_450 : memref<64x128xf32, #tpu.memory_space<hbm>>) dst(%dma_wait3A_447 : memref<64x128xf32, #tpu.memory_space<vmem>>)
      %and3A_451 = arith.constant 127 : i32
      %and3A_452 = arith.andi %squeeze3A_301, %and3A_451 : i32
      %broadcast_in_dim3A_453 = vector.broadcast %and3A_452 : i32 to vector<16xi32>
      %mul3A_454 = arith.constant 16 : i32
      %mul3A_455 = arith.muli %scan3A_285, %mul3A_454 : i32
      %add3A_456 = arith.constant 1 : i32
      %add3A_457 = arith.addi %mul3A_455, %add3A_456 : i32
      %broadcast_in_dim3A_458 = vector.broadcast %add3A_457 : i32 to vector<16xi32>
      %add3A_459 = arith.constant 0 : i32
      %add3A_460 = vector.broadcast %add3A_459 : i32 to vector<16xi32>
      %add3A_461 = arith.addi %iota3A, %add3A_460 : vector<16xi32>
      %gather3A_462 = arith.constant 1 : i32
      %gather3A_463 = arith.constant 0 : i32
      %gather3A_464 = arith.constant 0 : i32
      %gather3A_465 = tpu.memref_slice %arg6[%gather3A_462, %gather3A_463, %gather3A_464] : memref<8x64x128xf32, #tpu.memory_space<vmem>> -> memref<1x64x128xf32, #tpu.memory_space<vmem>>
      %gather3A_466 = tpu.memref_squeeze %gather3A_465 : memref<1x64x128xf32, #tpu.memory_space<vmem>> -> memref<64x128xf32, #tpu.memory_space<vmem>>
      %gather3A_467 = tpu.vector_load_idx %gather3A_466[%add3A_461, %broadcast_in_dim3A_453] : memref<64x128xf32, #tpu.memory_space<vmem>>[vector<16xi32>, vector<16xi32>], vector<16xf32>,
      tpu.vector_store_idx %arg7[%add3A_461, %broadcast_in_dim3A_458], %gather3A_467 : memref<64x512xf32, #tpu.memory_space<vmem>>[vector<16xi32>, vector<16xi32>], vector<16xf32>,
      %add3A_468 = arith.constant 16 : i32
      %add3A_469 = vector.broadcast %add3A_468 : i32 to vector<16xi32>
      %add3A_470 = arith.addi %iota3A, %add3A_469 : vector<16xi32>
      %gather3A_471 = arith.constant 1 : i32
      %gather3A_472 = arith.constant 0 : i32
      %gather3A_473 = arith.constant 0 : i32
      %gather3A_474 = tpu.memref_slice %arg6[%gather3A_471, %gather3A_472, %gather3A_473] : memref<8x64x128xf32, #tpu.memory_space<vmem>> -> memref<1x64x128xf32, #tpu.memory_space<vmem>>
      %gather3A_475 = tpu.memref_squeeze %gather3A_474 : memref<1x64x128xf32, #tpu.memory_space<vmem>> -> memref<64x128xf32, #tpu.memory_space<vmem>>
      %gather3A_476 = tpu.vector_load_idx %gather3A_475[%add3A_470, %broadcast_in_dim3A_453] : memref<64x128xf32, #tpu.memory_space<vmem>>[vector<16xi32>, vector<16xi32>], vector<16xf32>,
      tpu.vector_store_idx %arg7[%add3A_470, %broadcast_in_dim3A_458], %gather3A_476 : memref<64x512xf32, #tpu.memory_space<vmem>>[vector<16xi32>, vector<16xi32>], vector<16xf32>,
      %add3A_477 = arith.constant 32 : i32
      %add3A_478 = vector.broadcast %add3A_477 : i32 to vector<16xi32>
      %add3A_479 = arith.addi %iota3A, %add3A_478 : vector<16xi32>
      %gather3A_480 = arith.constant 1 : i32
      %gather3A_481 = arith.constant 0 : i32
      %gather3A_482 = arith.constant 0 : i32
      %gather3A_483 = tpu.memref_slice %arg6[%gather3A_480, %gather3A_481, %gather3A_482] : memref<8x64x128xf32, #tpu.memory_space<vmem>> -> memref<1x64x128xf32, #tpu.memory_space<vmem>>
      %gather3A_484 = tpu.memref_squeeze %gather3A_483 : memref<1x64x128xf32, #tpu.memory_space<vmem>> -> memref<64x128xf32, #tpu.memory_space<vmem>>
      %gather3A_485 = tpu.vector_load_idx %gather3A_484[%add3A_479, %broadcast_in_dim3A_453] : memref<64x128xf32, #tpu.memory_space<vmem>>[vector<16xi32>, vector<16xi32>], vector<16xf32>,
      tpu.vector_store_idx %arg7[%add3A_479, %broadcast_in_dim3A_458], %gather3A_485 : memref<64x512xf32, #tpu.memory_space<vmem>>[vector<16xi32>, vector<16xi32>], vector<16xf32>,
      %add3A_486 = arith.constant 48 : i32
      %add3A_487 = vector.broadcast %add3A_486 : i32 to vector<16xi32>
      %add3A_488 = arith.addi %iota3A, %add3A_487 : vector<16xi32>
      %gather3A_489 = arith.constant 1 : i32
      %gather3A_490 = arith.constant 0 : i32
      %gather3A_491 = arith.constant 0 : i32
      %gather3A_492 = tpu.memref_slice %arg6[%gather3A_489, %gather3A_490, %gather3A_491] : memref<8x64x128xf32, #tpu.memory_space<vmem>> -> memref<1x64x128xf32, #tpu.memory_space<vmem>>
      %gather3A_493 = tpu.memref_squeeze %gather3A_492 : memref<1x64x128xf32, #tpu.memory_space<vmem>> -> memref<64x128xf32, #tpu.memory_space<vmem>>
      %gather3A_494 = tpu.vector_load_idx %gather3A_493[%add3A_488, %broadcast_in_dim3A_453] : memref<64x128xf32, #tpu.memory_space<vmem>>[vector<16xi32>, vector<16xi32>], vector<16xf32>,
      tpu.vector_store_idx %arg7[%add3A_488, %broadcast_in_dim3A_458], %gather3A_494 : memref<64x512xf32, #tpu.memory_space<vmem>>[vector<16xi32>, vector<16xi32>], vector<16xf32>,
      %shift_right_arithmetic3A_495 = arith.constant 7 : i32
      %shift_right_arithmetic3A_496 = arith.shrsi %squeeze3A_317, %shift_right_arithmetic3A_495 : i32
      %mul3A_497 = arith.constant 128 : i32
      %mul3A_498 = arith.muli %shift_right_arithmetic3A_496, %mul3A_497 : i32
      %multiple_of3A_499 = tpu.assume_multiple %mul3A_498, 128 : i32
      %dma_start3A_500 = arith.constant 1 : i32
      %dma_start3A_501 = arith.constant 0 : i32
      %dma_start3A_502 = arith.constant 0 : i32
      %dma_start3A_503 = tpu.memref_slice %arg6[%dma_start3A_500, %dma_start3A_501, %dma_start3A_502] : memref<8x64x128xf32, #tpu.memory_space<vmem>> -> memref<1x64x128xf32, #tpu.memory_space<vmem>>
      %dma_start3A_504 = tpu.memref_squeeze %dma_start3A_503 : memref<1x64x128xf32, #tpu.memory_space<vmem>> -> memref<64x128xf32, #tpu.memory_space<vmem>>
      %dma_start3A_505 = arith.constant 0 : i32
      %dma_start3A_506 = tpu.memref_slice %arg2[%dma_start3A_505, %multiple_of3A_499] : memref<64x1000000xf32, #tpu.memory_space<hbm>> -> memref<64x128xf32, #tpu.memory_space<hbm>>
      %dma_start3A_507 = arith.constant 0 : i32
      %dma_start3A_508 = arith.constant 0 : i32
      %dma_start3A_509 = tpu.memref_slice %arg6[%dma_start3A_500, %dma_start3A_507, %dma_start3A_508] : memref<8x64x128xf32, #tpu.memory_space<vmem>> -> memref<1x64x128xf32, #tpu.memory_space<vmem>>
      %dma_start3A_510 = tpu.memref_squeeze %dma_start3A_509 : memref<1x64x128xf32, #tpu.memory_space<vmem>> -> memref<64x128xf32, #tpu.memory_space<vmem>>
      %dma_start3A_511 = arith.constant 0 : i32
      %dma_start3A_512 = tpu.memref_slice %arg2[%dma_start3A_511, %multiple_of3A_499] : memref<64x1000000xf32, #tpu.memory_space<hbm>> -> memref<64x128xf32, #tpu.memory_space<hbm>>
      tpu.enqueue_dma source(%dma_start3A_512 : memref<64x128xf32, #tpu.memory_space<hbm>>) target(%dma_start3A_510 : memref<64x128xf32, #tpu.memory_space<vmem>>) target_semaphore(%arg9 : memref<!tpu.dma_semaphore, #tpu.memory_space<semaphore_mem>>)
      %dma_wait3A_513 = arith.constant 2 : i32
      %dma_wait3A_514 = arith.constant 0 : i32
      %dma_wait3A_515 = arith.constant 0 : i32
      %dma_wait3A_516 = tpu.memref_slice %arg6[%dma_wait3A_513, %dma_wait3A_514, %dma_wait3A_515] : memref<8x64x128xf32, #tpu.memory_space<vmem>> -> memref<1x64x128xf32, #tpu.memory_space<vmem>>
      %dma_wait3A_517 = tpu.memref_squeeze %dma_wait3A_516 : memref<1x64x128xf32, #tpu.memory_space<vmem>> -> memref<64x128xf32, #tpu.memory_space<vmem>>
      %dma_wait3A_518 = arith.constant 0 : i32
      %dma_wait3A_519 = arith.constant 0 : i32
      %dma_wait3A_520 = tpu.memref_slice %arg2[%dma_wait3A_518, %dma_wait3A_519] : memref<64x1000000xf32, #tpu.memory_space<hbm>> -> memref<64x128xf32, #tpu.memory_space<hbm>>
      %dma_wait3A_521 = arith.constant 0 : i32
      %dma_wait3A_522 = arith.constant 0 : i32
      %dma_wait3A_523 = tpu.memref_slice %arg6[%dma_wait3A_513, %dma_wait3A_521, %dma_wait3A_522] : memref<8x64x128xf32, #tpu.memory_space<vmem>> -> memref<1x64x128xf32, #tpu.memory_space<vmem>>
      %dma_wait3A_524 = tpu.memref_squeeze %dma_wait3A_523 : memref<1x64x128xf32, #tpu.memory_space<vmem>> -> memref<64x128xf32, #tpu.memory_space<vmem>>
      %dma_wait3A_525 = arith.constant 0 : i32
      %dma_wait3A_526 = arith.constant 0 : i32
      %dma_wait3A_527 = tpu.memref_slice %arg2[%dma_wait3A_525, %dma_wait3A_526] : memref<64x1000000xf32, #tpu.memory_space<hbm>> -> memref<64x128xf32, #tpu.memory_space<hbm>>
      tpu.wait_dma2 semaphore(%arg10 : memref<!tpu.dma_semaphore, #tpu.memory_space<semaphore_mem>>) src(%dma_wait3A_527 : memref<64x128xf32, #tpu.memory_space<hbm>>) dst(%dma_wait3A_524 : memref<64x128xf32, #tpu.memory_space<vmem>>)
      %and3A_528 = arith.constant 127 : i32
      %and3A_529 = arith.andi %squeeze3A_303, %and3A_528 : i32
      %broadcast_in_dim3A_530 = vector.broadcast %and3A_529 : i32 to vector<16xi32>
      %mul3A_531 = arith.constant 16 : i32
      %mul3A_532 = arith.muli %scan3A_285, %mul3A_531 : i32
      %add3A_533 = arith.constant 2 : i32
      %add3A_534 = arith.addi %mul3A_532, %add3A_533 : i32
      %broadcast_in_dim3A_535 = vector.broadcast %add3A_534 : i32 to vector<16xi32>
      %add3A_536 = arith.constant 0 : i32
      %add3A_537 = vector.broadcast %add3A_536 : i32 to vector<16xi32>
      %add3A_538 = arith.addi %iota3A, %add3A_537 : vector<16xi32>
      %gather3A_539 = arith.constant 2 : i32
      %gather3A_540 = arith.constant 0 : i32
      %gather3A_541 = arith.constant 0 : i32
      %gather3A_542 = tpu.memref_slice %arg6[%gather3A_539, %gather3A_540, %gather3A_541] : memref<8x64x128xf32, #tpu.memory_space<vmem>> -> memref<1x64x128xf32, #tpu.memory_space<vmem>>
      %gather3A_543 = tpu.memref_squeeze %gather3A_542 : memref<1x64x128xf32, #tpu.memory_space<vmem>> -> memref<64x128xf32, #tpu.memory_space<vmem>>
      %gather3A_544 = tpu.vector_load_idx %gather3A_543[%add3A_538, %broadcast_in_dim3A_530] : memref<64x128xf32, #tpu.memory_space<vmem>>[vector<16xi32>, vector<16xi32>], vector<16xf32>,
      tpu.vector_store_idx %arg7[%add3A_538, %broadcast_in_dim3A_535], %gather3A_544 : memref<64x512xf32, #tpu.memory_space<vmem>>[vector<16xi32>, vector<16xi32>], vector<16xf32>,
      %add3A_545 = arith.constant 16 : i32
      %add3A_546 = vector.broadcast %add3A_545 : i32 to vector<16xi32>
      %add3A_547 = arith.addi %iota3A, %add3A_546 : vector<16xi32>
      %gather3A_548 = arith.constant 2 : i32
      %gather3A_549 = arith.constant 0 : i32
      %gather3A_550 = arith.constant 0 : i32
      %gather3A_551 = tpu.memref_slice %arg6[%gather3A_548, %gather3A_549, %gather3A_550] : memref<8x64x128xf32, #tpu.memory_space<vmem>> -> memref<1x64x128xf32, #tpu.memory_space<vmem>>
      %gather3A_552 = tpu.memref_squeeze %gather3A_551 : memref<1x64x128xf32, #tpu.memory_space<vmem>> -> memref<64x128xf32, #tpu.memory_space<vmem>>
      %gather3A_553 = tpu.vector_load_idx %gather3A_552[%add3A_547, %broadcast_in_dim3A_530] : memref<64x128xf32, #tpu.memory_space<vmem>>[vector<16xi32>, vector<16xi32>], vector<16xf32>,
      tpu.vector_store_idx %arg7[%add3A_547, %broadcast_in_dim3A_535], %gather3A_553 : memref<64x512xf32, #tpu.memory_space<vmem>>[vector<16xi32>, vector<16xi32>], vector<16xf32>,
      %add3A_554 = arith.constant 32 : i32
      %add3A_555 = vector.broadcast %add3A_554 : i32 to vector<16xi32>
      %add3A_556 = arith.addi %iota3A, %add3A_555 : vector<16xi32>
      %gather3A_557 = arith.constant 2 : i32
      %gather3A_558 = arith.constant 0 : i32
      %gather3A_559 = arith.constant 0 : i32
      %gather3A_560 = tpu.memref_slice %arg6[%gather3A_557, %gather3A_558, %gather3A_559] : memref<8x64x128xf32, #tpu.memory_space<vmem>> -> memref<1x64x128xf32, #tpu.memory_space<vmem>>
      %gather3A_561 = tpu.memref_squeeze %gather3A_560 : memref<1x64x128xf32, #tpu.memory_space<vmem>> -> memref<64x128xf32, #tpu.memory_space<vmem>>
      %gather3A_562 = tpu.vector_load_idx %gather3A_561[%add3A_556, %broadcast_in_dim3A_530] : memref<64x128xf32, #tpu.memory_space<vmem>>[vector<16xi32>, vector<16xi32>], vector<16xf32>,
      tpu.vector_store_idx %arg7[%add3A_556, %broadcast_in_dim3A_535], %gather3A_562 : memref<64x512xf32, #tpu.memory_space<vmem>>[vector<16xi32>, vector<16xi32>], vector<16xf32>,
      %add3A_563 = arith.constant 48 : i32
      %add3A_564 = vector.broadcast %add3A_563 : i32 to vector<16xi32>
      %add3A_565 = arith.addi %iota3A, %add3A_564 : vector<16xi32>
      %gather3A_566 = arith.constant 2 : i32
      %gather3A_567 = arith.constant 0 : i32
      %gather3A_568 = arith.constant 0 : i32
      %gather3A_569 = tpu.memref_slice %arg6[%gather3A_566, %gather3A_567, %gather3A_568] : memref<8x64x128xf32, #tpu.memory_space<vmem>> -> memref<1x64x128xf32, #tpu.memory_space<vmem>>
      %gather3A_570 = tpu.memref_squeeze %gather3A_569 : memref<1x64x128xf32, #tpu.memory_space<vmem>> -> memref<64x128xf32, #tpu.memory_space<vmem>>
      %gather3A_571 = tpu.vector_load_idx %gather3A_570[%add3A_565, %broadcast_in_dim3A_530] : memref<64x128xf32, #tpu.memory_space<vmem>>[vector<16xi32>, vector<16xi32>], vector<16xf32>,
      tpu.vector_store_idx %arg7[%add3A_565, %broadcast_in_dim3A_535], %gather3A_571 : memref<64x512xf32, #tpu.memory_space<vmem>>[vector<16xi32>, vector<16xi32>], vector<16xf32>,
      %shift_right_arithmetic3A_572 = arith.constant 7 : i32
      %shift_right_arithmetic3A_573 = arith.shrsi %squeeze3A_319, %shift_right_arithmetic3A_572 : i32
      %mul3A_574 = arith.constant 128 : i32
      %mul3A_575 = arith.muli %shift_right_arithmetic3A_573, %mul3A_574 : i32
      %multiple_of3A_576 = tpu.assume_multiple %mul3A_575, 128 : i32
      %dma_start3A_577 = arith.constant 2 : i32
      %dma_start3A_578 = arith.constant 0 : i32
      %dma_start3A_579 = arith.constant 0 : i32
      %dma_start3A_580 = tpu.memref_slice %arg6[%dma_start3A_577, %dma_start3A_578, %dma_start3A_579] : memref<8x64x128xf32, #tpu.memory_space<vmem>> -> memref<1x64x128xf32, #tpu.memory_space<vmem>>
      %dma_start3A_581 = tpu.memref_squeeze %dma_start3A_580 : memref<1x64x128xf32, #tpu.memory_space<vmem>> -> memref<64x128xf32, #tpu.memory_space<vmem>>
      %dma_start3A_582 = arith.constant 0 : i32
      %dma_start3A_583 = tpu.memref_slice %arg2[%dma_start3A_582, %multiple_of3A_576] : memref<64x1000000xf32, #tpu.memory_space<hbm>> -> memref<64x128xf32, #tpu.memory_space<hbm>>
      %dma_start3A_584 = arith.constant 0 : i32
      %dma_start3A_585 = arith.constant 0 : i32
      %dma_start3A_586 = tpu.memref_slice %arg6[%dma_start3A_577, %dma_start3A_584, %dma_start3A_585] : memref<8x64x128xf32, #tpu.memory_space<vmem>> -> memref<1x64x128xf32, #tpu.memory_space<vmem>>
      %dma_start3A_587 = tpu.memref_squeeze %dma_start3A_586 : memref<1x64x128xf32, #tpu.memory_space<vmem>> -> memref<64x128xf32, #tpu.memory_space<vmem>>
      %dma_start3A_588 = arith.constant 0 : i32
      %dma_start3A_589 = tpu.memref_slice %arg2[%dma_start3A_588, %multiple_of3A_576] : memref<64x1000000xf32, #tpu.memory_space<hbm>> -> memref<64x128xf32, #tpu.memory_space<hbm>>
      tpu.enqueue_dma source(%dma_start3A_589 : memref<64x128xf32, #tpu.memory_space<hbm>>) target(%dma_start3A_587 : memref<64x128xf32, #tpu.memory_space<vmem>>) target_semaphore(%arg10 : memref<!tpu.dma_semaphore, #tpu.memory_space<semaphore_mem>>)
      %dma_wait3A_590 = arith.constant 3 : i32
      %dma_wait3A_591 = arith.constant 0 : i32
      %dma_wait3A_592 = arith.constant 0 : i32
      %dma_wait3A_593 = tpu.memref_slice %arg6[%dma_wait3A_590, %dma_wait3A_591, %dma_wait3A_592] : memref<8x64x128xf32, #tpu.memory_space<vmem>> -> memref<1x64x128xf32, #tpu.memory_space<vmem>>
      %dma_wait3A_594 = tpu.memref_squeeze %dma_wait3A_593 : memref<1x64x128xf32, #tpu.memory_space<vmem>> -> memref<64x128xf32, #tpu.memory_space<vmem>>
      %dma_wait3A_595 = arith.constant 0 : i32
      %dma_wait3A_596 = arith.constant 0 : i32
      %dma_wait3A_597 = tpu.memref_slice %arg2[%dma_wait3A_595, %dma_wait3A_596] : memref<64x1000000xf32, #tpu.memory_space<hbm>> -> memref<64x128xf32, #tpu.memory_space<hbm>>
      %dma_wait3A_598 = arith.constant 0 : i32
      %dma_wait3A_599 = arith.constant 0 : i32
      %dma_wait3A_600 = tpu.memref_slice %arg6[%dma_wait3A_590, %dma_wait3A_598, %dma_wait3A_599] : memref<8x64x128xf32, #tpu.memory_space<vmem>> -> memref<1x64x128xf32, #tpu.memory_space<vmem>>
      %dma_wait3A_601 = tpu.memref_squeeze %dma_wait3A_600 : memref<1x64x128xf32, #tpu.memory_space<vmem>> -> memref<64x128xf32, #tpu.memory_space<vmem>>
      %dma_wait3A_602 = arith.constant 0 : i32
      %dma_wait3A_603 = arith.constant 0 : i32
      %dma_wait3A_604 = tpu.memref_slice %arg2[%dma_wait3A_602, %dma_wait3A_603] : memref<64x1000000xf32, #tpu.memory_space<hbm>> -> memref<64x128xf32, #tpu.memory_space<hbm>>
      tpu.wait_dma2 semaphore(%arg11 : memref<!tpu.dma_semaphore, #tpu.memory_space<semaphore_mem>>) src(%dma_wait3A_604 : memref<64x128xf32, #tpu.memory_space<hbm>>) dst(%dma_wait3A_601 : memref<64x128xf32, #tpu.memory_space<vmem>>)
      %and3A_605 = arith.constant 127 : i32
      %and3A_606 = arith.andi %squeeze3A_305, %and3A_605 : i32
      %broadcast_in_dim3A_607 = vector.broadcast %and3A_606 : i32 to vector<16xi32>
      %mul3A_608 = arith.constant 16 : i32
      %mul3A_609 = arith.muli %scan3A_285, %mul3A_608 : i32
      %add3A_610 = arith.constant 3 : i32
      %add3A_611 = arith.addi %mul3A_609, %add3A_610 : i32
      %broadcast_in_dim3A_612 = vector.broadcast %add3A_611 : i32 to vector<16xi32>
      %add3A_613 = arith.constant 0 : i32
      %add3A_614 = vector.broadcast %add3A_613 : i32 to vector<16xi32>
      %add3A_615 = arith.addi %iota3A, %add3A_614 : vector<16xi32>
      %gather3A_616 = arith.constant 3 : i32
      %gather3A_617 = arith.constant 0 : i32
      %gather3A_618 = arith.constant 0 : i32
      %gather3A_619 = tpu.memref_slice %arg6[%gather3A_616, %gather3A_617, %gather3A_618] : memref<8x64x128xf32, #tpu.memory_space<vmem>> -> memref<1x64x128xf32, #tpu.memory_space<vmem>>
      %gather3A_620 = tpu.memref_squeeze %gather3A_619 : memref<1x64x128xf32, #tpu.memory_space<vmem>> -> memref<64x128xf32, #tpu.memory_space<vmem>>
      %gather3A_621 = tpu.vector_load_idx %gather3A_620[%add3A_615, %broadcast_in_dim3A_607] : memref<64x128xf32, #tpu.memory_space<vmem>>[vector<16xi32>, vector<16xi32>], vector<16xf32>,
      tpu.vector_store_idx %arg7[%add3A_615, %broadcast_in_dim3A_612], %gather3A_621 : memref<64x512xf32, #tpu.memory_space<vmem>>[vector<16xi32>, vector<16xi32>], vector<16xf32>,
      %add3A_622 = arith.constant 16 : i32
      %add3A_623 = vector.broadcast %add3A_622 : i32 to vector<16xi32>
      %add3A_624 = arith.addi %iota3A, %add3A_623 : vector<16xi32>
      %gather3A_625 = arith.constant 3 : i32
      %gather3A_626 = arith.constant 0 : i32
      %gather3A_627 = arith.constant 0 : i32
      %gather3A_628 = tpu.memref_slice %arg6[%gather3A_625, %gather3A_626, %gather3A_627] : memref<8x64x128xf32, #tpu.memory_space<vmem>> -> memref<1x64x128xf32, #tpu.memory_space<vmem>>
      %gather3A_629 = tpu.memref_squeeze %gather3A_628 : memref<1x64x128xf32, #tpu.memory_space<vmem>> -> memref<64x128xf32, #tpu.memory_space<vmem>>
      %gather3A_630 = tpu.vector_load_idx %gather3A_629[%add3A_624, %broadcast_in_dim3A_607] : memref<64x128xf32, #tpu.memory_space<vmem>>[vector<16xi32>, vector<16xi32>], vector<16xf32>,
      tpu.vector_store_idx %arg7[%add3A_624, %broadcast_in_dim3A_612], %gather3A_630 : memref<64x512xf32, #tpu.memory_space<vmem>>[vector<16xi32>, vector<16xi32>], vector<16xf32>,
      %add3A_631 = arith.constant 32 : i32
      %add3A_632 = vector.broadcast %add3A_631 : i32 to vector<16xi32>
      %add3A_633 = arith.addi %iota3A, %add3A_632 : vector<16xi32>
      %gather3A_634 = arith.constant 3 : i32
      %gather3A_635 = arith.constant 0 : i32
      %gather3A_636 = arith.constant 0 : i32
      %gather3A_637 = tpu.memref_slice %arg6[%gather3A_634, %gather3A_635, %gather3A_636] : memref<8x64x128xf32, #tpu.memory_space<vmem>> -> memref<1x64x128xf32, #tpu.memory_space<vmem>>
      %gather3A_638 = tpu.memref_squeeze %gather3A_637 : memref<1x64x128xf32, #tpu.memory_space<vmem>> -> memref<64x128xf32, #tpu.memory_space<vmem>>
      %gather3A_639 = tpu.vector_load_idx %gather3A_638[%add3A_633, %broadcast_in_dim3A_607] : memref<64x128xf32, #tpu.memory_space<vmem>>[vector<16xi32>, vector<16xi32>], vector<16xf32>,
      tpu.vector_store_idx %arg7[%add3A_633, %broadcast_in_dim3A_612], %gather3A_639 : memref<64x512xf32, #tpu.memory_space<vmem>>[vector<16xi32>, vector<16xi32>], vector<16xf32>,
      %add3A_640 = arith.constant 48 : i32
      %add3A_641 = vector.broadcast %add3A_640 : i32 to vector<16xi32>
      %add3A_642 = arith.addi %iota3A, %add3A_641 : vector<16xi32>
      %gather3A_643 = arith.constant 3 : i32
      %gather3A_644 = arith.constant 0 : i32
      %gather3A_645 = arith.constant 0 : i32
      %gather3A_646 = tpu.memref_slice %arg6[%gather3A_643, %gather3A_644, %gather3A_645] : memref<8x64x128xf32, #tpu.memory_space<vmem>> -> memref<1x64x128xf32, #tpu.memory_space<vmem>>
      %gather3A_647 = tpu.memref_squeeze %gather3A_646 : memref<1x64x128xf32, #tpu.memory_space<vmem>> -> memref<64x128xf32, #tpu.memory_space<vmem>>
      %gather3A_648 = tpu.vector_load_idx %gather3A_647[%add3A_642, %broadcast_in_dim3A_607] : memref<64x128xf32, #tpu.memory_space<vmem>>[vector<16xi32>, vector<16xi32>], vector<16xf32>,
      tpu.vector_store_idx %arg7[%add3A_642, %broadcast_in_dim3A_612], %gather3A_648 : memref<64x512xf32, #tpu.memory_space<vmem>>[vector<16xi32>, vector<16xi32>], vector<16xf32>,
      %shift_right_arithmetic3A_649 = arith.constant 7 : i32
      %shift_right_arithmetic3A_650 = arith.shrsi %squeeze3A_321, %shift_right_arithmetic3A_649 : i32
      %mul3A_651 = arith.constant 128 : i32
      %mul3A_652 = arith.muli %shift_right_arithmetic3A_650, %mul3A_651 : i32
      %multiple_of3A_653 = tpu.assume_multiple %mul3A_652, 128 : i32
      %dma_start3A_654 = arith.constant 3 : i32
      %dma_start3A_655 = arith.constant 0 : i32
      %dma_start3A_656 = arith.constant 0 : i32
      %dma_start3A_657 = tpu.memref_slice %arg6[%dma_start3A_654, %dma_start3A_655, %dma_start3A_656] : memref<8x64x128xf32, #tpu.memory_space<vmem>> -> memref<1x64x128xf32, #tpu.memory_space<vmem>>
      %dma_start3A_658 = tpu.memref_squeeze %dma_start3A_657 : memref<1x64x128xf32, #tpu.memory_space<vmem>> -> memref<64x128xf32, #tpu.memory_space<vmem>>
      %dma_start3A_659 = arith.constant 0 : i32
      %dma_start3A_660 = tpu.memref_slice %arg2[%dma_start3A_659, %multiple_of3A_653] : memref<64x1000000xf32, #tpu.memory_space<hbm>> -> memref<64x128xf32, #tpu.memory_space<hbm>>
      %dma_start3A_661 = arith.constant 0 : i32
      %dma_start3A_662 = arith.constant 0 : i32
      %dma_start3A_663 = tpu.memref_slice %arg6[%dma_start3A_654, %dma_start3A_661, %dma_start3A_662] : memref<8x64x128xf32, #tpu.memory_space<vmem>> -> memref<1x64x128xf32, #tpu.memory_space<vmem>>
      %dma_start3A_664 = tpu.memref_squeeze %dma_start3A_663 : memref<1x64x128xf32, #tpu.memory_space<vmem>> -> memref<64x128xf32, #tpu.memory_space<vmem>>
      %dma_start3A_665 = arith.constant 0 : i32
      %dma_start3A_666 = tpu.memref_slice %arg2[%dma_start3A_665, %multiple_of3A_653] : memref<64x1000000xf32, #tpu.memory_space<hbm>> -> memref<64x128xf32, #tpu.memory_space<hbm>>
      tpu.enqueue_dma source(%dma_start3A_666 : memref<64x128xf32, #tpu.memory_space<hbm>>) target(%dma_start3A_664 : memref<64x128xf32, #tpu.memory_space<vmem>>) target_semaphore(%arg11 : memref<!tpu.dma_semaphore, #tpu.memory_space<semaphore_mem>>)
      %dma_wait3A_667 = arith.constant 4 : i32
      %dma_wait3A_668 = arith.constant 0 : i32
      %dma_wait3A_669 = arith.constant 0 : i32
      %dma_wait3A_670 = tpu.memref_slice %arg6[%dma_wait3A_667, %dma_wait3A_668, %dma_wait3A_669] : memref<8x64x128xf32, #tpu.memory_space<vmem>> -> memref<1x64x128xf32, #tpu.memory_space<vmem>>
      %dma_wait3A_671 = tpu.memref_squeeze %dma_wait3A_670 : memref<1x64x128xf32, #tpu.memory_space<vmem>> -> memref<64x128xf32, #tpu.memory_space<vmem>>
      %dma_wait3A_672 = arith.constant 0 : i32
      %dma_wait3A_673 = arith.constant 0 : i32
      %dma_wait3A_674 = tpu.memref_slice %arg2[%dma_wait3A_672, %dma_wait3A_673] : memref<64x1000000xf32, #tpu.memory_space<hbm>> -> memref<64x128xf32, #tpu.memory_space<hbm>>
      %dma_wait3A_675 = arith.constant 0 : i32
      %dma_wait3A_676 = arith.constant 0 : i32
      %dma_wait3A_677 = tpu.memref_slice %arg6[%dma_wait3A_667, %dma_wait3A_675, %dma_wait3A_676] : memref<8x64x128xf32, #tpu.memory_space<vmem>> -> memref<1x64x128xf32, #tpu.memory_space<vmem>>
      %dma_wait3A_678 = tpu.memref_squeeze %dma_wait3A_677 : memref<1x64x128xf32, #tpu.memory_space<vmem>> -> memref<64x128xf32, #tpu.memory_space<vmem>>
      %dma_wait3A_679 = arith.constant 0 : i32
      %dma_wait3A_680 = arith.constant 0 : i32
      %dma_wait3A_681 = tpu.memref_slice %arg2[%dma_wait3A_679, %dma_wait3A_680] : memref<64x1000000xf32, #tpu.memory_space<hbm>> -> memref<64x128xf32, #tpu.memory_space<hbm>>
      tpu.wait_dma2 semaphore(%arg12 : memref<!tpu.dma_semaphore, #tpu.memory_space<semaphore_mem>>) src(%dma_wait3A_681 : memref<64x128xf32, #tpu.memory_space<hbm>>) dst(%dma_wait3A_678 : memref<64x128xf32, #tpu.memory_space<vmem>>)
      %and3A_682 = arith.constant 127 : i32
      %and3A_683 = arith.andi %squeeze3A_307, %and3A_682 : i32
      %broadcast_in_dim3A_684 = vector.broadcast %and3A_683 : i32 to vector<16xi32>
      %mul3A_685 = arith.constant 16 : i32
      %mul3A_686 = arith.muli %scan3A_285, %mul3A_685 : i32
      %add3A_687 = arith.constant 4 : i32
      %add3A_688 = arith.addi %mul3A_686, %add3A_687 : i32
      %broadcast_in_dim3A_689 = vector.broadcast %add3A_688 : i32 to vector<16xi32>
      %add3A_690 = arith.constant 0 : i32
      %add3A_691 = vector.broadcast %add3A_690 : i32 to vector<16xi32>
      %add3A_692 = arith.addi %iota3A, %add3A_691 : vector<16xi32>
      %gather3A_693 = arith.constant 4 : i32
      %gather3A_694 = arith.constant 0 : i32
      %gather3A_695 = arith.constant 0 : i32
      %gather3A_696 = tpu.memref_slice %arg6[%gather3A_693, %gather3A_694, %gather3A_695] : memref<8x64x128xf32, #tpu.memory_space<vmem>> -> memref<1x64x128xf32, #tpu.memory_space<vmem>>
      %gather3A_697 = tpu.memref_squeeze %gather3A_696 : memref<1x64x128xf32, #tpu.memory_space<vmem>> -> memref<64x128xf32, #tpu.memory_space<vmem>>
      %gather3A_698 = tpu.vector_load_idx %gather3A_697[%add3A_692, %broadcast_in_dim3A_684] : memref<64x128xf32, #tpu.memory_space<vmem>>[vector<16xi32>, vector<16xi32>], vector<16xf32>,
      tpu.vector_store_idx %arg7[%add3A_692, %broadcast_in_dim3A_689], %gather3A_698 : memref<64x512xf32, #tpu.memory_space<vmem>>[vector<16xi32>, vector<16xi32>], vector<16xf32>,
      %add3A_699 = arith.constant 16 : i32
      %add3A_700 = vector.broadcast %add3A_699 : i32 to vector<16xi32>
      %add3A_701 = arith.addi %iota3A, %add3A_700 : vector<16xi32>
      %gather3A_702 = arith.constant 4 : i32
      %gather3A_703 = arith.constant 0 : i32
      %gather3A_704 = arith.constant 0 : i32
      %gather3A_705 = tpu.memref_slice %arg6[%gather3A_702, %gather3A_703, %gather3A_704] : memref<8x64x128xf32, #tpu.memory_space<vmem>> -> memref<1x64x128xf32, #tpu.memory_space<vmem>>
      %gather3A_706 = tpu.memref_squeeze %gather3A_705 : memref<1x64x128xf32, #tpu.memory_space<vmem>> -> memref<64x128xf32, #tpu.memory_space<vmem>>
      %gather3A_707 = tpu.vector_load_idx %gather3A_706[%add3A_701, %broadcast_in_dim3A_684] : memref<64x128xf32, #tpu.memory_space<vmem>>[vector<16xi32>, vector<16xi32>], vector<16xf32>,
      tpu.vector_store_idx %arg7[%add3A_701, %broadcast_in_dim3A_689], %gather3A_707 : memref<64x512xf32, #tpu.memory_space<vmem>>[vector<16xi32>, vector<16xi32>], vector<16xf32>,
      %add3A_708 = arith.constant 32 : i32
      %add3A_709 = vector.broadcast %add3A_708 : i32 to vector<16xi32>
      %add3A_710 = arith.addi %iota3A, %add3A_709 : vector<16xi32>
      %gather3A_711 = arith.constant 4 : i32
      %gather3A_712 = arith.constant 0 : i32
      %gather3A_713 = arith.constant 0 : i32
      %gather3A_714 = tpu.memref_slice %arg6[%gather3A_711, %gather3A_712, %gather3A_713] : memref<8x64x128xf32, #tpu.memory_space<vmem>> -> memref<1x64x128xf32, #tpu.memory_space<vmem>>
      %gather3A_715 = tpu.memref_squeeze %gather3A_714 : memref<1x64x128xf32, #tpu.memory_space<vmem>> -> memref<64x128xf32, #tpu.memory_space<vmem>>
      %gather3A_716 = tpu.vector_load_idx %gather3A_715[%add3A_710, %broadcast_in_dim3A_684] : memref<64x128xf32, #tpu.memory_space<vmem>>[vector<16xi32>, vector<16xi32>], vector<16xf32>,
      tpu.vector_store_idx %arg7[%add3A_710, %broadcast_in_dim3A_689], %gather3A_716 : memref<64x512xf32, #tpu.memory_space<vmem>>[vector<16xi32>, vector<16xi32>], vector<16xf32>,
      %add3A_717 = arith.constant 48 : i32
      %add3A_718 = vector.broadcast %add3A_717 : i32 to vector<16xi32>
      %add3A_719 = arith.addi %iota3A, %add3A_718 : vector<16xi32>
      %gather3A_720 = arith.constant 4 : i32
      %gather3A_721 = arith.constant 0 : i32
      %gather3A_722 = arith.constant 0 : i32
      %gather3A_723 = tpu.memref_slice %arg6[%gather3A_720, %gather3A_721, %gather3A_722] : memref<8x64x128xf32, #tpu.memory_space<vmem>> -> memref<1x64x128xf32, #tpu.memory_space<vmem>>
      %gather3A_724 = tpu.memref_squeeze %gather3A_723 : memref<1x64x128xf32, #tpu.memory_space<vmem>> -> memref<64x128xf32, #tpu.memory_space<vmem>>
      %gather3A_725 = tpu.vector_load_idx %gather3A_724[%add3A_719, %broadcast_in_dim3A_684] : memref<64x128xf32, #tpu.memory_space<vmem>>[vector<16xi32>, vector<16xi32>], vector<16xf32>,
      tpu.vector_store_idx %arg7[%add3A_719, %broadcast_in_dim3A_689], %gather3A_725 : memref<64x512xf32, #tpu.memory_space<vmem>>[vector<16xi32>, vector<16xi32>], vector<16xf32>,
      %shift_right_arithmetic3A_726 = arith.constant 7 : i32
      %shift_right_arithmetic3A_727 = arith.shrsi %squeeze3A_323, %shift_right_arithmetic3A_726 : i32
      %mul3A_728 = arith.constant 128 : i32
      %mul3A_729 = arith.muli %shift_right_arithmetic3A_727, %mul3A_728 : i32
      %multiple_of3A_730 = tpu.assume_multiple %mul3A_729, 128 : i32
      %dma_start3A_731 = arith.constant 4 : i32
      %dma_start3A_732 = arith.constant 0 : i32
      %dma_start3A_733 = arith.constant 0 : i32
      %dma_start3A_734 = tpu.memref_slice %arg6[%dma_start3A_731, %dma_start3A_732, %dma_start3A_733] : memref<8x64x128xf32, #tpu.memory_space<vmem>> -> memref<1x64x128xf32, #tpu.memory_space<vmem>>
      %dma_start3A_735 = tpu.memref_squeeze %dma_start3A_734 : memref<1x64x128xf32, #tpu.memory_space<vmem>> -> memref<64x128xf32, #tpu.memory_space<vmem>>
      %dma_start3A_736 = arith.constant 0 : i32
      %dma_start3A_737 = tpu.memref_slice %arg2[%dma_start3A_736, %multiple_of3A_730] : memref<64x1000000xf32, #tpu.memory_space<hbm>> -> memref<64x128xf32, #tpu.memory_space<hbm>>
      %dma_start3A_738 = arith.constant 0 : i32
      %dma_start3A_739 = arith.constant 0 : i32
      %dma_start3A_740 = tpu.memref_slice %arg6[%dma_start3A_731, %dma_start3A_738, %dma_start3A_739] : memref<8x64x128xf32, #tpu.memory_space<vmem>> -> memref<1x64x128xf32, #tpu.memory_space<vmem>>
      %dma_start3A_741 = tpu.memref_squeeze %dma_start3A_740 : memref<1x64x128xf32, #tpu.memory_space<vmem>> -> memref<64x128xf32, #tpu.memory_space<vmem>>
      %dma_start3A_742 = arith.constant 0 : i32
      %dma_start3A_743 = tpu.memref_slice %arg2[%dma_start3A_742, %multiple_of3A_730] : memref<64x1000000xf32, #tpu.memory_space<hbm>> -> memref<64x128xf32, #tpu.memory_space<hbm>>
      tpu.enqueue_dma source(%dma_start3A_743 : memref<64x128xf32, #tpu.memory_space<hbm>>) target(%dma_start3A_741 : memref<64x128xf32, #tpu.memory_space<vmem>>) target_semaphore(%arg12 : memref<!tpu.dma_semaphore, #tpu.memory_space<semaphore_mem>>)
      %dma_wait3A_744 = arith.constant 5 : i32
      %dma_wait3A_745 = arith.constant 0 : i32
      %dma_wait3A_746 = arith.constant 0 : i32
      %dma_wait3A_747 = tpu.memref_slice %arg6[%dma_wait3A_744, %dma_wait3A_745, %dma_wait3A_746] : memref<8x64x128xf32, #tpu.memory_space<vmem>> -> memref<1x64x128xf32, #tpu.memory_space<vmem>>
      %dma_wait3A_748 = tpu.memref_squeeze %dma_wait3A_747 : memref<1x64x128xf32, #tpu.memory_space<vmem>> -> memref<64x128xf32, #tpu.memory_space<vmem>>
      %dma_wait3A_749 = arith.constant 0 : i32
      %dma_wait3A_750 = arith.constant 0 : i32
      %dma_wait3A_751 = tpu.memref_slice %arg2[%dma_wait3A_749, %dma_wait3A_750] : memref<64x1000000xf32, #tpu.memory_space<hbm>> -> memref<64x128xf32, #tpu.memory_space<hbm>>
      %dma_wait3A_752 = arith.constant 0 : i32
      %dma_wait3A_753 = arith.constant 0 : i32
      %dma_wait3A_754 = tpu.memref_slice %arg6[%dma_wait3A_744, %dma_wait3A_752, %dma_wait3A_753] : memref<8x64x128xf32, #tpu.memory_space<vmem>> -> memref<1x64x128xf32, #tpu.memory_space<vmem>>
      %dma_wait3A_755 = tpu.memref_squeeze %dma_wait3A_754 : memref<1x64x128xf32, #tpu.memory_space<vmem>> -> memref<64x128xf32, #tpu.memory_space<vmem>>
      %dma_wait3A_756 = arith.constant 0 : i32
      %dma_wait3A_757 = arith.constant 0 : i32
      %dma_wait3A_758 = tpu.memref_slice %arg2[%dma_wait3A_756, %dma_wait3A_757] : memref<64x1000000xf32, #tpu.memory_space<hbm>> -> memref<64x128xf32, #tpu.memory_space<hbm>>
      tpu.wait_dma2 semaphore(%arg13 : memref<!tpu.dma_semaphore, #tpu.memory_space<semaphore_mem>>) src(%dma_wait3A_758 : memref<64x128xf32, #tpu.memory_space<hbm>>) dst(%dma_wait3A_755 : memref<64x128xf32, #tpu.memory_space<vmem>>)
      %and3A_759 = arith.constant 127 : i32
      %and3A_760 = arith.andi %squeeze3A_309, %and3A_759 : i32
      %broadcast_in_dim3A_761 = vector.broadcast %and3A_760 : i32 to vector<16xi32>
      %mul3A_762 = arith.constant 16 : i32
      %mul3A_763 = arith.muli %scan3A_285, %mul3A_762 : i32
      %add3A_764 = arith.constant 5 : i32
      %add3A_765 = arith.addi %mul3A_763, %add3A_764 : i32
      %broadcast_in_dim3A_766 = vector.broadcast %add3A_765 : i32 to vector<16xi32>
      %add3A_767 = arith.constant 0 : i32
      %add3A_768 = vector.broadcast %add3A_767 : i32 to vector<16xi32>
      %add3A_769 = arith.addi %iota3A, %add3A_768 : vector<16xi32>
      %gather3A_770 = arith.constant 5 : i32
      %gather3A_771 = arith.constant 0 : i32
      %gather3A_772 = arith.constant 0 : i32
      %gather3A_773 = tpu.memref_slice %arg6[%gather3A_770, %gather3A_771, %gather3A_772] : memref<8x64x128xf32, #tpu.memory_space<vmem>> -> memref<1x64x128xf32, #tpu.memory_space<vmem>>
      %gather3A_774 = tpu.memref_squeeze %gather3A_773 : memref<1x64x128xf32, #tpu.memory_space<vmem>> -> memref<64x128xf32, #tpu.memory_space<vmem>>
      %gather3A_775 = tpu.vector_load_idx %gather3A_774[%add3A_769, %broadcast_in_dim3A_761] : memref<64x128xf32, #tpu.memory_space<vmem>>[vector<16xi32>, vector<16xi32>], vector<16xf32>,
      tpu.vector_store_idx %arg7[%add3A_769, %broadcast_in_dim3A_766], %gather3A_775 : memref<64x512xf32, #tpu.memory_space<vmem>>[vector<16xi32>, vector<16xi32>], vector<16xf32>,
      %add3A_776 = arith.constant 16 : i32
      %add3A_777 = vector.broadcast %add3A_776 : i32 to vector<16xi32>
      %add3A_778 = arith.addi %iota3A, %add3A_777 : vector<16xi32>
      %gather3A_779 = arith.constant 5 : i32
      %gather3A_780 = arith.constant 0 : i32
      %gather3A_781 = arith.constant 0 : i32
      %gather3A_782 = tpu.memref_slice %arg6[%gather3A_779, %gather3A_780, %gather3A_781] : memref<8x64x128xf32, #tpu.memory_space<vmem>> -> memref<1x64x128xf32, #tpu.memory_space<vmem>>
      %gather3A_783 = tpu.memref_squeeze %gather3A_782 : memref<1x64x128xf32, #tpu.memory_space<vmem>> -> memref<64x128xf32, #tpu.memory_space<vmem>>
      %gather3A_784 = tpu.vector_load_idx %gather3A_783[%add3A_778, %broadcast_in_dim3A_761] : memref<64x128xf32, #tpu.memory_space<vmem>>[vector<16xi32>, vector<16xi32>], vector<16xf32>,
      tpu.vector_store_idx %arg7[%add3A_778, %broadcast_in_dim3A_766], %gather3A_784 : memref<64x512xf32, #tpu.memory_space<vmem>>[vector<16xi32>, vector<16xi32>], vector<16xf32>,
      %add3A_785 = arith.constant 32 : i32
      %add3A_786 = vector.broadcast %add3A_785 : i32 to vector<16xi32>
      %add3A_787 = arith.addi %iota3A, %add3A_786 : vector<16xi32>
      %gather3A_788 = arith.constant 5 : i32
      %gather3A_789 = arith.constant 0 : i32
      %gather3A_790 = arith.constant 0 : i32
      %gather3A_791 = tpu.memref_slice %arg6[%gather3A_788, %gather3A_789, %gather3A_790] : memref<8x64x128xf32, #tpu.memory_space<vmem>> -> memref<1x64x128xf32, #tpu.memory_space<vmem>>
      %gather3A_792 = tpu.memref_squeeze %gather3A_791 : memref<1x64x128xf32, #tpu.memory_space<vmem>> -> memref<64x128xf32, #tpu.memory_space<vmem>>
      %gather3A_793 = tpu.vector_load_idx %gather3A_792[%add3A_787, %broadcast_in_dim3A_761] : memref<64x128xf32, #tpu.memory_space<vmem>>[vector<16xi32>, vector<16xi32>], vector<16xf32>,
      tpu.vector_store_idx %arg7[%add3A_787, %broadcast_in_dim3A_766], %gather3A_793 : memref<64x512xf32, #tpu.memory_space<vmem>>[vector<16xi32>, vector<16xi32>], vector<16xf32>,
      %add3A_794 = arith.constant 48 : i32
      %add3A_795 = vector.broadcast %add3A_794 : i32 to vector<16xi32>
      %add3A_796 = arith.addi %iota3A, %add3A_795 : vector<16xi32>
      %gather3A_797 = arith.constant 5 : i32
      %gather3A_798 = arith.constant 0 : i32
      %gather3A_799 = arith.constant 0 : i32
      %gather3A_800 = tpu.memref_slice %arg6[%gather3A_797, %gather3A_798, %gather3A_799] : memref<8x64x128xf32, #tpu.memory_space<vmem>> -> memref<1x64x128xf32, #tpu.memory_space<vmem>>
      %gather3A_801 = tpu.memref_squeeze %gather3A_800 : memref<1x64x128xf32, #tpu.memory_space<vmem>> -> memref<64x128xf32, #tpu.memory_space<vmem>>
      %gather3A_802 = tpu.vector_load_idx %gather3A_801[%add3A_796, %broadcast_in_dim3A_761] : memref<64x128xf32, #tpu.memory_space<vmem>>[vector<16xi32>, vector<16xi32>], vector<16xf32>,
      tpu.vector_store_idx %arg7[%add3A_796, %broadcast_in_dim3A_766], %gather3A_802 : memref<64x512xf32, #tpu.memory_space<vmem>>[vector<16xi32>, vector<16xi32>], vector<16xf32>,
      %shift_right_arithmetic3A_803 = arith.constant 7 : i32
      %shift_right_arithmetic3A_804 = arith.shrsi %squeeze3A_325, %shift_right_arithmetic3A_803 : i32
      %mul3A_805 = arith.constant 128 : i32
      %mul3A_806 = arith.muli %shift_right_arithmetic3A_804, %mul3A_805 : i32
      %multiple_of3A_807 = tpu.assume_multiple %mul3A_806, 128 : i32
      %dma_start3A_808 = arith.constant 5 : i32
      %dma_start3A_809 = arith.constant 0 : i32
      %dma_start3A_810 = arith.constant 0 : i32
      %dma_start3A_811 = tpu.memref_slice %arg6[%dma_start3A_808, %dma_start3A_809, %dma_start3A_810] : memref<8x64x128xf32, #tpu.memory_space<vmem>> -> memref<1x64x128xf32, #tpu.memory_space<vmem>>
      %dma_start3A_812 = tpu.memref_squeeze %dma_start3A_811 : memref<1x64x128xf32, #tpu.memory_space<vmem>> -> memref<64x128xf32, #tpu.memory_space<vmem>>
      %dma_start3A_813 = arith.constant 0 : i32
      %dma_start3A_814 = tpu.memref_slice %arg2[%dma_start3A_813, %multiple_of3A_807] : memref<64x1000000xf32, #tpu.memory_space<hbm>> -> memref<64x128xf32, #tpu.memory_space<hbm>>
      %dma_start3A_815 = arith.constant 0 : i32
      %dma_start3A_816 = arith.constant 0 : i32
      %dma_start3A_817 = tpu.memref_slice %arg6[%dma_start3A_808, %dma_start3A_815, %dma_start3A_816] : memref<8x64x128xf32, #tpu.memory_space<vmem>> -> memref<1x64x128xf32, #tpu.memory_space<vmem>>
      %dma_start3A_818 = tpu.memref_squeeze %dma_start3A_817 : memref<1x64x128xf32, #tpu.memory_space<vmem>> -> memref<64x128xf32, #tpu.memory_space<vmem>>
      %dma_start3A_819 = arith.constant 0 : i32
      %dma_start3A_820 = tpu.memref_slice %arg2[%dma_start3A_819, %multiple_of3A_807] : memref<64x1000000xf32, #tpu.memory_space<hbm>> -> memref<64x128xf32, #tpu.memory_space<hbm>>
      tpu.enqueue_dma source(%dma_start3A_820 : memref<64x128xf32, #tpu.memory_space<hbm>>) target(%dma_start3A_818 : memref<64x128xf32, #tpu.memory_space<vmem>>) target_semaphore(%arg13 : memref<!tpu.dma_semaphore, #tpu.memory_space<semaphore_mem>>)
      %dma_wait3A_821 = arith.constant 6 : i32
      %dma_wait3A_822 = arith.constant 0 : i32
      %dma_wait3A_823 = arith.constant 0 : i32
      %dma_wait3A_824 = tpu.memref_slice %arg6[%dma_wait3A_821, %dma_wait3A_822, %dma_wait3A_823] : memref<8x64x128xf32, #tpu.memory_space<vmem>> -> memref<1x64x128xf32, #tpu.memory_space<vmem>>
      %dma_wait3A_825 = tpu.memref_squeeze %dma_wait3A_824 : memref<1x64x128xf32, #tpu.memory_space<vmem>> -> memref<64x128xf32, #tpu.memory_space<vmem>>
      %dma_wait3A_826 = arith.constant 0 : i32
      %dma_wait3A_827 = arith.constant 0 : i32
      %dma_wait3A_828 = tpu.memref_slice %arg2[%dma_wait3A_826, %dma_wait3A_827] : memref<64x1000000xf32, #tpu.memory_space<hbm>> -> memref<64x128xf32, #tpu.memory_space<hbm>>
      %dma_wait3A_829 = arith.constant 0 : i32
      %dma_wait3A_830 = arith.constant 0 : i32
      %dma_wait3A_831 = tpu.memref_slice %arg6[%dma_wait3A_821, %dma_wait3A_829, %dma_wait3A_830] : memref<8x64x128xf32, #tpu.memory_space<vmem>> -> memref<1x64x128xf32, #tpu.memory_space<vmem>>
      %dma_wait3A_832 = tpu.memref_squeeze %dma_wait3A_831 : memref<1x64x128xf32, #tpu.memory_space<vmem>> -> memref<64x128xf32, #tpu.memory_space<vmem>>
      %dma_wait3A_833 = arith.constant 0 : i32
      %dma_wait3A_834 = arith.constant 0 : i32
      %dma_wait3A_835 = tpu.memref_slice %arg2[%dma_wait3A_833, %dma_wait3A_834] : memref<64x1000000xf32, #tpu.memory_space<hbm>> -> memref<64x128xf32, #tpu.memory_space<hbm>>
      tpu.wait_dma2 semaphore(%arg14 : memref<!tpu.dma_semaphore, #tpu.memory_space<semaphore_mem>>) src(%dma_wait3A_835 : memref<64x128xf32, #tpu.memory_space<hbm>>) dst(%dma_wait3A_832 : memref<64x128xf32, #tpu.memory_space<vmem>>)
      %and3A_836 = arith.constant 127 : i32
      %and3A_837 = arith.andi %squeeze3A_311, %and3A_836 : i32
      %broadcast_in_dim3A_838 = vector.broadcast %and3A_837 : i32 to vector<16xi32>
      %mul3A_839 = arith.constant 16 : i32
      %mul3A_840 = arith.muli %scan3A_285, %mul3A_839 : i32
      %add3A_841 = arith.constant 6 : i32
      %add3A_842 = arith.addi %mul3A_840, %add3A_841 : i32
      %broadcast_in_dim3A_843 = vector.broadcast %add3A_842 : i32 to vector<16xi32>
      %add3A_844 = arith.constant 0 : i32
      %add3A_845 = vector.broadcast %add3A_844 : i32 to vector<16xi32>
      %add3A_846 = arith.addi %iota3A, %add3A_845 : vector<16xi32>
      %gather3A_847 = arith.constant 6 : i32
      %gather3A_848 = arith.constant 0 : i32
      %gather3A_849 = arith.constant 0 : i32
      %gather3A_850 = tpu.memref_slice %arg6[%gather3A_847, %gather3A_848, %gather3A_849] : memref<8x64x128xf32, #tpu.memory_space<vmem>> -> memref<1x64x128xf32, #tpu.memory_space<vmem>>
      %gather3A_851 = tpu.memref_squeeze %gather3A_850 : memref<1x64x128xf32, #tpu.memory_space<vmem>> -> memref<64x128xf32, #tpu.memory_space<vmem>>
      %gather3A_852 = tpu.vector_load_idx %gather3A_851[%add3A_846, %broadcast_in_dim3A_838] : memref<64x128xf32, #tpu.memory_space<vmem>>[vector<16xi32>, vector<16xi32>], vector<16xf32>,
      tpu.vector_store_idx %arg7[%add3A_846, %broadcast_in_dim3A_843], %gather3A_852 : memref<64x512xf32, #tpu.memory_space<vmem>>[vector<16xi32>, vector<16xi32>], vector<16xf32>,
      %add3A_853 = arith.constant 16 : i32
      %add3A_854 = vector.broadcast %add3A_853 : i32 to vector<16xi32>
      %add3A_855 = arith.addi %iota3A, %add3A_854 : vector<16xi32>
      %gather3A_856 = arith.constant 6 : i32
      %gather3A_857 = arith.constant 0 : i32
      %gather3A_858 = arith.constant 0 : i32
      %gather3A_859 = tpu.memref_slice %arg6[%gather3A_856, %gather3A_857, %gather3A_858] : memref<8x64x128xf32, #tpu.memory_space<vmem>> -> memref<1x64x128xf32, #tpu.memory_space<vmem>>
      %gather3A_860 = tpu.memref_squeeze %gather3A_859 : memref<1x64x128xf32, #tpu.memory_space<vmem>> -> memref<64x128xf32, #tpu.memory_space<vmem>>
      %gather3A_861 = tpu.vector_load_idx %gather3A_860[%add3A_855, %broadcast_in_dim3A_838] : memref<64x128xf32, #tpu.memory_space<vmem>>[vector<16xi32>, vector<16xi32>], vector<16xf32>,
      tpu.vector_store_idx %arg7[%add3A_855, %broadcast_in_dim3A_843], %gather3A_861 : memref<64x512xf32, #tpu.memory_space<vmem>>[vector<16xi32>, vector<16xi32>], vector<16xf32>,
      %add3A_862 = arith.constant 32 : i32
      %add3A_863 = vector.broadcast %add3A_862 : i32 to vector<16xi32>
      %add3A_864 = arith.addi %iota3A, %add3A_863 : vector<16xi32>
      %gather3A_865 = arith.constant 6 : i32
      %gather3A_866 = arith.constant 0 : i32
      %gather3A_867 = arith.constant 0 : i32
      %gather3A_868 = tpu.memref_slice %arg6[%gather3A_865, %gather3A_866, %gather3A_867] : memref<8x64x128xf32, #tpu.memory_space<vmem>> -> memref<1x64x128xf32, #tpu.memory_space<vmem>>
      %gather3A_869 = tpu.memref_squeeze %gather3A_868 : memref<1x64x128xf32, #tpu.memory_space<vmem>> -> memref<64x128xf32, #tpu.memory_space<vmem>>
      %gather3A_870 = tpu.vector_load_idx %gather3A_869[%add3A_864, %broadcast_in_dim3A_838] : memref<64x128xf32, #tpu.memory_space<vmem>>[vector<16xi32>, vector<16xi32>], vector<16xf32>,
      tpu.vector_store_idx %arg7[%add3A_864, %broadcast_in_dim3A_843], %gather3A_870 : memref<64x512xf32, #tpu.memory_space<vmem>>[vector<16xi32>, vector<16xi32>], vector<16xf32>,
      %add3A_871 = arith.constant 48 : i32
      %add3A_872 = vector.broadcast %add3A_871 : i32 to vector<16xi32>
      %add3A_873 = arith.addi %iota3A, %add3A_872 : vector<16xi32>
      %gather3A_874 = arith.constant 6 : i32
      %gather3A_875 = arith.constant 0 : i32
      %gather3A_876 = arith.constant 0 : i32
      %gather3A_877 = tpu.memref_slice %arg6[%gather3A_874, %gather3A_875, %gather3A_876] : memref<8x64x128xf32, #tpu.memory_space<vmem>> -> memref<1x64x128xf32, #tpu.memory_space<vmem>>
      %gather3A_878 = tpu.memref_squeeze %gather3A_877 : memref<1x64x128xf32, #tpu.memory_space<vmem>> -> memref<64x128xf32, #tpu.memory_space<vmem>>
      %gather3A_879 = tpu.vector_load_idx %gather3A_878[%add3A_873, %broadcast_in_dim3A_838] : memref<64x128xf32, #tpu.memory_space<vmem>>[vector<16xi32>, vector<16xi32>], vector<16xf32>,
      tpu.vector_store_idx %arg7[%add3A_873, %broadcast_in_dim3A_843], %gather3A_879 : memref<64x512xf32, #tpu.memory_space<vmem>>[vector<16xi32>, vector<16xi32>], vector<16xf32>,
      %shift_right_arithmetic3A_880 = arith.constant 7 : i32
      %shift_right_arithmetic3A_881 = arith.shrsi %squeeze3A_327, %shift_right_arithmetic3A_880 : i32
      %mul3A_882 = arith.constant 128 : i32
      %mul3A_883 = arith.muli %shift_right_arithmetic3A_881, %mul3A_882 : i32
      %multiple_of3A_884 = tpu.assume_multiple %mul3A_883, 128 : i32
      %dma_start3A_885 = arith.constant 6 : i32
      %dma_start3A_886 = arith.constant 0 : i32
      %dma_start3A_887 = arith.constant 0 : i32
      %dma_start3A_888 = tpu.memref_slice %arg6[%dma_start3A_885, %dma_start3A_886, %dma_start3A_887] : memref<8x64x128xf32, #tpu.memory_space<vmem>> -> memref<1x64x128xf32, #tpu.memory_space<vmem>>
      %dma_start3A_889 = tpu.memref_squeeze %dma_start3A_888 : memref<1x64x128xf32, #tpu.memory_space<vmem>> -> memref<64x128xf32, #tpu.memory_space<vmem>>
      %dma_start3A_890 = arith.constant 0 : i32
      %dma_start3A_891 = tpu.memref_slice %arg2[%dma_start3A_890, %multiple_of3A_884] : memref<64x1000000xf32, #tpu.memory_space<hbm>> -> memref<64x128xf32, #tpu.memory_space<hbm>>
      %dma_start3A_892 = arith.constant 0 : i32
      %dma_start3A_893 = arith.constant 0 : i32
      %dma_start3A_894 = tpu.memref_slice %arg6[%dma_start3A_885, %dma_start3A_892, %dma_start3A_893] : memref<8x64x128xf32, #tpu.memory_space<vmem>> -> memref<1x64x128xf32, #tpu.memory_space<vmem>>
      %dma_start3A_895 = tpu.memref_squeeze %dma_start3A_894 : memref<1x64x128xf32, #tpu.memory_space<vmem>> -> memref<64x128xf32, #tpu.memory_space<vmem>>
      %dma_start3A_896 = arith.constant 0 : i32
      %dma_start3A_897 = tpu.memref_slice %arg2[%dma_start3A_896, %multiple_of3A_884] : memref<64x1000000xf32, #tpu.memory_space<hbm>> -> memref<64x128xf32, #tpu.memory_space<hbm>>
      tpu.enqueue_dma source(%dma_start3A_897 : memref<64x128xf32, #tpu.memory_space<hbm>>) target(%dma_start3A_895 : memref<64x128xf32, #tpu.memory_space<vmem>>) target_semaphore(%arg14 : memref<!tpu.dma_semaphore, #tpu.memory_space<semaphore_mem>>)
      %dma_wait3A_898 = arith.constant 7 : i32
      %dma_wait3A_899 = arith.constant 0 : i32
      %dma_wait3A_900 = arith.constant 0 : i32
      %dma_wait3A_901 = tpu.memref_slice %arg6[%dma_wait3A_898, %dma_wait3A_899, %dma_wait3A_900] : memref<8x64x128xf32, #tpu.memory_space<vmem>> -> memref<1x64x128xf32, #tpu.memory_space<vmem>>
      %dma_wait3A_902 = tpu.memref_squeeze %dma_wait3A_901 : memref<1x64x128xf32, #tpu.memory_space<vmem>> -> memref<64x128xf32, #tpu.memory_space<vmem>>
      %dma_wait3A_903 = arith.constant 0 : i32
      %dma_wait3A_904 = arith.constant 0 : i32
      %dma_wait3A_905 = tpu.memref_slice %arg2[%dma_wait3A_903, %dma_wait3A_904] : memref<64x1000000xf32, #tpu.memory_space<hbm>> -> memref<64x128xf32, #tpu.memory_space<hbm>>
      %dma_wait3A_906 = arith.constant 0 : i32
      %dma_wait3A_907 = arith.constant 0 : i32
      %dma_wait3A_908 = tpu.memref_slice %arg6[%dma_wait3A_898, %dma_wait3A_906, %dma_wait3A_907] : memref<8x64x128xf32, #tpu.memory_space<vmem>> -> memref<1x64x128xf32, #tpu.memory_space<vmem>>
      %dma_wait3A_909 = tpu.memref_squeeze %dma_wait3A_908 : memref<1x64x128xf32, #tpu.memory_space<vmem>> -> memref<64x128xf32, #tpu.memory_space<vmem>>
      %dma_wait3A_910 = arith.constant 0 : i32
      %dma_wait3A_911 = arith.constant 0 : i32
      %dma_wait3A_912 = tpu.memref_slice %arg2[%dma_wait3A_910, %dma_wait3A_911] : memref<64x1000000xf32, #tpu.memory_space<hbm>> -> memref<64x128xf32, #tpu.memory_space<hbm>>
      tpu.wait_dma2 semaphore(%arg15 : memref<!tpu.dma_semaphore, #tpu.memory_space<semaphore_mem>>) src(%dma_wait3A_912 : memref<64x128xf32, #tpu.memory_space<hbm>>) dst(%dma_wait3A_909 : memref<64x128xf32, #tpu.memory_space<vmem>>)
      %and3A_913 = arith.constant 127 : i32
      %and3A_914 = arith.andi %squeeze3A_313, %and3A_913 : i32
      %broadcast_in_dim3A_915 = vector.broadcast %and3A_914 : i32 to vector<16xi32>
      %mul3A_916 = arith.constant 16 : i32
      %mul3A_917 = arith.muli %scan3A_285, %mul3A_916 : i32
      %add3A_918 = arith.constant 7 : i32
      %add3A_919 = arith.addi %mul3A_917, %add3A_918 : i32
      %broadcast_in_dim3A_920 = vector.broadcast %add3A_919 : i32 to vector<16xi32>
      %add3A_921 = arith.constant 0 : i32
      %add3A_922 = vector.broadcast %add3A_921 : i32 to vector<16xi32>
      %add3A_923 = arith.addi %iota3A, %add3A_922 : vector<16xi32>
      %gather3A_924 = arith.constant 7 : i32
      %gather3A_925 = arith.constant 0 : i32
      %gather3A_926 = arith.constant 0 : i32
      %gather3A_927 = tpu.memref_slice %arg6[%gather3A_924, %gather3A_925, %gather3A_926] : memref<8x64x128xf32, #tpu.memory_space<vmem>> -> memref<1x64x128xf32, #tpu.memory_space<vmem>>
      %gather3A_928 = tpu.memref_squeeze %gather3A_927 : memref<1x64x128xf32, #tpu.memory_space<vmem>> -> memref<64x128xf32, #tpu.memory_space<vmem>>
      %gather3A_929 = tpu.vector_load_idx %gather3A_928[%add3A_923, %broadcast_in_dim3A_915] : memref<64x128xf32, #tpu.memory_space<vmem>>[vector<16xi32>, vector<16xi32>], vector<16xf32>,
      tpu.vector_store_idx %arg7[%add3A_923, %broadcast_in_dim3A_920], %gather3A_929 : memref<64x512xf32, #tpu.memory_space<vmem>>[vector<16xi32>, vector<16xi32>], vector<16xf32>,
      %add3A_930 = arith.constant 16 : i32
      %add3A_931 = vector.broadcast %add3A_930 : i32 to vector<16xi32>
      %add3A_932 = arith.addi %iota3A, %add3A_931 : vector<16xi32>
      %gather3A_933 = arith.constant 7 : i32
      %gather3A_934 = arith.constant 0 : i32
      %gather3A_935 = arith.constant 0 : i32
      %gather3A_936 = tpu.memref_slice %arg6[%gather3A_933, %gather3A_934, %gather3A_935] : memref<8x64x128xf32, #tpu.memory_space<vmem>> -> memref<1x64x128xf32, #tpu.memory_space<vmem>>
      %gather3A_937 = tpu.memref_squeeze %gather3A_936 : memref<1x64x128xf32, #tpu.memory_space<vmem>> -> memref<64x128xf32, #tpu.memory_space<vmem>>
      %gather3A_938 = tpu.vector_load_idx %gather3A_937[%add3A_932, %broadcast_in_dim3A_915] : memref<64x128xf32, #tpu.memory_space<vmem>>[vector<16xi32>, vector<16xi32>], vector<16xf32>,
      tpu.vector_store_idx %arg7[%add3A_932, %broadcast_in_dim3A_920], %gather3A_938 : memref<64x512xf32, #tpu.memory_space<vmem>>[vector<16xi32>, vector<16xi32>], vector<16xf32>,
      %add3A_939 = arith.constant 32 : i32
      %add3A_940 = vector.broadcast %add3A_939 : i32 to vector<16xi32>
      %add3A_941 = arith.addi %iota3A, %add3A_940 : vector<16xi32>
      %gather3A_942 = arith.constant 7 : i32
      %gather3A_943 = arith.constant 0 : i32
      %gather3A_944 = arith.constant 0 : i32
      %gather3A_945 = tpu.memref_slice %arg6[%gather3A_942, %gather3A_943, %gather3A_944] : memref<8x64x128xf32, #tpu.memory_space<vmem>> -> memref<1x64x128xf32, #tpu.memory_space<vmem>>
      %gather3A_946 = tpu.memref_squeeze %gather3A_945 : memref<1x64x128xf32, #tpu.memory_space<vmem>> -> memref<64x128xf32, #tpu.memory_space<vmem>>
      %gather3A_947 = tpu.vector_load_idx %gather3A_946[%add3A_941, %broadcast_in_dim3A_915] : memref<64x128xf32, #tpu.memory_space<vmem>>[vector<16xi32>, vector<16xi32>], vector<16xf32>,
      tpu.vector_store_idx %arg7[%add3A_941, %broadcast_in_dim3A_920], %gather3A_947 : memref<64x512xf32, #tpu.memory_space<vmem>>[vector<16xi32>, vector<16xi32>], vector<16xf32>,
      %add3A_948 = arith.constant 48 : i32
      %add3A_949 = vector.broadcast %add3A_948 : i32 to vector<16xi32>
      %add3A_950 = arith.addi %iota3A, %add3A_949 : vector<16xi32>
      %gather3A_951 = arith.constant 7 : i32
      %gather3A_952 = arith.constant 0 : i32
      %gather3A_953 = arith.constant 0 : i32
      %gather3A_954 = tpu.memref_slice %arg6[%gather3A_951, %gather3A_952, %gather3A_953] : memref<8x64x128xf32, #tpu.memory_space<vmem>> -> memref<1x64x128xf32, #tpu.memory_space<vmem>>
      %gather3A_955 = tpu.memref_squeeze %gather3A_954 : memref<1x64x128xf32, #tpu.memory_space<vmem>> -> memref<64x128xf32, #tpu.memory_space<vmem>>
      %gather3A_956 = tpu.vector_load_idx %gather3A_955[%add3A_950, %broadcast_in_dim3A_915] : memref<64x128xf32, #tpu.memory_space<vmem>>[vector<16xi32>, vector<16xi32>], vector<16xf32>,
      tpu.vector_store_idx %arg7[%add3A_950, %broadcast_in_dim3A_920], %gather3A_956 : memref<64x512xf32, #tpu.memory_space<vmem>>[vector<16xi32>, vector<16xi32>], vector<16xf32>,
      %shift_right_arithmetic3A_957 = arith.constant 7 : i32
      %shift_right_arithmetic3A_958 = arith.shrsi %squeeze3A_329, %shift_right_arithmetic3A_957 : i32
      %mul3A_959 = arith.constant 128 : i32
      %mul3A_960 = arith.muli %shift_right_arithmetic3A_958, %mul3A_959 : i32
      %multiple_of3A_961 = tpu.assume_multiple %mul3A_960, 128 : i32
      %dma_start3A_962 = arith.constant 7 : i32
      %dma_start3A_963 = arith.constant 0 : i32
      %dma_start3A_964 = arith.constant 0 : i32
      %dma_start3A_965 = tpu.memref_slice %arg6[%dma_start3A_962, %dma_start3A_963, %dma_start3A_964] : memref<8x64x128xf32, #tpu.memory_space<vmem>> -> memref<1x64x128xf32, #tpu.memory_space<vmem>>
      %dma_start3A_966 = tpu.memref_squeeze %dma_start3A_965 : memref<1x64x128xf32, #tpu.memory_space<vmem>> -> memref<64x128xf32, #tpu.memory_space<vmem>>
      %dma_start3A_967 = arith.constant 0 : i32
      %dma_start3A_968 = tpu.memref_slice %arg2[%dma_start3A_967, %multiple_of3A_961] : memref<64x1000000xf32, #tpu.memory_space<hbm>> -> memref<64x128xf32, #tpu.memory_space<hbm>>
      %dma_start3A_969 = arith.constant 0 : i32
      %dma_start3A_970 = arith.constant 0 : i32
      %dma_start3A_971 = tpu.memref_slice %arg6[%dma_start3A_962, %dma_start3A_969, %dma_start3A_970] : memref<8x64x128xf32, #tpu.memory_space<vmem>> -> memref<1x64x128xf32, #tpu.memory_space<vmem>>
      %dma_start3A_972 = tpu.memref_squeeze %dma_start3A_971 : memref<1x64x128xf32, #tpu.memory_space<vmem>> -> memref<64x128xf32, #tpu.memory_space<vmem>>
      %dma_start3A_973 = arith.constant 0 : i32
      %dma_start3A_974 = tpu.memref_slice %arg2[%dma_start3A_973, %multiple_of3A_961] : memref<64x1000000xf32, #tpu.memory_space<hbm>> -> memref<64x128xf32, #tpu.memory_space<hbm>>
      tpu.enqueue_dma source(%dma_start3A_974 : memref<64x128xf32, #tpu.memory_space<hbm>>) target(%dma_start3A_972 : memref<64x128xf32, #tpu.memory_space<vmem>>) target_semaphore(%arg15 : memref<!tpu.dma_semaphore, #tpu.memory_space<semaphore_mem>>)
      %dma_wait3A_975 = arith.constant 0 : i32
      %dma_wait3A_976 = arith.constant 0 : i32
      %dma_wait3A_977 = arith.constant 0 : i32
      %dma_wait3A_978 = tpu.memref_slice %arg6[%dma_wait3A_975, %dma_wait3A_976, %dma_wait3A_977] : memref<8x64x128xf32, #tpu.memory_space<vmem>> -> memref<1x64x128xf32, #tpu.memory_space<vmem>>
      %dma_wait3A_979 = tpu.memref_squeeze %dma_wait3A_978 : memref<1x64x128xf32, #tpu.memory_space<vmem>> -> memref<64x128xf32, #tpu.memory_space<vmem>>
      %dma_wait3A_980 = arith.constant 0 : i32
      %dma_wait3A_981 = arith.constant 0 : i32
      %dma_wait3A_982 = tpu.memref_slice %arg2[%dma_wait3A_980, %dma_wait3A_981] : memref<64x1000000xf32, #tpu.memory_space<hbm>> -> memref<64x128xf32, #tpu.memory_space<hbm>>
      %dma_wait3A_983 = arith.constant 0 : i32
      %dma_wait3A_984 = arith.constant 0 : i32
      %dma_wait3A_985 = tpu.memref_slice %arg6[%dma_wait3A_975, %dma_wait3A_983, %dma_wait3A_984] : memref<8x64x128xf32, #tpu.memory_space<vmem>> -> memref<1x64x128xf32, #tpu.memory_space<vmem>>
      %dma_wait3A_986 = tpu.memref_squeeze %dma_wait3A_985 : memref<1x64x128xf32, #tpu.memory_space<vmem>> -> memref<64x128xf32, #tpu.memory_space<vmem>>
      %dma_wait3A_987 = arith.constant 0 : i32
      %dma_wait3A_988 = arith.constant 0 : i32
      %dma_wait3A_989 = tpu.memref_slice %arg2[%dma_wait3A_987, %dma_wait3A_988] : memref<64x1000000xf32, #tpu.memory_space<hbm>> -> memref<64x128xf32, #tpu.memory_space<hbm>>
      tpu.wait_dma2 semaphore(%arg8 : memref<!tpu.dma_semaphore, #tpu.memory_space<semaphore_mem>>) src(%dma_wait3A_989 : memref<64x128xf32, #tpu.memory_space<hbm>>) dst(%dma_wait3A_986 : memref<64x128xf32, #tpu.memory_space<vmem>>)
      %and3A_990 = arith.constant 127 : i32
      %and3A_991 = arith.andi %squeeze3A_315, %and3A_990 : i32
      %broadcast_in_dim3A_992 = vector.broadcast %and3A_991 : i32 to vector<16xi32>
      %mul3A_993 = arith.constant 16 : i32
      %mul3A_994 = arith.muli %scan3A_285, %mul3A_993 : i32
      %add3A_995 = arith.constant 8 : i32
      %add3A_996 = arith.addi %mul3A_994, %add3A_995 : i32
      %broadcast_in_dim3A_997 = vector.broadcast %add3A_996 : i32 to vector<16xi32>
      %add3A_998 = arith.constant 0 : i32
      %add3A_999 = vector.broadcast %add3A_998 : i32 to vector<16xi32>
      %add3A_1000 = arith.addi %iota3A, %add3A_999 : vector<16xi32>
      %gather3A_1001 = arith.constant 0 : i32
      %gather3A_1002 = arith.constant 0 : i32
      %gather3A_1003 = arith.constant 0 : i32
      %gather3A_1004 = tpu.memref_slice %arg6[%gather3A_1001, %gather3A_1002, %gather3A_1003] : memref<8x64x128xf32, #tpu.memory_space<vmem>> -> memref<1x64x128xf32, #tpu.memory_space<vmem>>
      %gather3A_1005 = tpu.memref_squeeze %gather3A_1004 : memref<1x64x128xf32, #tpu.memory_space<vmem>> -> memref<64x128xf32, #tpu.memory_space<vmem>>
      %gather3A_1006 = tpu.vector_load_idx %gather3A_1005[%add3A_1000, %broadcast_in_dim3A_992] : memref<64x128xf32, #tpu.memory_space<vmem>>[vector<16xi32>, vector<16xi32>], vector<16xf32>,
      tpu.vector_store_idx %arg7[%add3A_1000, %broadcast_in_dim3A_997], %gather3A_1006 : memref<64x512xf32, #tpu.memory_space<vmem>>[vector<16xi32>, vector<16xi32>], vector<16xf32>,
      %add3A_1007 = arith.constant 16 : i32
      %add3A_1008 = vector.broadcast %add3A_1007 : i32 to vector<16xi32>
      %add3A_1009 = arith.addi %iota3A, %add3A_1008 : vector<16xi32>
      %gather3A_1010 = arith.constant 0 : i32
      %gather3A_1011 = arith.constant 0 : i32
      %gather3A_1012 = arith.constant 0 : i32
      %gather3A_1013 = tpu.memref_slice %arg6[%gather3A_1010, %gather3A_1011, %gather3A_1012] : memref<8x64x128xf32, #tpu.memory_space<vmem>> -> memref<1x64x128xf32, #tpu.memory_space<vmem>>
      %gather3A_1014 = tpu.memref_squeeze %gather3A_1013 : memref<1x64x128xf32, #tpu.memory_space<vmem>> -> memref<64x128xf32, #tpu.memory_space<vmem>>
      %gather3A_1015 = tpu.vector_load_idx %gather3A_1014[%add3A_1009, %broadcast_in_dim3A_992] : memref<64x128xf32, #tpu.memory_space<vmem>>[vector<16xi32>, vector<16xi32>], vector<16xf32>,
      tpu.vector_store_idx %arg7[%add3A_1009, %broadcast_in_dim3A_997], %gather3A_1015 : memref<64x512xf32, #tpu.memory_space<vmem>>[vector<16xi32>, vector<16xi32>], vector<16xf32>,
      %add3A_1016 = arith.constant 32 : i32
      %add3A_1017 = vector.broadcast %add3A_1016 : i32 to vector<16xi32>
      %add3A_1018 = arith.addi %iota3A, %add3A_1017 : vector<16xi32>
      %gather3A_1019 = arith.constant 0 : i32
      %gather3A_1020 = arith.constant 0 : i32
      %gather3A_1021 = arith.constant 0 : i32
      %gather3A_1022 = tpu.memref_slice %arg6[%gather3A_1019, %gather3A_1020, %gather3A_1021] : memref<8x64x128xf32, #tpu.memory_space<vmem>> -> memref<1x64x128xf32, #tpu.memory_space<vmem>>
      %gather3A_1023 = tpu.memref_squeeze %gather3A_1022 : memref<1x64x128xf32, #tpu.memory_space<vmem>> -> memref<64x128xf32, #tpu.memory_space<vmem>>
      %gather3A_1024 = tpu.vector_load_idx %gather3A_1023[%add3A_1018, %broadcast_in_dim3A_992] : memref<64x128xf32, #tpu.memory_space<vmem>>[vector<16xi32>, vector<16xi32>], vector<16xf32>,
      tpu.vector_store_idx %arg7[%add3A_1018, %broadcast_in_dim3A_997], %gather3A_1024 : memref<64x512xf32, #tpu.memory_space<vmem>>[vector<16xi32>, vector<16xi32>], vector<16xf32>,
      %add3A_1025 = arith.constant 48 : i32
      %add3A_1026 = vector.broadcast %add3A_1025 : i32 to vector<16xi32>
      %add3A_1027 = arith.addi %iota3A, %add3A_1026 : vector<16xi32>
      %gather3A_1028 = arith.constant 0 : i32
      %gather3A_1029 = arith.constant 0 : i32
      %gather3A_1030 = arith.constant 0 : i32
      %gather3A_1031 = tpu.memref_slice %arg6[%gather3A_1028, %gather3A_1029, %gather3A_1030] : memref<8x64x128xf32, #tpu.memory_space<vmem>> -> memref<1x64x128xf32, #tpu.memory_space<vmem>>
      %gather3A_1032 = tpu.memref_squeeze %gather3A_1031 : memref<1x64x128xf32, #tpu.memory_space<vmem>> -> memref<64x128xf32, #tpu.memory_space<vmem>>
      %gather3A_1033 = tpu.vector_load_idx %gather3A_1032[%add3A_1027, %broadcast_in_dim3A_992] : memref<64x128xf32, #tpu.memory_space<vmem>>[vector<16xi32>, vector<16xi32>], vector<16xf32>,
      tpu.vector_store_idx %arg7[%add3A_1027, %broadcast_in_dim3A_997], %gather3A_1033 : memref<64x512xf32, #tpu.memory_space<vmem>>[vector<16xi32>, vector<16xi32>], vector<16xf32>,
      %shift_right_arithmetic3A_1034 = arith.constant 7 : i32
      %shift_right_arithmetic3A_1035 = arith.shrsi %squeeze3A_331, %shift_right_arithmetic3A_1034 : i32
      %mul3A_1036 = arith.constant 128 : i32
      %mul3A_1037 = arith.muli %shift_right_arithmetic3A_1035, %mul3A_1036 : i32
      %multiple_of3A_1038 = tpu.assume_multiple %mul3A_1037, 128 : i32
      %dma_start3A_1039 = arith.constant 0 : i32
      %dma_start3A_1040 = arith.constant 0 : i32
      %dma_start3A_1041 = arith.constant 0 : i32
      %dma_start3A_1042 = tpu.memref_slice %arg6[%dma_start3A_1039, %dma_start3A_1040, %dma_start3A_1041] : memref<8x64x128xf32, #tpu.memory_space<vmem>> -> memref<1x64x128xf32, #tpu.memory_space<vmem>>
      %dma_start3A_1043 = tpu.memref_squeeze %dma_start3A_1042 : memref<1x64x128xf32, #tpu.memory_space<vmem>> -> memref<64x128xf32, #tpu.memory_space<vmem>>
      %dma_start3A_1044 = arith.constant 0 : i32
      %dma_start3A_1045 = tpu.memref_slice %arg2[%dma_start3A_1044, %multiple_of3A_1038] : memref<64x1000000xf32, #tpu.memory_space<hbm>> -> memref<64x128xf32, #tpu.memory_space<hbm>>
      %dma_start3A_1046 = arith.constant 0 : i32
      %dma_start3A_1047 = arith.constant 0 : i32
      %dma_start3A_1048 = tpu.memref_slice %arg6[%dma_start3A_1039, %dma_start3A_1046, %dma_start3A_1047] : memref<8x64x128xf32, #tpu.memory_space<vmem>> -> memref<1x64x128xf32, #tpu.memory_space<vmem>>
      %dma_start3A_1049 = tpu.memref_squeeze %dma_start3A_1048 : memref<1x64x128xf32, #tpu.memory_space<vmem>> -> memref<64x128xf32, #tpu.memory_space<vmem>>
      %dma_start3A_1050 = arith.constant 0 : i32
      %dma_start3A_1051 = tpu.memref_slice %arg2[%dma_start3A_1050, %multiple_of3A_1038] : memref<64x1000000xf32, #tpu.memory_space<hbm>> -> memref<64x128xf32, #tpu.memory_space<hbm>>
      tpu.enqueue_dma source(%dma_start3A_1051 : memref<64x128xf32, #tpu.memory_space<hbm>>) target(%dma_start3A_1049 : memref<64x128xf32, #tpu.memory_space<vmem>>) target_semaphore(%arg8 : memref<!tpu.dma_semaphore, #tpu.memory_space<semaphore_mem>>)
      %dma_wait3A_1052 = arith.constant 1 : i32
      %dma_wait3A_1053 = arith.constant 0 : i32
      %dma_wait3A_1054 = arith.constant 0 : i32
      %dma_wait3A_1055 = tpu.memref_slice %arg6[%dma_wait3A_1052, %dma_wait3A_1053, %dma_wait3A_1054] : memref<8x64x128xf32, #tpu.memory_space<vmem>> -> memref<1x64x128xf32, #tpu.memory_space<vmem>>
      %dma_wait3A_1056 = tpu.memref_squeeze %dma_wait3A_1055 : memref<1x64x128xf32, #tpu.memory_space<vmem>> -> memref<64x128xf32, #tpu.memory_space<vmem>>
      %dma_wait3A_1057 = arith.constant 0 : i32
      %dma_wait3A_1058 = arith.constant 0 : i32
      %dma_wait3A_1059 = tpu.memref_slice %arg2[%dma_wait3A_1057, %dma_wait3A_1058] : memref<64x1000000xf32, #tpu.memory_space<hbm>> -> memref<64x128xf32, #tpu.memory_space<hbm>>
      %dma_wait3A_1060 = arith.constant 0 : i32
      %dma_wait3A_1061 = arith.constant 0 : i32
      %dma_wait3A_1062 = tpu.memref_slice %arg6[%dma_wait3A_1052, %dma_wait3A_1060, %dma_wait3A_1061] : memref<8x64x128xf32, #tpu.memory_space<vmem>> -> memref<1x64x128xf32, #tpu.memory_space<vmem>>
      %dma_wait3A_1063 = tpu.memref_squeeze %dma_wait3A_1062 : memref<1x64x128xf32, #tpu.memory_space<vmem>> -> memref<64x128xf32, #tpu.memory_space<vmem>>
      %dma_wait3A_1064 = arith.constant 0 : i32
      %dma_wait3A_1065 = arith.constant 0 : i32
      %dma_wait3A_1066 = tpu.memref_slice %arg2[%dma_wait3A_1064, %dma_wait3A_1065] : memref<64x1000000xf32, #tpu.memory_space<hbm>> -> memref<64x128xf32, #tpu.memory_space<hbm>>
      tpu.wait_dma2 semaphore(%arg9 : memref<!tpu.dma_semaphore, #tpu.memory_space<semaphore_mem>>) src(%dma_wait3A_1066 : memref<64x128xf32, #tpu.memory_space<hbm>>) dst(%dma_wait3A_1063 : memref<64x128xf32, #tpu.memory_space<vmem>>)
      %and3A_1067 = arith.constant 127 : i32
      %and3A_1068 = arith.andi %squeeze3A_317, %and3A_1067 : i32
      %broadcast_in_dim3A_1069 = vector.broadcast %and3A_1068 : i32 to vector<16xi32>
      %mul3A_1070 = arith.constant 16 : i32
      %mul3A_1071 = arith.muli %scan3A_285, %mul3A_1070 : i32
      %add3A_1072 = arith.constant 9 : i32
      %add3A_1073 = arith.addi %mul3A_1071, %add3A_1072 : i32
      %broadcast_in_dim3A_1074 = vector.broadcast %add3A_1073 : i32 to vector<16xi32>
      %add3A_1075 = arith.constant 0 : i32
      %add3A_1076 = vector.broadcast %add3A_1075 : i32 to vector<16xi32>
      %add3A_1077 = arith.addi %iota3A, %add3A_1076 : vector<16xi32>
      %gather3A_1078 = arith.constant 1 : i32
      %gather3A_1079 = arith.constant 0 : i32
      %gather3A_1080 = arith.constant 0 : i32
      %gather3A_1081 = tpu.memref_slice %arg6[%gather3A_1078, %gather3A_1079, %gather3A_1080] : memref<8x64x128xf32, #tpu.memory_space<vmem>> -> memref<1x64x128xf32, #tpu.memory_space<vmem>>
      %gather3A_1082 = tpu.memref_squeeze %gather3A_1081 : memref<1x64x128xf32, #tpu.memory_space<vmem>> -> memref<64x128xf32, #tpu.memory_space<vmem>>
      %gather3A_1083 = tpu.vector_load_idx %gather3A_1082[%add3A_1077, %broadcast_in_dim3A_1069] : memref<64x128xf32, #tpu.memory_space<vmem>>[vector<16xi32>, vector<16xi32>], vector<16xf32>,
      tpu.vector_store_idx %arg7[%add3A_1077, %broadcast_in_dim3A_1074], %gather3A_1083 : memref<64x512xf32, #tpu.memory_space<vmem>>[vector<16xi32>, vector<16xi32>], vector<16xf32>,
      %add3A_1084 = arith.constant 16 : i32
      %add3A_1085 = vector.broadcast %add3A_1084 : i32 to vector<16xi32>
      %add3A_1086 = arith.addi %iota3A, %add3A_1085 : vector<16xi32>
      %gather3A_1087 = arith.constant 1 : i32
      %gather3A_1088 = arith.constant 0 : i32
      %gather3A_1089 = arith.constant 0 : i32
      %gather3A_1090 = tpu.memref_slice %arg6[%gather3A_1087, %gather3A_1088, %gather3A_1089] : memref<8x64x128xf32, #tpu.memory_space<vmem>> -> memref<1x64x128xf32, #tpu.memory_space<vmem>>
      %gather3A_1091 = tpu.memref_squeeze %gather3A_1090 : memref<1x64x128xf32, #tpu.memory_space<vmem>> -> memref<64x128xf32, #tpu.memory_space<vmem>>
      %gather3A_1092 = tpu.vector_load_idx %gather3A_1091[%add3A_1086, %broadcast_in_dim3A_1069] : memref<64x128xf32, #tpu.memory_space<vmem>>[vector<16xi32>, vector<16xi32>], vector<16xf32>,
      tpu.vector_store_idx %arg7[%add3A_1086, %broadcast_in_dim3A_1074], %gather3A_1092 : memref<64x512xf32, #tpu.memory_space<vmem>>[vector<16xi32>, vector<16xi32>], vector<16xf32>,
      %add3A_1093 = arith.constant 32 : i32
      %add3A_1094 = vector.broadcast %add3A_1093 : i32 to vector<16xi32>
      %add3A_1095 = arith.addi %iota3A, %add3A_1094 : vector<16xi32>
      %gather3A_1096 = arith.constant 1 : i32
      %gather3A_1097 = arith.constant 0 : i32
      %gather3A_1098 = arith.constant 0 : i32
      %gather3A_1099 = tpu.memref_slice %arg6[%gather3A_1096, %gather3A_1097, %gather3A_1098] : memref<8x64x128xf32, #tpu.memory_space<vmem>> -> memref<1x64x128xf32, #tpu.memory_space<vmem>>
      %gather3A_1100 = tpu.memref_squeeze %gather3A_1099 : memref<1x64x128xf32, #tpu.memory_space<vmem>> -> memref<64x128xf32, #tpu.memory_space<vmem>>
      %gather3A_1101 = tpu.vector_load_idx %gather3A_1100[%add3A_1095, %broadcast_in_dim3A_1069] : memref<64x128xf32, #tpu.memory_space<vmem>>[vector<16xi32>, vector<16xi32>], vector<16xf32>,
      tpu.vector_store_idx %arg7[%add3A_1095, %broadcast_in_dim3A_1074], %gather3A_1101 : memref<64x512xf32, #tpu.memory_space<vmem>>[vector<16xi32>, vector<16xi32>], vector<16xf32>,
      %add3A_1102 = arith.constant 48 : i32
      %add3A_1103 = vector.broadcast %add3A_1102 : i32 to vector<16xi32>
      %add3A_1104 = arith.addi %iota3A, %add3A_1103 : vector<16xi32>
      %gather3A_1105 = arith.constant 1 : i32
      %gather3A_1106 = arith.constant 0 : i32
      %gather3A_1107 = arith.constant 0 : i32
      %gather3A_1108 = tpu.memref_slice %arg6[%gather3A_1105, %gather3A_1106, %gather3A_1107] : memref<8x64x128xf32, #tpu.memory_space<vmem>> -> memref<1x64x128xf32, #tpu.memory_space<vmem>>
      %gather3A_1109 = tpu.memref_squeeze %gather3A_1108 : memref<1x64x128xf32, #tpu.memory_space<vmem>> -> memref<64x128xf32, #tpu.memory_space<vmem>>
      %gather3A_1110 = tpu.vector_load_idx %gather3A_1109[%add3A_1104, %broadcast_in_dim3A_1069] : memref<64x128xf32, #tpu.memory_space<vmem>>[vector<16xi32>, vector<16xi32>], vector<16xf32>,
      tpu.vector_store_idx %arg7[%add3A_1104, %broadcast_in_dim3A_1074], %gather3A_1110 : memref<64x512xf32, #tpu.memory_space<vmem>>[vector<16xi32>, vector<16xi32>], vector<16xf32>,
      %shift_right_arithmetic3A_1111 = arith.constant 7 : i32
      %shift_right_arithmetic3A_1112 = arith.shrsi %squeeze3A_333, %shift_right_arithmetic3A_1111 : i32
      %mul3A_1113 = arith.constant 128 : i32
      %mul3A_1114 = arith.muli %shift_right_arithmetic3A_1112, %mul3A_1113 : i32
      %multiple_of3A_1115 = tpu.assume_multiple %mul3A_1114, 128 : i32
      %dma_start3A_1116 = arith.constant 1 : i32
      %dma_start3A_1117 = arith.constant 0 : i32
      %dma_start3A_1118 = arith.constant 0 : i32
      %dma_start3A_1119 = tpu.memref_slice %arg6[%dma_start3A_1116, %dma_start3A_1117, %dma_start3A_1118] : memref<8x64x128xf32, #tpu.memory_space<vmem>> -> memref<1x64x128xf32, #tpu.memory_space<vmem>>
      %dma_start3A_1120 = tpu.memref_squeeze %dma_start3A_1119 : memref<1x64x128xf32, #tpu.memory_space<vmem>> -> memref<64x128xf32, #tpu.memory_space<vmem>>
      %dma_start3A_1121 = arith.constant 0 : i32
      %dma_start3A_1122 = tpu.memref_slice %arg2[%dma_start3A_1121, %multiple_of3A_1115] : memref<64x1000000xf32, #tpu.memory_space<hbm>> -> memref<64x128xf32, #tpu.memory_space<hbm>>
      %dma_start3A_1123 = arith.constant 0 : i32
      %dma_start3A_1124 = arith.constant 0 : i32
      %dma_start3A_1125 = tpu.memref_slice %arg6[%dma_start3A_1116, %dma_start3A_1123, %dma_start3A_1124] : memref<8x64x128xf32, #tpu.memory_space<vmem>> -> memref<1x64x128xf32, #tpu.memory_space<vmem>>
      %dma_start3A_1126 = tpu.memref_squeeze %dma_start3A_1125 : memref<1x64x128xf32, #tpu.memory_space<vmem>> -> memref<64x128xf32, #tpu.memory_space<vmem>>
      %dma_start3A_1127 = arith.constant 0 : i32
      %dma_start3A_1128 = tpu.memref_slice %arg2[%dma_start3A_1127, %multiple_of3A_1115] : memref<64x1000000xf32, #tpu.memory_space<hbm>> -> memref<64x128xf32, #tpu.memory_space<hbm>>
      tpu.enqueue_dma source(%dma_start3A_1128 : memref<64x128xf32, #tpu.memory_space<hbm>>) target(%dma_start3A_1126 : memref<64x128xf32, #tpu.memory_space<vmem>>) target_semaphore(%arg9 : memref<!tpu.dma_semaphore, #tpu.memory_space<semaphore_mem>>)
      %dma_wait3A_1129 = arith.constant 2 : i32
      %dma_wait3A_1130 = arith.constant 0 : i32
      %dma_wait3A_1131 = arith.constant 0 : i32
      %dma_wait3A_1132 = tpu.memref_slice %arg6[%dma_wait3A_1129, %dma_wait3A_1130, %dma_wait3A_1131] : memref<8x64x128xf32, #tpu.memory_space<vmem>> -> memref<1x64x128xf32, #tpu.memory_space<vmem>>
      %dma_wait3A_1133 = tpu.memref_squeeze %dma_wait3A_1132 : memref<1x64x128xf32, #tpu.memory_space<vmem>> -> memref<64x128xf32, #tpu.memory_space<vmem>>
      %dma_wait3A_1134 = arith.constant 0 : i32
      %dma_wait3A_1135 = arith.constant 0 : i32
      %dma_wait3A_1136 = tpu.memref_slice %arg2[%dma_wait3A_1134, %dma_wait3A_1135] : memref<64x1000000xf32, #tpu.memory_space<hbm>> -> memref<64x128xf32, #tpu.memory_space<hbm>>
      %dma_wait3A_1137 = arith.constant 0 : i32
      %dma_wait3A_1138 = arith.constant 0 : i32
      %dma_wait3A_1139 = tpu.memref_slice %arg6[%dma_wait3A_1129, %dma_wait3A_1137, %dma_wait3A_1138] : memref<8x64x128xf32, #tpu.memory_space<vmem>> -> memref<1x64x128xf32, #tpu.memory_space<vmem>>
      %dma_wait3A_1140 = tpu.memref_squeeze %dma_wait3A_1139 : memref<1x64x128xf32, #tpu.memory_space<vmem>> -> memref<64x128xf32, #tpu.memory_space<vmem>>
      %dma_wait3A_1141 = arith.constant 0 : i32
      %dma_wait3A_1142 = arith.constant 0 : i32
      %dma_wait3A_1143 = tpu.memref_slice %arg2[%dma_wait3A_1141, %dma_wait3A_1142] : memref<64x1000000xf32, #tpu.memory_space<hbm>> -> memref<64x128xf32, #tpu.memory_space<hbm>>
      tpu.wait_dma2 semaphore(%arg10 : memref<!tpu.dma_semaphore, #tpu.memory_space<semaphore_mem>>) src(%dma_wait3A_1143 : memref<64x128xf32, #tpu.memory_space<hbm>>) dst(%dma_wait3A_1140 : memref<64x128xf32, #tpu.memory_space<vmem>>)
      %and3A_1144 = arith.constant 127 : i32
      %and3A_1145 = arith.andi %squeeze3A_319, %and3A_1144 : i32
      %broadcast_in_dim3A_1146 = vector.broadcast %and3A_1145 : i32 to vector<16xi32>
      %mul3A_1147 = arith.constant 16 : i32
      %mul3A_1148 = arith.muli %scan3A_285, %mul3A_1147 : i32
      %add3A_1149 = arith.constant 10 : i32
      %add3A_1150 = arith.addi %mul3A_1148, %add3A_1149 : i32
      %broadcast_in_dim3A_1151 = vector.broadcast %add3A_1150 : i32 to vector<16xi32>
      %add3A_1152 = arith.constant 0 : i32
      %add3A_1153 = vector.broadcast %add3A_1152 : i32 to vector<16xi32>
      %add3A_1154 = arith.addi %iota3A, %add3A_1153 : vector<16xi32>
      %gather3A_1155 = arith.constant 2 : i32
      %gather3A_1156 = arith.constant 0 : i32
      %gather3A_1157 = arith.constant 0 : i32
      %gather3A_1158 = tpu.memref_slice %arg6[%gather3A_1155, %gather3A_1156, %gather3A_1157] : memref<8x64x128xf32, #tpu.memory_space<vmem>> -> memref<1x64x128xf32, #tpu.memory_space<vmem>>
      %gather3A_1159 = tpu.memref_squeeze %gather3A_1158 : memref<1x64x128xf32, #tpu.memory_space<vmem>> -> memref<64x128xf32, #tpu.memory_space<vmem>>
      %gather3A_1160 = tpu.vector_load_idx %gather3A_1159[%add3A_1154, %broadcast_in_dim3A_1146] : memref<64x128xf32, #tpu.memory_space<vmem>>[vector<16xi32>, vector<16xi32>], vector<16xf32>,
      tpu.vector_store_idx %arg7[%add3A_1154, %broadcast_in_dim3A_1151], %gather3A_1160 : memref<64x512xf32, #tpu.memory_space<vmem>>[vector<16xi32>, vector<16xi32>], vector<16xf32>,
      %add3A_1161 = arith.constant 16 : i32
      %add3A_1162 = vector.broadcast %add3A_1161 : i32 to vector<16xi32>
      %add3A_1163 = arith.addi %iota3A, %add3A_1162 : vector<16xi32>
      %gather3A_1164 = arith.constant 2 : i32
      %gather3A_1165 = arith.constant 0 : i32
      %gather3A_1166 = arith.constant 0 : i32
      %gather3A_1167 = tpu.memref_slice %arg6[%gather3A_1164, %gather3A_1165, %gather3A_1166] : memref<8x64x128xf32, #tpu.memory_space<vmem>> -> memref<1x64x128xf32, #tpu.memory_space<vmem>>
      %gather3A_1168 = tpu.memref_squeeze %gather3A_1167 : memref<1x64x128xf32, #tpu.memory_space<vmem>> -> memref<64x128xf32, #tpu.memory_space<vmem>>
      %gather3A_1169 = tpu.vector_load_idx %gather3A_1168[%add3A_1163, %broadcast_in_dim3A_1146] : memref<64x128xf32, #tpu.memory_space<vmem>>[vector<16xi32>, vector<16xi32>], vector<16xf32>,
      tpu.vector_store_idx %arg7[%add3A_1163, %broadcast_in_dim3A_1151], %gather3A_1169 : memref<64x512xf32, #tpu.memory_space<vmem>>[vector<16xi32>, vector<16xi32>], vector<16xf32>,
      %add3A_1170 = arith.constant 32 : i32
      %add3A_1171 = vector.broadcast %add3A_1170 : i32 to vector<16xi32>
      %add3A_1172 = arith.addi %iota3A, %add3A_1171 : vector<16xi32>
      %gather3A_1173 = arith.constant 2 : i32
      %gather3A_1174 = arith.constant 0 : i32
      %gather3A_1175 = arith.constant 0 : i32
      %gather3A_1176 = tpu.memref_slice %arg6[%gather3A_1173, %gather3A_1174, %gather3A_1175] : memref<8x64x128xf32, #tpu.memory_space<vmem>> -> memref<1x64x128xf32, #tpu.memory_space<vmem>>
      %gather3A_1177 = tpu.memref_squeeze %gather3A_1176 : memref<1x64x128xf32, #tpu.memory_space<vmem>> -> memref<64x128xf32, #tpu.memory_space<vmem>>
      %gather3A_1178 = tpu.vector_load_idx %gather3A_1177[%add3A_1172, %broadcast_in_dim3A_1146] : memref<64x128xf32, #tpu.memory_space<vmem>>[vector<16xi32>, vector<16xi32>], vector<16xf32>,
      tpu.vector_store_idx %arg7[%add3A_1172, %broadcast_in_dim3A_1151], %gather3A_1178 : memref<64x512xf32, #tpu.memory_space<vmem>>[vector<16xi32>, vector<16xi32>], vector<16xf32>,
      %add3A_1179 = arith.constant 48 : i32
      %add3A_1180 = vector.broadcast %add3A_1179 : i32 to vector<16xi32>
      %add3A_1181 = arith.addi %iota3A, %add3A_1180 : vector<16xi32>
      %gather3A_1182 = arith.constant 2 : i32
      %gather3A_1183 = arith.constant 0 : i32
      %gather3A_1184 = arith.constant 0 : i32
      %gather3A_1185 = tpu.memref_slice %arg6[%gather3A_1182, %gather3A_1183, %gather3A_1184] : memref<8x64x128xf32, #tpu.memory_space<vmem>> -> memref<1x64x128xf32, #tpu.memory_space<vmem>>
      %gather3A_1186 = tpu.memref_squeeze %gather3A_1185 : memref<1x64x128xf32, #tpu.memory_space<vmem>> -> memref<64x128xf32, #tpu.memory_space<vmem>>
      %gather3A_1187 = tpu.vector_load_idx %gather3A_1186[%add3A_1181, %broadcast_in_dim3A_1146] : memref<64x128xf32, #tpu.memory_space<vmem>>[vector<16xi32>, vector<16xi32>], vector<16xf32>,
      tpu.vector_store_idx %arg7[%add3A_1181, %broadcast_in_dim3A_1151], %gather3A_1187 : memref<64x512xf32, #tpu.memory_space<vmem>>[vector<16xi32>, vector<16xi32>], vector<16xf32>,
      %shift_right_arithmetic3A_1188 = arith.constant 7 : i32
      %shift_right_arithmetic3A_1189 = arith.shrsi %squeeze3A_335, %shift_right_arithmetic3A_1188 : i32
      %mul3A_1190 = arith.constant 128 : i32
      %mul3A_1191 = arith.muli %shift_right_arithmetic3A_1189, %mul3A_1190 : i32
      %multiple_of3A_1192 = tpu.assume_multiple %mul3A_1191, 128 : i32
      %dma_start3A_1193 = arith.constant 2 : i32
      %dma_start3A_1194 = arith.constant 0 : i32
      %dma_start3A_1195 = arith.constant 0 : i32
      %dma_start3A_1196 = tpu.memref_slice %arg6[%dma_start3A_1193, %dma_start3A_1194, %dma_start3A_1195] : memref<8x64x128xf32, #tpu.memory_space<vmem>> -> memref<1x64x128xf32, #tpu.memory_space<vmem>>
      %dma_start3A_1197 = tpu.memref_squeeze %dma_start3A_1196 : memref<1x64x128xf32, #tpu.memory_space<vmem>> -> memref<64x128xf32, #tpu.memory_space<vmem>>
      %dma_start3A_1198 = arith.constant 0 : i32
      %dma_start3A_1199 = tpu.memref_slice %arg2[%dma_start3A_1198, %multiple_of3A_1192] : memref<64x1000000xf32, #tpu.memory_space<hbm>> -> memref<64x128xf32, #tpu.memory_space<hbm>>
      %dma_start3A_1200 = arith.constant 0 : i32
      %dma_start3A_1201 = arith.constant 0 : i32
      %dma_start3A_1202 = tpu.memref_slice %arg6[%dma_start3A_1193, %dma_start3A_1200, %dma_start3A_1201] : memref<8x64x128xf32, #tpu.memory_space<vmem>> -> memref<1x64x128xf32, #tpu.memory_space<vmem>>
      %dma_start3A_1203 = tpu.memref_squeeze %dma_start3A_1202 : memref<1x64x128xf32, #tpu.memory_space<vmem>> -> memref<64x128xf32, #tpu.memory_space<vmem>>
      %dma_start3A_1204 = arith.constant 0 : i32
      %dma_start3A_1205 = tpu.memref_slice %arg2[%dma_start3A_1204, %multiple_of3A_1192] : memref<64x1000000xf32, #tpu.memory_space<hbm>> -> memref<64x128xf32, #tpu.memory_space<hbm>>
      tpu.enqueue_dma source(%dma_start3A_1205 : memref<64x128xf32, #tpu.memory_space<hbm>>) target(%dma_start3A_1203 : memref<64x128xf32, #tpu.memory_space<vmem>>) target_semaphore(%arg10 : memref<!tpu.dma_semaphore, #tpu.memory_space<semaphore_mem>>)
      %dma_wait3A_1206 = arith.constant 3 : i32
      %dma_wait3A_1207 = arith.constant 0 : i32
      %dma_wait3A_1208 = arith.constant 0 : i32
      %dma_wait3A_1209 = tpu.memref_slice %arg6[%dma_wait3A_1206, %dma_wait3A_1207, %dma_wait3A_1208] : memref<8x64x128xf32, #tpu.memory_space<vmem>> -> memref<1x64x128xf32, #tpu.memory_space<vmem>>
      %dma_wait3A_1210 = tpu.memref_squeeze %dma_wait3A_1209 : memref<1x64x128xf32, #tpu.memory_space<vmem>> -> memref<64x128xf32, #tpu.memory_space<vmem>>
      %dma_wait3A_1211 = arith.constant 0 : i32
      %dma_wait3A_1212 = arith.constant 0 : i32
      %dma_wait3A_1213 = tpu.memref_slice %arg2[%dma_wait3A_1211, %dma_wait3A_1212] : memref<64x1000000xf32, #tpu.memory_space<hbm>> -> memref<64x128xf32, #tpu.memory_space<hbm>>
      %dma_wait3A_1214 = arith.constant 0 : i32
      %dma_wait3A_1215 = arith.constant 0 : i32
      %dma_wait3A_1216 = tpu.memref_slice %arg6[%dma_wait3A_1206, %dma_wait3A_1214, %dma_wait3A_1215] : memref<8x64x128xf32, #tpu.memory_space<vmem>> -> memref<1x64x128xf32, #tpu.memory_space<vmem>>
      %dma_wait3A_1217 = tpu.memref_squeeze %dma_wait3A_1216 : memref<1x64x128xf32, #tpu.memory_space<vmem>> -> memref<64x128xf32, #tpu.memory_space<vmem>>
      %dma_wait3A_1218 = arith.constant 0 : i32
      %dma_wait3A_1219 = arith.constant 0 : i32
      %dma_wait3A_1220 = tpu.memref_slice %arg2[%dma_wait3A_1218, %dma_wait3A_1219] : memref<64x1000000xf32, #tpu.memory_space<hbm>> -> memref<64x128xf32, #tpu.memory_space<hbm>>
      tpu.wait_dma2 semaphore(%arg11 : memref<!tpu.dma_semaphore, #tpu.memory_space<semaphore_mem>>) src(%dma_wait3A_1220 : memref<64x128xf32, #tpu.memory_space<hbm>>) dst(%dma_wait3A_1217 : memref<64x128xf32, #tpu.memory_space<vmem>>)
      %and3A_1221 = arith.constant 127 : i32
      %and3A_1222 = arith.andi %squeeze3A_321, %and3A_1221 : i32
      %broadcast_in_dim3A_1223 = vector.broadcast %and3A_1222 : i32 to vector<16xi32>
      %mul3A_1224 = arith.constant 16 : i32
      %mul3A_1225 = arith.muli %scan3A_285, %mul3A_1224 : i32
      %add3A_1226 = arith.constant 11 : i32
      %add3A_1227 = arith.addi %mul3A_1225, %add3A_1226 : i32
      %broadcast_in_dim3A_1228 = vector.broadcast %add3A_1227 : i32 to vector<16xi32>
      %add3A_1229 = arith.constant 0 : i32
      %add3A_1230 = vector.broadcast %add3A_1229 : i32 to vector<16xi32>
      %add3A_1231 = arith.addi %iota3A, %add3A_1230 : vector<16xi32>
      %gather3A_1232 = arith.constant 3 : i32
      %gather3A_1233 = arith.constant 0 : i32
      %gather3A_1234 = arith.constant 0 : i32
      %gather3A_1235 = tpu.memref_slice %arg6[%gather3A_1232, %gather3A_1233, %gather3A_1234] : memref<8x64x128xf32, #tpu.memory_space<vmem>> -> memref<1x64x128xf32, #tpu.memory_space<vmem>>
      %gather3A_1236 = tpu.memref_squeeze %gather3A_1235 : memref<1x64x128xf32, #tpu.memory_space<vmem>> -> memref<64x128xf32, #tpu.memory_space<vmem>>
      %gather3A_1237 = tpu.vector_load_idx %gather3A_1236[%add3A_1231, %broadcast_in_dim3A_1223] : memref<64x128xf32, #tpu.memory_space<vmem>>[vector<16xi32>, vector<16xi32>], vector<16xf32>,
      tpu.vector_store_idx %arg7[%add3A_1231, %broadcast_in_dim3A_1228], %gather3A_1237 : memref<64x512xf32, #tpu.memory_space<vmem>>[vector<16xi32>, vector<16xi32>], vector<16xf32>,
      %add3A_1238 = arith.constant 16 : i32
      %add3A_1239 = vector.broadcast %add3A_1238 : i32 to vector<16xi32>
      %add3A_1240 = arith.addi %iota3A, %add3A_1239 : vector<16xi32>
      %gather3A_1241 = arith.constant 3 : i32
      %gather3A_1242 = arith.constant 0 : i32
      %gather3A_1243 = arith.constant 0 : i32
      %gather3A_1244 = tpu.memref_slice %arg6[%gather3A_1241, %gather3A_1242, %gather3A_1243] : memref<8x64x128xf32, #tpu.memory_space<vmem>> -> memref<1x64x128xf32, #tpu.memory_space<vmem>>
      %gather3A_1245 = tpu.memref_squeeze %gather3A_1244 : memref<1x64x128xf32, #tpu.memory_space<vmem>> -> memref<64x128xf32, #tpu.memory_space<vmem>>
      %gather3A_1246 = tpu.vector_load_idx %gather3A_1245[%add3A_1240, %broadcast_in_dim3A_1223] : memref<64x128xf32, #tpu.memory_space<vmem>>[vector<16xi32>, vector<16xi32>], vector<16xf32>,
      tpu.vector_store_idx %arg7[%add3A_1240, %broadcast_in_dim3A_1228], %gather3A_1246 : memref<64x512xf32, #tpu.memory_space<vmem>>[vector<16xi32>, vector<16xi32>], vector<16xf32>,
      %add3A_1247 = arith.constant 32 : i32
      %add3A_1248 = vector.broadcast %add3A_1247 : i32 to vector<16xi32>
      %add3A_1249 = arith.addi %iota3A, %add3A_1248 : vector<16xi32>
      %gather3A_1250 = arith.constant 3 : i32
      %gather3A_1251 = arith.constant 0 : i32
      %gather3A_1252 = arith.constant 0 : i32
      %gather3A_1253 = tpu.memref_slice %arg6[%gather3A_1250, %gather3A_1251, %gather3A_1252] : memref<8x64x128xf32, #tpu.memory_space<vmem>> -> memref<1x64x128xf32, #tpu.memory_space<vmem>>
      %gather3A_1254 = tpu.memref_squeeze %gather3A_1253 : memref<1x64x128xf32, #tpu.memory_space<vmem>> -> memref<64x128xf32, #tpu.memory_space<vmem>>
      %gather3A_1255 = tpu.vector_load_idx %gather3A_1254[%add3A_1249, %broadcast_in_dim3A_1223] : memref<64x128xf32, #tpu.memory_space<vmem>>[vector<16xi32>, vector<16xi32>], vector<16xf32>,
      tpu.vector_store_idx %arg7[%add3A_1249, %broadcast_in_dim3A_1228], %gather3A_1255 : memref<64x512xf32, #tpu.memory_space<vmem>>[vector<16xi32>, vector<16xi32>], vector<16xf32>,
      %add3A_1256 = arith.constant 48 : i32
      %add3A_1257 = vector.broadcast %add3A_1256 : i32 to vector<16xi32>
      %add3A_1258 = arith.addi %iota3A, %add3A_1257 : vector<16xi32>
      %gather3A_1259 = arith.constant 3 : i32
      %gather3A_1260 = arith.constant 0 : i32
      %gather3A_1261 = arith.constant 0 : i32
      %gather3A_1262 = tpu.memref_slice %arg6[%gather3A_1259, %gather3A_1260, %gather3A_1261] : memref<8x64x128xf32, #tpu.memory_space<vmem>> -> memref<1x64x128xf32, #tpu.memory_space<vmem>>
      %gather3A_1263 = tpu.memref_squeeze %gather3A_1262 : memref<1x64x128xf32, #tpu.memory_space<vmem>> -> memref<64x128xf32, #tpu.memory_space<vmem>>
      %gather3A_1264 = tpu.vector_load_idx %gather3A_1263[%add3A_1258, %broadcast_in_dim3A_1223] : memref<64x128xf32, #tpu.memory_space<vmem>>[vector<16xi32>, vector<16xi32>], vector<16xf32>,
      tpu.vector_store_idx %arg7[%add3A_1258, %broadcast_in_dim3A_1228], %gather3A_1264 : memref<64x512xf32, #tpu.memory_space<vmem>>[vector<16xi32>, vector<16xi32>], vector<16xf32>,
      %shift_right_arithmetic3A_1265 = arith.constant 7 : i32
      %shift_right_arithmetic3A_1266 = arith.shrsi %squeeze3A_337, %shift_right_arithmetic3A_1265 : i32
      %mul3A_1267 = arith.constant 128 : i32
      %mul3A_1268 = arith.muli %shift_right_arithmetic3A_1266, %mul3A_1267 : i32
      %multiple_of3A_1269 = tpu.assume_multiple %mul3A_1268, 128 : i32
      %dma_start3A_1270 = arith.constant 3 : i32
      %dma_start3A_1271 = arith.constant 0 : i32
      %dma_start3A_1272 = arith.constant 0 : i32
      %dma_start3A_1273 = tpu.memref_slice %arg6[%dma_start3A_1270, %dma_start3A_1271, %dma_start3A_1272] : memref<8x64x128xf32, #tpu.memory_space<vmem>> -> memref<1x64x128xf32, #tpu.memory_space<vmem>>
      %dma_start3A_1274 = tpu.memref_squeeze %dma_start3A_1273 : memref<1x64x128xf32, #tpu.memory_space<vmem>> -> memref<64x128xf32, #tpu.memory_space<vmem>>
      %dma_start3A_1275 = arith.constant 0 : i32
      %dma_start3A_1276 = tpu.memref_slice %arg2[%dma_start3A_1275, %multiple_of3A_1269] : memref<64x1000000xf32, #tpu.memory_space<hbm>> -> memref<64x128xf32, #tpu.memory_space<hbm>>
      %dma_start3A_1277 = arith.constant 0 : i32
      %dma_start3A_1278 = arith.constant 0 : i32
      %dma_start3A_1279 = tpu.memref_slice %arg6[%dma_start3A_1270, %dma_start3A_1277, %dma_start3A_1278] : memref<8x64x128xf32, #tpu.memory_space<vmem>> -> memref<1x64x128xf32, #tpu.memory_space<vmem>>
      %dma_start3A_1280 = tpu.memref_squeeze %dma_start3A_1279 : memref<1x64x128xf32, #tpu.memory_space<vmem>> -> memref<64x128xf32, #tpu.memory_space<vmem>>
      %dma_start3A_1281 = arith.constant 0 : i32
      %dma_start3A_1282 = tpu.memref_slice %arg2[%dma_start3A_1281, %multiple_of3A_1269] : memref<64x1000000xf32, #tpu.memory_space<hbm>> -> memref<64x128xf32, #tpu.memory_space<hbm>>
      tpu.enqueue_dma source(%dma_start3A_1282 : memref<64x128xf32, #tpu.memory_space<hbm>>) target(%dma_start3A_1280 : memref<64x128xf32, #tpu.memory_space<vmem>>) target_semaphore(%arg11 : memref<!tpu.dma_semaphore, #tpu.memory_space<semaphore_mem>>)
      %dma_wait3A_1283 = arith.constant 4 : i32
      %dma_wait3A_1284 = arith.constant 0 : i32
      %dma_wait3A_1285 = arith.constant 0 : i32
      %dma_wait3A_1286 = tpu.memref_slice %arg6[%dma_wait3A_1283, %dma_wait3A_1284, %dma_wait3A_1285] : memref<8x64x128xf32, #tpu.memory_space<vmem>> -> memref<1x64x128xf32, #tpu.memory_space<vmem>>
      %dma_wait3A_1287 = tpu.memref_squeeze %dma_wait3A_1286 : memref<1x64x128xf32, #tpu.memory_space<vmem>> -> memref<64x128xf32, #tpu.memory_space<vmem>>
      %dma_wait3A_1288 = arith.constant 0 : i32
      %dma_wait3A_1289 = arith.constant 0 : i32
      %dma_wait3A_1290 = tpu.memref_slice %arg2[%dma_wait3A_1288, %dma_wait3A_1289] : memref<64x1000000xf32, #tpu.memory_space<hbm>> -> memref<64x128xf32, #tpu.memory_space<hbm>>
      %dma_wait3A_1291 = arith.constant 0 : i32
      %dma_wait3A_1292 = arith.constant 0 : i32
      %dma_wait3A_1293 = tpu.memref_slice %arg6[%dma_wait3A_1283, %dma_wait3A_1291, %dma_wait3A_1292] : memref<8x64x128xf32, #tpu.memory_space<vmem>> -> memref<1x64x128xf32, #tpu.memory_space<vmem>>
      %dma_wait3A_1294 = tpu.memref_squeeze %dma_wait3A_1293 : memref<1x64x128xf32, #tpu.memory_space<vmem>> -> memref<64x128xf32, #tpu.memory_space<vmem>>
      %dma_wait3A_1295 = arith.constant 0 : i32
      %dma_wait3A_1296 = arith.constant 0 : i32
      %dma_wait3A_1297 = tpu.memref_slice %arg2[%dma_wait3A_1295, %dma_wait3A_1296] : memref<64x1000000xf32, #tpu.memory_space<hbm>> -> memref<64x128xf32, #tpu.memory_space<hbm>>
      tpu.wait_dma2 semaphore(%arg12 : memref<!tpu.dma_semaphore, #tpu.memory_space<semaphore_mem>>) src(%dma_wait3A_1297 : memref<64x128xf32, #tpu.memory_space<hbm>>) dst(%dma_wait3A_1294 : memref<64x128xf32, #tpu.memory_space<vmem>>)
      %and3A_1298 = arith.constant 127 : i32
      %and3A_1299 = arith.andi %squeeze3A_323, %and3A_1298 : i32
      %broadcast_in_dim3A_1300 = vector.broadcast %and3A_1299 : i32 to vector<16xi32>
      %mul3A_1301 = arith.constant 16 : i32
      %mul3A_1302 = arith.muli %scan3A_285, %mul3A_1301 : i32
      %add3A_1303 = arith.constant 12 : i32
      %add3A_1304 = arith.addi %mul3A_1302, %add3A_1303 : i32
      %broadcast_in_dim3A_1305 = vector.broadcast %add3A_1304 : i32 to vector<16xi32>
      %add3A_1306 = arith.constant 0 : i32
      %add3A_1307 = vector.broadcast %add3A_1306 : i32 to vector<16xi32>
      %add3A_1308 = arith.addi %iota3A, %add3A_1307 : vector<16xi32>
      %gather3A_1309 = arith.constant 4 : i32
      %gather3A_1310 = arith.constant 0 : i32
      %gather3A_1311 = arith.constant 0 : i32
      %gather3A_1312 = tpu.memref_slice %arg6[%gather3A_1309, %gather3A_1310, %gather3A_1311] : memref<8x64x128xf32, #tpu.memory_space<vmem>> -> memref<1x64x128xf32, #tpu.memory_space<vmem>>
      %gather3A_1313 = tpu.memref_squeeze %gather3A_1312 : memref<1x64x128xf32, #tpu.memory_space<vmem>> -> memref<64x128xf32, #tpu.memory_space<vmem>>
      %gather3A_1314 = tpu.vector_load_idx %gather3A_1313[%add3A_1308, %broadcast_in_dim3A_1300] : memref<64x128xf32, #tpu.memory_space<vmem>>[vector<16xi32>, vector<16xi32>], vector<16xf32>,
      tpu.vector_store_idx %arg7[%add3A_1308, %broadcast_in_dim3A_1305], %gather3A_1314 : memref<64x512xf32, #tpu.memory_space<vmem>>[vector<16xi32>, vector<16xi32>], vector<16xf32>,
      %add3A_1315 = arith.constant 16 : i32
      %add3A_1316 = vector.broadcast %add3A_1315 : i32 to vector<16xi32>
      %add3A_1317 = arith.addi %iota3A, %add3A_1316 : vector<16xi32>
      %gather3A_1318 = arith.constant 4 : i32
      %gather3A_1319 = arith.constant 0 : i32
      %gather3A_1320 = arith.constant 0 : i32
      %gather3A_1321 = tpu.memref_slice %arg6[%gather3A_1318, %gather3A_1319, %gather3A_1320] : memref<8x64x128xf32, #tpu.memory_space<vmem>> -> memref<1x64x128xf32, #tpu.memory_space<vmem>>
      %gather3A_1322 = tpu.memref_squeeze %gather3A_1321 : memref<1x64x128xf32, #tpu.memory_space<vmem>> -> memref<64x128xf32, #tpu.memory_space<vmem>>
      %gather3A_1323 = tpu.vector_load_idx %gather3A_1322[%add3A_1317, %broadcast_in_dim3A_1300] : memref<64x128xf32, #tpu.memory_space<vmem>>[vector<16xi32>, vector<16xi32>], vector<16xf32>,
      tpu.vector_store_idx %arg7[%add3A_1317, %broadcast_in_dim3A_1305], %gather3A_1323 : memref<64x512xf32, #tpu.memory_space<vmem>>[vector<16xi32>, vector<16xi32>], vector<16xf32>,
      %add3A_1324 = arith.constant 32 : i32
      %add3A_1325 = vector.broadcast %add3A_1324 : i32 to vector<16xi32>
      %add3A_1326 = arith.addi %iota3A, %add3A_1325 : vector<16xi32>
      %gather3A_1327 = arith.constant 4 : i32
      %gather3A_1328 = arith.constant 0 : i32
      %gather3A_1329 = arith.constant 0 : i32
      %gather3A_1330 = tpu.memref_slice %arg6[%gather3A_1327, %gather3A_1328, %gather3A_1329] : memref<8x64x128xf32, #tpu.memory_space<vmem>> -> memref<1x64x128xf32, #tpu.memory_space<vmem>>
      %gather3A_1331 = tpu.memref_squeeze %gather3A_1330 : memref<1x64x128xf32, #tpu.memory_space<vmem>> -> memref<64x128xf32, #tpu.memory_space<vmem>>
      %gather3A_1332 = tpu.vector_load_idx %gather3A_1331[%add3A_1326, %broadcast_in_dim3A_1300] : memref<64x128xf32, #tpu.memory_space<vmem>>[vector<16xi32>, vector<16xi32>], vector<16xf32>,
      tpu.vector_store_idx %arg7[%add3A_1326, %broadcast_in_dim3A_1305], %gather3A_1332 : memref<64x512xf32, #tpu.memory_space<vmem>>[vector<16xi32>, vector<16xi32>], vector<16xf32>,
      %add3A_1333 = arith.constant 48 : i32
      %add3A_1334 = vector.broadcast %add3A_1333 : i32 to vector<16xi32>
      %add3A_1335 = arith.addi %iota3A, %add3A_1334 : vector<16xi32>
      %gather3A_1336 = arith.constant 4 : i32
      %gather3A_1337 = arith.constant 0 : i32
      %gather3A_1338 = arith.constant 0 : i32
      %gather3A_1339 = tpu.memref_slice %arg6[%gather3A_1336, %gather3A_1337, %gather3A_1338] : memref<8x64x128xf32, #tpu.memory_space<vmem>> -> memref<1x64x128xf32, #tpu.memory_space<vmem>>
      %gather3A_1340 = tpu.memref_squeeze %gather3A_1339 : memref<1x64x128xf32, #tpu.memory_space<vmem>> -> memref<64x128xf32, #tpu.memory_space<vmem>>
      %gather3A_1341 = tpu.vector_load_idx %gather3A_1340[%add3A_1335, %broadcast_in_dim3A_1300] : memref<64x128xf32, #tpu.memory_space<vmem>>[vector<16xi32>, vector<16xi32>], vector<16xf32>,
      tpu.vector_store_idx %arg7[%add3A_1335, %broadcast_in_dim3A_1305], %gather3A_1341 : memref<64x512xf32, #tpu.memory_space<vmem>>[vector<16xi32>, vector<16xi32>], vector<16xf32>,
      %shift_right_arithmetic3A_1342 = arith.constant 7 : i32
      %shift_right_arithmetic3A_1343 = arith.shrsi %squeeze3A_339, %shift_right_arithmetic3A_1342 : i32
      %mul3A_1344 = arith.constant 128 : i32
      %mul3A_1345 = arith.muli %shift_right_arithmetic3A_1343, %mul3A_1344 : i32
      %multiple_of3A_1346 = tpu.assume_multiple %mul3A_1345, 128 : i32
      %dma_start3A_1347 = arith.constant 4 : i32
      %dma_start3A_1348 = arith.constant 0 : i32
      %dma_start3A_1349 = arith.constant 0 : i32
      %dma_start3A_1350 = tpu.memref_slice %arg6[%dma_start3A_1347, %dma_start3A_1348, %dma_start3A_1349] : memref<8x64x128xf32, #tpu.memory_space<vmem>> -> memref<1x64x128xf32, #tpu.memory_space<vmem>>
      %dma_start3A_1351 = tpu.memref_squeeze %dma_start3A_1350 : memref<1x64x128xf32, #tpu.memory_space<vmem>> -> memref<64x128xf32, #tpu.memory_space<vmem>>
      %dma_start3A_1352 = arith.constant 0 : i32
      %dma_start3A_1353 = tpu.memref_slice %arg2[%dma_start3A_1352, %multiple_of3A_1346] : memref<64x1000000xf32, #tpu.memory_space<hbm>> -> memref<64x128xf32, #tpu.memory_space<hbm>>
      %dma_start3A_1354 = arith.constant 0 : i32
      %dma_start3A_1355 = arith.constant 0 : i32
      %dma_start3A_1356 = tpu.memref_slice %arg6[%dma_start3A_1347, %dma_start3A_1354, %dma_start3A_1355] : memref<8x64x128xf32, #tpu.memory_space<vmem>> -> memref<1x64x128xf32, #tpu.memory_space<vmem>>
      %dma_start3A_1357 = tpu.memref_squeeze %dma_start3A_1356 : memref<1x64x128xf32, #tpu.memory_space<vmem>> -> memref<64x128xf32, #tpu.memory_space<vmem>>
      %dma_start3A_1358 = arith.constant 0 : i32
      %dma_start3A_1359 = tpu.memref_slice %arg2[%dma_start3A_1358, %multiple_of3A_1346] : memref<64x1000000xf32, #tpu.memory_space<hbm>> -> memref<64x128xf32, #tpu.memory_space<hbm>>
      tpu.enqueue_dma source(%dma_start3A_1359 : memref<64x128xf32, #tpu.memory_space<hbm>>) target(%dma_start3A_1357 : memref<64x128xf32, #tpu.memory_space<vmem>>) target_semaphore(%arg12 : memref<!tpu.dma_semaphore, #tpu.memory_space<semaphore_mem>>)
      %dma_wait3A_1360 = arith.constant 5 : i32
      %dma_wait3A_1361 = arith.constant 0 : i32
      %dma_wait3A_1362 = arith.constant 0 : i32
      %dma_wait3A_1363 = tpu.memref_slice %arg6[%dma_wait3A_1360, %dma_wait3A_1361, %dma_wait3A_1362] : memref<8x64x128xf32, #tpu.memory_space<vmem>> -> memref<1x64x128xf32, #tpu.memory_space<vmem>>
      %dma_wait3A_1364 = tpu.memref_squeeze %dma_wait3A_1363 : memref<1x64x128xf32, #tpu.memory_space<vmem>> -> memref<64x128xf32, #tpu.memory_space<vmem>>
      %dma_wait3A_1365 = arith.constant 0 : i32
      %dma_wait3A_1366 = arith.constant 0 : i32
      %dma_wait3A_1367 = tpu.memref_slice %arg2[%dma_wait3A_1365, %dma_wait3A_1366] : memref<64x1000000xf32, #tpu.memory_space<hbm>> -> memref<64x128xf32, #tpu.memory_space<hbm>>
      %dma_wait3A_1368 = arith.constant 0 : i32
      %dma_wait3A_1369 = arith.constant 0 : i32
      %dma_wait3A_1370 = tpu.memref_slice %arg6[%dma_wait3A_1360, %dma_wait3A_1368, %dma_wait3A_1369] : memref<8x64x128xf32, #tpu.memory_space<vmem>> -> memref<1x64x128xf32, #tpu.memory_space<vmem>>
      %dma_wait3A_1371 = tpu.memref_squeeze %dma_wait3A_1370 : memref<1x64x128xf32, #tpu.memory_space<vmem>> -> memref<64x128xf32, #tpu.memory_space<vmem>>
      %dma_wait3A_1372 = arith.constant 0 : i32
      %dma_wait3A_1373 = arith.constant 0 : i32
      %dma_wait3A_1374 = tpu.memref_slice %arg2[%dma_wait3A_1372, %dma_wait3A_1373] : memref<64x1000000xf32, #tpu.memory_space<hbm>> -> memref<64x128xf32, #tpu.memory_space<hbm>>
      tpu.wait_dma2 semaphore(%arg13 : memref<!tpu.dma_semaphore, #tpu.memory_space<semaphore_mem>>) src(%dma_wait3A_1374 : memref<64x128xf32, #tpu.memory_space<hbm>>) dst(%dma_wait3A_1371 : memref<64x128xf32, #tpu.memory_space<vmem>>)
      %and3A_1375 = arith.constant 127 : i32
      %and3A_1376 = arith.andi %squeeze3A_325, %and3A_1375 : i32
      %broadcast_in_dim3A_1377 = vector.broadcast %and3A_1376 : i32 to vector<16xi32>
      %mul3A_1378 = arith.constant 16 : i32
      %mul3A_1379 = arith.muli %scan3A_285, %mul3A_1378 : i32
      %add3A_1380 = arith.constant 13 : i32
      %add3A_1381 = arith.addi %mul3A_1379, %add3A_1380 : i32
      %broadcast_in_dim3A_1382 = vector.broadcast %add3A_1381 : i32 to vector<16xi32>
      %add3A_1383 = arith.constant 0 : i32
      %add3A_1384 = vector.broadcast %add3A_1383 : i32 to vector<16xi32>
      %add3A_1385 = arith.addi %iota3A, %add3A_1384 : vector<16xi32>
      %gather3A_1386 = arith.constant 5 : i32
      %gather3A_1387 = arith.constant 0 : i32
      %gather3A_1388 = arith.constant 0 : i32
      %gather3A_1389 = tpu.memref_slice %arg6[%gather3A_1386, %gather3A_1387, %gather3A_1388] : memref<8x64x128xf32, #tpu.memory_space<vmem>> -> memref<1x64x128xf32, #tpu.memory_space<vmem>>
      %gather3A_1390 = tpu.memref_squeeze %gather3A_1389 : memref<1x64x128xf32, #tpu.memory_space<vmem>> -> memref<64x128xf32, #tpu.memory_space<vmem>>
      %gather3A_1391 = tpu.vector_load_idx %gather3A_1390[%add3A_1385, %broadcast_in_dim3A_1377] : memref<64x128xf32, #tpu.memory_space<vmem>>[vector<16xi32>, vector<16xi32>], vector<16xf32>,
      tpu.vector_store_idx %arg7[%add3A_1385, %broadcast_in_dim3A_1382], %gather3A_1391 : memref<64x512xf32, #tpu.memory_space<vmem>>[vector<16xi32>, vector<16xi32>], vector<16xf32>,
      %add3A_1392 = arith.constant 16 : i32
      %add3A_1393 = vector.broadcast %add3A_1392 : i32 to vector<16xi32>
      %add3A_1394 = arith.addi %iota3A, %add3A_1393 : vector<16xi32>
      %gather3A_1395 = arith.constant 5 : i32
      %gather3A_1396 = arith.constant 0 : i32
      %gather3A_1397 = arith.constant 0 : i32
      %gather3A_1398 = tpu.memref_slice %arg6[%gather3A_1395, %gather3A_1396, %gather3A_1397] : memref<8x64x128xf32, #tpu.memory_space<vmem>> -> memref<1x64x128xf32, #tpu.memory_space<vmem>>
      %gather3A_1399 = tpu.memref_squeeze %gather3A_1398 : memref<1x64x128xf32, #tpu.memory_space<vmem>> -> memref<64x128xf32, #tpu.memory_space<vmem>>
      %gather3A_1400 = tpu.vector_load_idx %gather3A_1399[%add3A_1394, %broadcast_in_dim3A_1377] : memref<64x128xf32, #tpu.memory_space<vmem>>[vector<16xi32>, vector<16xi32>], vector<16xf32>,
      tpu.vector_store_idx %arg7[%add3A_1394, %broadcast_in_dim3A_1382], %gather3A_1400 : memref<64x512xf32, #tpu.memory_space<vmem>>[vector<16xi32>, vector<16xi32>], vector<16xf32>,
      %add3A_1401 = arith.constant 32 : i32
      %add3A_1402 = vector.broadcast %add3A_1401 : i32 to vector<16xi32>
      %add3A_1403 = arith.addi %iota3A, %add3A_1402 : vector<16xi32>
      %gather3A_1404 = arith.constant 5 : i32
      %gather3A_1405 = arith.constant 0 : i32
      %gather3A_1406 = arith.constant 0 : i32
      %gather3A_1407 = tpu.memref_slice %arg6[%gather3A_1404, %gather3A_1405, %gather3A_1406] : memref<8x64x128xf32, #tpu.memory_space<vmem>> -> memref<1x64x128xf32, #tpu.memory_space<vmem>>
      %gather3A_1408 = tpu.memref_squeeze %gather3A_1407 : memref<1x64x128xf32, #tpu.memory_space<vmem>> -> memref<64x128xf32, #tpu.memory_space<vmem>>
      %gather3A_1409 = tpu.vector_load_idx %gather3A_1408[%add3A_1403, %broadcast_in_dim3A_1377] : memref<64x128xf32, #tpu.memory_space<vmem>>[vector<16xi32>, vector<16xi32>], vector<16xf32>,
      tpu.vector_store_idx %arg7[%add3A_1403, %broadcast_in_dim3A_1382], %gather3A_1409 : memref<64x512xf32, #tpu.memory_space<vmem>>[vector<16xi32>, vector<16xi32>], vector<16xf32>,
      %add3A_1410 = arith.constant 48 : i32
      %add3A_1411 = vector.broadcast %add3A_1410 : i32 to vector<16xi32>
      %add3A_1412 = arith.addi %iota3A, %add3A_1411 : vector<16xi32>
      %gather3A_1413 = arith.constant 5 : i32
      %gather3A_1414 = arith.constant 0 : i32
      %gather3A_1415 = arith.constant 0 : i32
      %gather3A_1416 = tpu.memref_slice %arg6[%gather3A_1413, %gather3A_1414, %gather3A_1415] : memref<8x64x128xf32, #tpu.memory_space<vmem>> -> memref<1x64x128xf32, #tpu.memory_space<vmem>>
      %gather3A_1417 = tpu.memref_squeeze %gather3A_1416 : memref<1x64x128xf32, #tpu.memory_space<vmem>> -> memref<64x128xf32, #tpu.memory_space<vmem>>
      %gather3A_1418 = tpu.vector_load_idx %gather3A_1417[%add3A_1412, %broadcast_in_dim3A_1377] : memref<64x128xf32, #tpu.memory_space<vmem>>[vector<16xi32>, vector<16xi32>], vector<16xf32>,
      tpu.vector_store_idx %arg7[%add3A_1412, %broadcast_in_dim3A_1382], %gather3A_1418 : memref<64x512xf32, #tpu.memory_space<vmem>>[vector<16xi32>, vector<16xi32>], vector<16xf32>,
      %shift_right_arithmetic3A_1419 = arith.constant 7 : i32
      %shift_right_arithmetic3A_1420 = arith.shrsi %squeeze3A_341, %shift_right_arithmetic3A_1419 : i32
      %mul3A_1421 = arith.constant 128 : i32
      %mul3A_1422 = arith.muli %shift_right_arithmetic3A_1420, %mul3A_1421 : i32
      %multiple_of3A_1423 = tpu.assume_multiple %mul3A_1422, 128 : i32
      %dma_start3A_1424 = arith.constant 5 : i32
      %dma_start3A_1425 = arith.constant 0 : i32
      %dma_start3A_1426 = arith.constant 0 : i32
      %dma_start3A_1427 = tpu.memref_slice %arg6[%dma_start3A_1424, %dma_start3A_1425, %dma_start3A_1426] : memref<8x64x128xf32, #tpu.memory_space<vmem>> -> memref<1x64x128xf32, #tpu.memory_space<vmem>>
      %dma_start3A_1428 = tpu.memref_squeeze %dma_start3A_1427 : memref<1x64x128xf32, #tpu.memory_space<vmem>> -> memref<64x128xf32, #tpu.memory_space<vmem>>
      %dma_start3A_1429 = arith.constant 0 : i32
      %dma_start3A_1430 = tpu.memref_slice %arg2[%dma_start3A_1429, %multiple_of3A_1423] : memref<64x1000000xf32, #tpu.memory_space<hbm>> -> memref<64x128xf32, #tpu.memory_space<hbm>>
      %dma_start3A_1431 = arith.constant 0 : i32
      %dma_start3A_1432 = arith.constant 0 : i32
      %dma_start3A_1433 = tpu.memref_slice %arg6[%dma_start3A_1424, %dma_start3A_1431, %dma_start3A_1432] : memref<8x64x128xf32, #tpu.memory_space<vmem>> -> memref<1x64x128xf32, #tpu.memory_space<vmem>>
      %dma_start3A_1434 = tpu.memref_squeeze %dma_start3A_1433 : memref<1x64x128xf32, #tpu.memory_space<vmem>> -> memref<64x128xf32, #tpu.memory_space<vmem>>
      %dma_start3A_1435 = arith.constant 0 : i32
      %dma_start3A_1436 = tpu.memref_slice %arg2[%dma_start3A_1435, %multiple_of3A_1423] : memref<64x1000000xf32, #tpu.memory_space<hbm>> -> memref<64x128xf32, #tpu.memory_space<hbm>>
      tpu.enqueue_dma source(%dma_start3A_1436 : memref<64x128xf32, #tpu.memory_space<hbm>>) target(%dma_start3A_1434 : memref<64x128xf32, #tpu.memory_space<vmem>>) target_semaphore(%arg13 : memref<!tpu.dma_semaphore, #tpu.memory_space<semaphore_mem>>)
      %dma_wait3A_1437 = arith.constant 6 : i32
      %dma_wait3A_1438 = arith.constant 0 : i32
      %dma_wait3A_1439 = arith.constant 0 : i32
      %dma_wait3A_1440 = tpu.memref_slice %arg6[%dma_wait3A_1437, %dma_wait3A_1438, %dma_wait3A_1439] : memref<8x64x128xf32, #tpu.memory_space<vmem>> -> memref<1x64x128xf32, #tpu.memory_space<vmem>>
      %dma_wait3A_1441 = tpu.memref_squeeze %dma_wait3A_1440 : memref<1x64x128xf32, #tpu.memory_space<vmem>> -> memref<64x128xf32, #tpu.memory_space<vmem>>
      %dma_wait3A_1442 = arith.constant 0 : i32
      %dma_wait3A_1443 = arith.constant 0 : i32
      %dma_wait3A_1444 = tpu.memref_slice %arg2[%dma_wait3A_1442, %dma_wait3A_1443] : memref<64x1000000xf32, #tpu.memory_space<hbm>> -> memref<64x128xf32, #tpu.memory_space<hbm>>
      %dma_wait3A_1445 = arith.constant 0 : i32
      %dma_wait3A_1446 = arith.constant 0 : i32
      %dma_wait3A_1447 = tpu.memref_slice %arg6[%dma_wait3A_1437, %dma_wait3A_1445, %dma_wait3A_1446] : memref<8x64x128xf32, #tpu.memory_space<vmem>> -> memref<1x64x128xf32, #tpu.memory_space<vmem>>
      %dma_wait3A_1448 = tpu.memref_squeeze %dma_wait3A_1447 : memref<1x64x128xf32, #tpu.memory_space<vmem>> -> memref<64x128xf32, #tpu.memory_space<vmem>>
      %dma_wait3A_1449 = arith.constant 0 : i32
      %dma_wait3A_1450 = arith.constant 0 : i32
      %dma_wait3A_1451 = tpu.memref_slice %arg2[%dma_wait3A_1449, %dma_wait3A_1450] : memref<64x1000000xf32, #tpu.memory_space<hbm>> -> memref<64x128xf32, #tpu.memory_space<hbm>>
      tpu.wait_dma2 semaphore(%arg14 : memref<!tpu.dma_semaphore, #tpu.memory_space<semaphore_mem>>) src(%dma_wait3A_1451 : memref<64x128xf32, #tpu.memory_space<hbm>>) dst(%dma_wait3A_1448 : memref<64x128xf32, #tpu.memory_space<vmem>>)
      %and3A_1452 = arith.constant 127 : i32
      %and3A_1453 = arith.andi %squeeze3A_327, %and3A_1452 : i32
      %broadcast_in_dim3A_1454 = vector.broadcast %and3A_1453 : i32 to vector<16xi32>
      %mul3A_1455 = arith.constant 16 : i32
      %mul3A_1456 = arith.muli %scan3A_285, %mul3A_1455 : i32
      %add3A_1457 = arith.constant 14 : i32
      %add3A_1458 = arith.addi %mul3A_1456, %add3A_1457 : i32
      %broadcast_in_dim3A_1459 = vector.broadcast %add3A_1458 : i32 to vector<16xi32>
      %add3A_1460 = arith.constant 0 : i32
      %add3A_1461 = vector.broadcast %add3A_1460 : i32 to vector<16xi32>
      %add3A_1462 = arith.addi %iota3A, %add3A_1461 : vector<16xi32>
      %gather3A_1463 = arith.constant 6 : i32
      %gather3A_1464 = arith.constant 0 : i32
      %gather3A_1465 = arith.constant 0 : i32
      %gather3A_1466 = tpu.memref_slice %arg6[%gather3A_1463, %gather3A_1464, %gather3A_1465] : memref<8x64x128xf32, #tpu.memory_space<vmem>> -> memref<1x64x128xf32, #tpu.memory_space<vmem>>
      %gather3A_1467 = tpu.memref_squeeze %gather3A_1466 : memref<1x64x128xf32, #tpu.memory_space<vmem>> -> memref<64x128xf32, #tpu.memory_space<vmem>>
      %gather3A_1468 = tpu.vector_load_idx %gather3A_1467[%add3A_1462, %broadcast_in_dim3A_1454] : memref<64x128xf32, #tpu.memory_space<vmem>>[vector<16xi32>, vector<16xi32>], vector<16xf32>,
      tpu.vector_store_idx %arg7[%add3A_1462, %broadcast_in_dim3A_1459], %gather3A_1468 : memref<64x512xf32, #tpu.memory_space<vmem>>[vector<16xi32>, vector<16xi32>], vector<16xf32>,
      %add3A_1469 = arith.constant 16 : i32
      %add3A_1470 = vector.broadcast %add3A_1469 : i32 to vector<16xi32>
      %add3A_1471 = arith.addi %iota3A, %add3A_1470 : vector<16xi32>
      %gather3A_1472 = arith.constant 6 : i32
      %gather3A_1473 = arith.constant 0 : i32
      %gather3A_1474 = arith.constant 0 : i32
      %gather3A_1475 = tpu.memref_slice %arg6[%gather3A_1472, %gather3A_1473, %gather3A_1474] : memref<8x64x128xf32, #tpu.memory_space<vmem>> -> memref<1x64x128xf32, #tpu.memory_space<vmem>>
      %gather3A_1476 = tpu.memref_squeeze %gather3A_1475 : memref<1x64x128xf32, #tpu.memory_space<vmem>> -> memref<64x128xf32, #tpu.memory_space<vmem>>
      %gather3A_1477 = tpu.vector_load_idx %gather3A_1476[%add3A_1471, %broadcast_in_dim3A_1454] : memref<64x128xf32, #tpu.memory_space<vmem>>[vector<16xi32>, vector<16xi32>], vector<16xf32>,
      tpu.vector_store_idx %arg7[%add3A_1471, %broadcast_in_dim3A_1459], %gather3A_1477 : memref<64x512xf32, #tpu.memory_space<vmem>>[vector<16xi32>, vector<16xi32>], vector<16xf32>,
      %add3A_1478 = arith.constant 32 : i32
      %add3A_1479 = vector.broadcast %add3A_1478 : i32 to vector<16xi32>
      %add3A_1480 = arith.addi %iota3A, %add3A_1479 : vector<16xi32>
      %gather3A_1481 = arith.constant 6 : i32
      %gather3A_1482 = arith.constant 0 : i32
      %gather3A_1483 = arith.constant 0 : i32
      %gather3A_1484 = tpu.memref_slice %arg6[%gather3A_1481, %gather3A_1482, %gather3A_1483] : memref<8x64x128xf32, #tpu.memory_space<vmem>> -> memref<1x64x128xf32, #tpu.memory_space<vmem>>
      %gather3A_1485 = tpu.memref_squeeze %gather3A_1484 : memref<1x64x128xf32, #tpu.memory_space<vmem>> -> memref<64x128xf32, #tpu.memory_space<vmem>>
      %gather3A_1486 = tpu.vector_load_idx %gather3A_1485[%add3A_1480, %broadcast_in_dim3A_1454] : memref<64x128xf32, #tpu.memory_space<vmem>>[vector<16xi32>, vector<16xi32>], vector<16xf32>,
      tpu.vector_store_idx %arg7[%add3A_1480, %broadcast_in_dim3A_1459], %gather3A_1486 : memref<64x512xf32, #tpu.memory_space<vmem>>[vector<16xi32>, vector<16xi32>], vector<16xf32>,
      %add3A_1487 = arith.constant 48 : i32
      %add3A_1488 = vector.broadcast %add3A_1487 : i32 to vector<16xi32>
      %add3A_1489 = arith.addi %iota3A, %add3A_1488 : vector<16xi32>
      %gather3A_1490 = arith.constant 6 : i32
      %gather3A_1491 = arith.constant 0 : i32
      %gather3A_1492 = arith.constant 0 : i32
      %gather3A_1493 = tpu.memref_slice %arg6[%gather3A_1490, %gather3A_1491, %gather3A_1492] : memref<8x64x128xf32, #tpu.memory_space<vmem>> -> memref<1x64x128xf32, #tpu.memory_space<vmem>>
      %gather3A_1494 = tpu.memref_squeeze %gather3A_1493 : memref<1x64x128xf32, #tpu.memory_space<vmem>> -> memref<64x128xf32, #tpu.memory_space<vmem>>
      %gather3A_1495 = tpu.vector_load_idx %gather3A_1494[%add3A_1489, %broadcast_in_dim3A_1454] : memref<64x128xf32, #tpu.memory_space<vmem>>[vector<16xi32>, vector<16xi32>], vector<16xf32>,
      tpu.vector_store_idx %arg7[%add3A_1489, %broadcast_in_dim3A_1459], %gather3A_1495 : memref<64x512xf32, #tpu.memory_space<vmem>>[vector<16xi32>, vector<16xi32>], vector<16xf32>,
      %shift_right_arithmetic3A_1496 = arith.constant 7 : i32
      %shift_right_arithmetic3A_1497 = arith.shrsi %squeeze3A_343, %shift_right_arithmetic3A_1496 : i32
      %mul3A_1498 = arith.constant 128 : i32
      %mul3A_1499 = arith.muli %shift_right_arithmetic3A_1497, %mul3A_1498 : i32
      %multiple_of3A_1500 = tpu.assume_multiple %mul3A_1499, 128 : i32
      %dma_start3A_1501 = arith.constant 6 : i32
      %dma_start3A_1502 = arith.constant 0 : i32
      %dma_start3A_1503 = arith.constant 0 : i32
      %dma_start3A_1504 = tpu.memref_slice %arg6[%dma_start3A_1501, %dma_start3A_1502, %dma_start3A_1503] : memref<8x64x128xf32, #tpu.memory_space<vmem>> -> memref<1x64x128xf32, #tpu.memory_space<vmem>>
      %dma_start3A_1505 = tpu.memref_squeeze %dma_start3A_1504 : memref<1x64x128xf32, #tpu.memory_space<vmem>> -> memref<64x128xf32, #tpu.memory_space<vmem>>
      %dma_start3A_1506 = arith.constant 0 : i32
      %dma_start3A_1507 = tpu.memref_slice %arg2[%dma_start3A_1506, %multiple_of3A_1500] : memref<64x1000000xf32, #tpu.memory_space<hbm>> -> memref<64x128xf32, #tpu.memory_space<hbm>>
      %dma_start3A_1508 = arith.constant 0 : i32
      %dma_start3A_1509 = arith.constant 0 : i32
      %dma_start3A_1510 = tpu.memref_slice %arg6[%dma_start3A_1501, %dma_start3A_1508, %dma_start3A_1509] : memref<8x64x128xf32, #tpu.memory_space<vmem>> -> memref<1x64x128xf32, #tpu.memory_space<vmem>>
      %dma_start3A_1511 = tpu.memref_squeeze %dma_start3A_1510 : memref<1x64x128xf32, #tpu.memory_space<vmem>> -> memref<64x128xf32, #tpu.memory_space<vmem>>
      %dma_start3A_1512 = arith.constant 0 : i32
      %dma_start3A_1513 = tpu.memref_slice %arg2[%dma_start3A_1512, %multiple_of3A_1500] : memref<64x1000000xf32, #tpu.memory_space<hbm>> -> memref<64x128xf32, #tpu.memory_space<hbm>>
      tpu.enqueue_dma source(%dma_start3A_1513 : memref<64x128xf32, #tpu.memory_space<hbm>>) target(%dma_start3A_1511 : memref<64x128xf32, #tpu.memory_space<vmem>>) target_semaphore(%arg14 : memref<!tpu.dma_semaphore, #tpu.memory_space<semaphore_mem>>)
      %dma_wait3A_1514 = arith.constant 7 : i32
      %dma_wait3A_1515 = arith.constant 0 : i32
      %dma_wait3A_1516 = arith.constant 0 : i32
      %dma_wait3A_1517 = tpu.memref_slice %arg6[%dma_wait3A_1514, %dma_wait3A_1515, %dma_wait3A_1516] : memref<8x64x128xf32, #tpu.memory_space<vmem>> -> memref<1x64x128xf32, #tpu.memory_space<vmem>>
      %dma_wait3A_1518 = tpu.memref_squeeze %dma_wait3A_1517 : memref<1x64x128xf32, #tpu.memory_space<vmem>> -> memref<64x128xf32, #tpu.memory_space<vmem>>
      %dma_wait3A_1519 = arith.constant 0 : i32
      %dma_wait3A_1520 = arith.constant 0 : i32
      %dma_wait3A_1521 = tpu.memref_slice %arg2[%dma_wait3A_1519, %dma_wait3A_1520] : memref<64x1000000xf32, #tpu.memory_space<hbm>> -> memref<64x128xf32, #tpu.memory_space<hbm>>
      %dma_wait3A_1522 = arith.constant 0 : i32
      %dma_wait3A_1523 = arith.constant 0 : i32
      %dma_wait3A_1524 = tpu.memref_slice %arg6[%dma_wait3A_1514, %dma_wait3A_1522, %dma_wait3A_1523] : memref<8x64x128xf32, #tpu.memory_space<vmem>> -> memref<1x64x128xf32, #tpu.memory_space<vmem>>
      %dma_wait3A_1525 = tpu.memref_squeeze %dma_wait3A_1524 : memref<1x64x128xf32, #tpu.memory_space<vmem>> -> memref<64x128xf32, #tpu.memory_space<vmem>>
      %dma_wait3A_1526 = arith.constant 0 : i32
      %dma_wait3A_1527 = arith.constant 0 : i32
      %dma_wait3A_1528 = tpu.memref_slice %arg2[%dma_wait3A_1526, %dma_wait3A_1527] : memref<64x1000000xf32, #tpu.memory_space<hbm>> -> memref<64x128xf32, #tpu.memory_space<hbm>>
      tpu.wait_dma2 semaphore(%arg15 : memref<!tpu.dma_semaphore, #tpu.memory_space<semaphore_mem>>) src(%dma_wait3A_1528 : memref<64x128xf32, #tpu.memory_space<hbm>>) dst(%dma_wait3A_1525 : memref<64x128xf32, #tpu.memory_space<vmem>>)
      %and3A_1529 = arith.constant 127 : i32
      %and3A_1530 = arith.andi %squeeze3A_329, %and3A_1529 : i32
      %broadcast_in_dim3A_1531 = vector.broadcast %and3A_1530 : i32 to vector<16xi32>
      %mul3A_1532 = arith.constant 16 : i32
      %mul3A_1533 = arith.muli %scan3A_285, %mul3A_1532 : i32
      %add3A_1534 = arith.constant 15 : i32
      %add3A_1535 = arith.addi %mul3A_1533, %add3A_1534 : i32
      %broadcast_in_dim3A_1536 = vector.broadcast %add3A_1535 : i32 to vector<16xi32>
      %add3A_1537 = arith.constant 0 : i32
      %add3A_1538 = vector.broadcast %add3A_1537 : i32 to vector<16xi32>
      %add3A_1539 = arith.addi %iota3A, %add3A_1538 : vector<16xi32>
      %gather3A_1540 = arith.constant 7 : i32
      %gather3A_1541 = arith.constant 0 : i32
      %gather3A_1542 = arith.constant 0 : i32
      %gather3A_1543 = tpu.memref_slice %arg6[%gather3A_1540, %gather3A_1541, %gather3A_1542] : memref<8x64x128xf32, #tpu.memory_space<vmem>> -> memref<1x64x128xf32, #tpu.memory_space<vmem>>
      %gather3A_1544 = tpu.memref_squeeze %gather3A_1543 : memref<1x64x128xf32, #tpu.memory_space<vmem>> -> memref<64x128xf32, #tpu.memory_space<vmem>>
      %gather3A_1545 = tpu.vector_load_idx %gather3A_1544[%add3A_1539, %broadcast_in_dim3A_1531] : memref<64x128xf32, #tpu.memory_space<vmem>>[vector<16xi32>, vector<16xi32>], vector<16xf32>,
      tpu.vector_store_idx %arg7[%add3A_1539, %broadcast_in_dim3A_1536], %gather3A_1545 : memref<64x512xf32, #tpu.memory_space<vmem>>[vector<16xi32>, vector<16xi32>], vector<16xf32>,
      %add3A_1546 = arith.constant 16 : i32
      %add3A_1547 = vector.broadcast %add3A_1546 : i32 to vector<16xi32>
      %add3A_1548 = arith.addi %iota3A, %add3A_1547 : vector<16xi32>
      %gather3A_1549 = arith.constant 7 : i32
      %gather3A_1550 = arith.constant 0 : i32
      %gather3A_1551 = arith.constant 0 : i32
      %gather3A_1552 = tpu.memref_slice %arg6[%gather3A_1549, %gather3A_1550, %gather3A_1551] : memref<8x64x128xf32, #tpu.memory_space<vmem>> -> memref<1x64x128xf32, #tpu.memory_space<vmem>>
      %gather3A_1553 = tpu.memref_squeeze %gather3A_1552 : memref<1x64x128xf32, #tpu.memory_space<vmem>> -> memref<64x128xf32, #tpu.memory_space<vmem>>
      %gather3A_1554 = tpu.vector_load_idx %gather3A_1553[%add3A_1548, %broadcast_in_dim3A_1531] : memref<64x128xf32, #tpu.memory_space<vmem>>[vector<16xi32>, vector<16xi32>], vector<16xf32>,
      tpu.vector_store_idx %arg7[%add3A_1548, %broadcast_in_dim3A_1536], %gather3A_1554 : memref<64x512xf32, #tpu.memory_space<vmem>>[vector<16xi32>, vector<16xi32>], vector<16xf32>,
      %add3A_1555 = arith.constant 32 : i32
      %add3A_1556 = vector.broadcast %add3A_1555 : i32 to vector<16xi32>
      %add3A_1557 = arith.addi %iota3A, %add3A_1556 : vector<16xi32>
      %gather3A_1558 = arith.constant 7 : i32
      %gather3A_1559 = arith.constant 0 : i32
      %gather3A_1560 = arith.constant 0 : i32
      %gather3A_1561 = tpu.memref_slice %arg6[%gather3A_1558, %gather3A_1559, %gather3A_1560] : memref<8x64x128xf32, #tpu.memory_space<vmem>> -> memref<1x64x128xf32, #tpu.memory_space<vmem>>
      %gather3A_1562 = tpu.memref_squeeze %gather3A_1561 : memref<1x64x128xf32, #tpu.memory_space<vmem>> -> memref<64x128xf32, #tpu.memory_space<vmem>>
      %gather3A_1563 = tpu.vector_load_idx %gather3A_1562[%add3A_1557, %broadcast_in_dim3A_1531] : memref<64x128xf32, #tpu.memory_space<vmem>>[vector<16xi32>, vector<16xi32>], vector<16xf32>,
      tpu.vector_store_idx %arg7[%add3A_1557, %broadcast_in_dim3A_1536], %gather3A_1563 : memref<64x512xf32, #tpu.memory_space<vmem>>[vector<16xi32>, vector<16xi32>], vector<16xf32>,
      %add3A_1564 = arith.constant 48 : i32
      %add3A_1565 = vector.broadcast %add3A_1564 : i32 to vector<16xi32>
      %add3A_1566 = arith.addi %iota3A, %add3A_1565 : vector<16xi32>
      %gather3A_1567 = arith.constant 7 : i32
      %gather3A_1568 = arith.constant 0 : i32
      %gather3A_1569 = arith.constant 0 : i32
      %gather3A_1570 = tpu.memref_slice %arg6[%gather3A_1567, %gather3A_1568, %gather3A_1569] : memref<8x64x128xf32, #tpu.memory_space<vmem>> -> memref<1x64x128xf32, #tpu.memory_space<vmem>>
      %gather3A_1571 = tpu.memref_squeeze %gather3A_1570 : memref<1x64x128xf32, #tpu.memory_space<vmem>> -> memref<64x128xf32, #tpu.memory_space<vmem>>
      %gather3A_1572 = tpu.vector_load_idx %gather3A_1571[%add3A_1566, %broadcast_in_dim3A_1531] : memref<64x128xf32, #tpu.memory_space<vmem>>[vector<16xi32>, vector<16xi32>], vector<16xf32>,
      tpu.vector_store_idx %arg7[%add3A_1566, %broadcast_in_dim3A_1536], %gather3A_1572 : memref<64x512xf32, #tpu.memory_space<vmem>>[vector<16xi32>, vector<16xi32>], vector<16xf32>,
      %shift_right_arithmetic3A_1573 = arith.constant 7 : i32
      %shift_right_arithmetic3A_1574 = arith.shrsi %squeeze3A_345, %shift_right_arithmetic3A_1573 : i32
      %mul3A_1575 = arith.constant 128 : i32
      %mul3A_1576 = arith.muli %shift_right_arithmetic3A_1574, %mul3A_1575 : i32
      %multiple_of3A_1577 = tpu.assume_multiple %mul3A_1576, 128 : i32
      %dma_start3A_1578 = arith.constant 7 : i32
      %dma_start3A_1579 = arith.constant 0 : i32
      %dma_start3A_1580 = arith.constant 0 : i32
      %dma_start3A_1581 = tpu.memref_slice %arg6[%dma_start3A_1578, %dma_start3A_1579, %dma_start3A_1580] : memref<8x64x128xf32, #tpu.memory_space<vmem>> -> memref<1x64x128xf32, #tpu.memory_space<vmem>>
      %dma_start3A_1582 = tpu.memref_squeeze %dma_start3A_1581 : memref<1x64x128xf32, #tpu.memory_space<vmem>> -> memref<64x128xf32, #tpu.memory_space<vmem>>
      %dma_start3A_1583 = arith.constant 0 : i32
      %dma_start3A_1584 = tpu.memref_slice %arg2[%dma_start3A_1583, %multiple_of3A_1577] : memref<64x1000000xf32, #tpu.memory_space<hbm>> -> memref<64x128xf32, #tpu.memory_space<hbm>>
      %dma_start3A_1585 = arith.constant 0 : i32
      %dma_start3A_1586 = arith.constant 0 : i32
      %dma_start3A_1587 = tpu.memref_slice %arg6[%dma_start3A_1578, %dma_start3A_1585, %dma_start3A_1586] : memref<8x64x128xf32, #tpu.memory_space<vmem>> -> memref<1x64x128xf32, #tpu.memory_space<vmem>>
      %dma_start3A_1588 = tpu.memref_squeeze %dma_start3A_1587 : memref<1x64x128xf32, #tpu.memory_space<vmem>> -> memref<64x128xf32, #tpu.memory_space<vmem>>
      %dma_start3A_1589 = arith.constant 0 : i32
      %dma_start3A_1590 = tpu.memref_slice %arg2[%dma_start3A_1589, %multiple_of3A_1577] : memref<64x1000000xf32, #tpu.memory_space<hbm>> -> memref<64x128xf32, #tpu.memory_space<hbm>>
      tpu.enqueue_dma source(%dma_start3A_1590 : memref<64x128xf32, #tpu.memory_space<hbm>>) target(%dma_start3A_1588 : memref<64x128xf32, #tpu.memory_space<vmem>>) target_semaphore(%arg15 : memref<!tpu.dma_semaphore, #tpu.memory_space<semaphore_mem>>)
      %scan3A_1591 = arith.constant 0 : i32
      scf.yield %scan3A_1591 : i32
    }
    %scan3A_165 = arith.constant 32 : i32
    %dma_wait3A = arith.constant 0 : i32
    %dma_wait3A_166 = arith.constant 0 : i32
    %dma_wait3A_167 = arith.constant 0 : i32
    %dma_wait3A_168 = tpu.memref_slice %arg6[%dma_wait3A, %dma_wait3A_166, %dma_wait3A_167] : memref<8x64x128xf32, #tpu.memory_space<vmem>> -> memref<1x64x128xf32, #tpu.memory_space<vmem>>
    %dma_wait3A_169 = tpu.memref_squeeze %dma_wait3A_168 : memref<1x64x128xf32, #tpu.memory_space<vmem>> -> memref<64x128xf32, #tpu.memory_space<vmem>>
    %dma_wait3A_170 = arith.constant 0 : i32
    %dma_wait3A_171 = arith.constant 0 : i32
    %dma_wait3A_172 = tpu.memref_slice %arg2[%dma_wait3A_170, %dma_wait3A_171] : memref<64x1000000xf32, #tpu.memory_space<hbm>> -> memref<64x128xf32, #tpu.memory_space<hbm>>
    %dma_wait3A_173 = arith.constant 0 : i32
    %dma_wait3A_174 = arith.constant 0 : i32
    %dma_wait3A_175 = tpu.memref_slice %arg6[%dma_wait3A, %dma_wait3A_173, %dma_wait3A_174] : memref<8x64x128xf32, #tpu.memory_space<vmem>> -> memref<1x64x128xf32, #tpu.memory_space<vmem>>
    %dma_wait3A_176 = tpu.memref_squeeze %dma_wait3A_175 : memref<1x64x128xf32, #tpu.memory_space<vmem>> -> memref<64x128xf32, #tpu.memory_space<vmem>>
    %dma_wait3A_177 = arith.constant 0 : i32
    %dma_wait3A_178 = arith.constant 0 : i32
    %dma_wait3A_179 = tpu.memref_slice %arg2[%dma_wait3A_177, %dma_wait3A_178] : memref<64x1000000xf32, #tpu.memory_space<hbm>> -> memref<64x128xf32, #tpu.memory_space<hbm>>
    tpu.wait_dma2 semaphore(%arg8 : memref<!tpu.dma_semaphore, #tpu.memory_space<semaphore_mem>>) src(%dma_wait3A_179 : memref<64x128xf32, #tpu.memory_space<hbm>>) dst(%dma_wait3A_176 : memref<64x128xf32, #tpu.memory_space<vmem>>)
    %dma_wait3A_180 = arith.constant 1 : i32
    %dma_wait3A_181 = arith.constant 0 : i32
    %dma_wait3A_182 = arith.constant 0 : i32
    %dma_wait3A_183 = tpu.memref_slice %arg6[%dma_wait3A_180, %dma_wait3A_181, %dma_wait3A_182] : memref<8x64x128xf32, #tpu.memory_space<vmem>> -> memref<1x64x128xf32, #tpu.memory_space<vmem>>
    %dma_wait3A_184 = tpu.memref_squeeze %dma_wait3A_183 : memref<1x64x128xf32, #tpu.memory_space<vmem>> -> memref<64x128xf32, #tpu.memory_space<vmem>>
    %dma_wait3A_185 = arith.constant 0 : i32
    %dma_wait3A_186 = arith.constant 0 : i32
    %dma_wait3A_187 = tpu.memref_slice %arg2[%dma_wait3A_185, %dma_wait3A_186] : memref<64x1000000xf32, #tpu.memory_space<hbm>> -> memref<64x128xf32, #tpu.memory_space<hbm>>
    %dma_wait3A_188 = arith.constant 0 : i32
    %dma_wait3A_189 = arith.constant 0 : i32
    %dma_wait3A_190 = tpu.memref_slice %arg6[%dma_wait3A_180, %dma_wait3A_188, %dma_wait3A_189] : memref<8x64x128xf32, #tpu.memory_space<vmem>> -> memref<1x64x128xf32, #tpu.memory_space<vmem>>
    %dma_wait3A_191 = tpu.memref_squeeze %dma_wait3A_190 : memref<1x64x128xf32, #tpu.memory_space<vmem>> -> memref<64x128xf32, #tpu.memory_space<vmem>>
    %dma_wait3A_192 = arith.constant 0 : i32
    %dma_wait3A_193 = arith.constant 0 : i32
    %dma_wait3A_194 = tpu.memref_slice %arg2[%dma_wait3A_192, %dma_wait3A_193] : memref<64x1000000xf32, #tpu.memory_space<hbm>> -> memref<64x128xf32, #tpu.memory_space<hbm>>
    tpu.wait_dma2 semaphore(%arg9 : memref<!tpu.dma_semaphore, #tpu.memory_space<semaphore_mem>>) src(%dma_wait3A_194 : memref<64x128xf32, #tpu.memory_space<hbm>>) dst(%dma_wait3A_191 : memref<64x128xf32, #tpu.memory_space<vmem>>)
    %dma_wait3A_195 = arith.constant 2 : i32
    %dma_wait3A_196 = arith.constant 0 : i32
    %dma_wait3A_197 = arith.constant 0 : i32
    %dma_wait3A_198 = tpu.memref_slice %arg6[%dma_wait3A_195, %dma_wait3A_196, %dma_wait3A_197] : memref<8x64x128xf32, #tpu.memory_space<vmem>> -> memref<1x64x128xf32, #tpu.memory_space<vmem>>
    %dma_wait3A_199 = tpu.memref_squeeze %dma_wait3A_198 : memref<1x64x128xf32, #tpu.memory_space<vmem>> -> memref<64x128xf32, #tpu.memory_space<vmem>>
    %dma_wait3A_200 = arith.constant 0 : i32
    %dma_wait3A_201 = arith.constant 0 : i32
    %dma_wait3A_202 = tpu.memref_slice %arg2[%dma_wait3A_200, %dma_wait3A_201] : memref<64x1000000xf32, #tpu.memory_space<hbm>> -> memref<64x128xf32, #tpu.memory_space<hbm>>
    %dma_wait3A_203 = arith.constant 0 : i32
    %dma_wait3A_204 = arith.constant 0 : i32
    %dma_wait3A_205 = tpu.memref_slice %arg6[%dma_wait3A_195, %dma_wait3A_203, %dma_wait3A_204] : memref<8x64x128xf32, #tpu.memory_space<vmem>> -> memref<1x64x128xf32, #tpu.memory_space<vmem>>
    %dma_wait3A_206 = tpu.memref_squeeze %dma_wait3A_205 : memref<1x64x128xf32, #tpu.memory_space<vmem>> -> memref<64x128xf32, #tpu.memory_space<vmem>>
    %dma_wait3A_207 = arith.constant 0 : i32
    %dma_wait3A_208 = arith.constant 0 : i32
    %dma_wait3A_209 = tpu.memref_slice %arg2[%dma_wait3A_207, %dma_wait3A_208] : memref<64x1000000xf32, #tpu.memory_space<hbm>> -> memref<64x128xf32, #tpu.memory_space<hbm>>
    tpu.wait_dma2 semaphore(%arg10 : memref<!tpu.dma_semaphore, #tpu.memory_space<semaphore_mem>>) src(%dma_wait3A_209 : memref<64x128xf32, #tpu.memory_space<hbm>>) dst(%dma_wait3A_206 : memref<64x128xf32, #tpu.memory_space<vmem>>)
    %dma_wait3A_210 = arith.constant 3 : i32
    %dma_wait3A_211 = arith.constant 0 : i32
    %dma_wait3A_212 = arith.constant 0 : i32
    %dma_wait3A_213 = tpu.memref_slice %arg6[%dma_wait3A_210, %dma_wait3A_211, %dma_wait3A_212] : memref<8x64x128xf32, #tpu.memory_space<vmem>> -> memref<1x64x128xf32, #tpu.memory_space<vmem>>
    %dma_wait3A_214 = tpu.memref_squeeze %dma_wait3A_213 : memref<1x64x128xf32, #tpu.memory_space<vmem>> -> memref<64x128xf32, #tpu.memory_space<vmem>>
    %dma_wait3A_215 = arith.constant 0 : i32
    %dma_wait3A_216 = arith.constant 0 : i32
    %dma_wait3A_217 = tpu.memref_slice %arg2[%dma_wait3A_215, %dma_wait3A_216] : memref<64x1000000xf32, #tpu.memory_space<hbm>> -> memref<64x128xf32, #tpu.memory_space<hbm>>
    %dma_wait3A_218 = arith.constant 0 : i32
    %dma_wait3A_219 = arith.constant 0 : i32
    %dma_wait3A_220 = tpu.memref_slice %arg6[%dma_wait3A_210, %dma_wait3A_218, %dma_wait3A_219] : memref<8x64x128xf32, #tpu.memory_space<vmem>> -> memref<1x64x128xf32, #tpu.memory_space<vmem>>
    %dma_wait3A_221 = tpu.memref_squeeze %dma_wait3A_220 : memref<1x64x128xf32, #tpu.memory_space<vmem>> -> memref<64x128xf32, #tpu.memory_space<vmem>>
    %dma_wait3A_222 = arith.constant 0 : i32
    %dma_wait3A_223 = arith.constant 0 : i32
    %dma_wait3A_224 = tpu.memref_slice %arg2[%dma_wait3A_222, %dma_wait3A_223] : memref<64x1000000xf32, #tpu.memory_space<hbm>> -> memref<64x128xf32, #tpu.memory_space<hbm>>
    tpu.wait_dma2 semaphore(%arg11 : memref<!tpu.dma_semaphore, #tpu.memory_space<semaphore_mem>>) src(%dma_wait3A_224 : memref<64x128xf32, #tpu.memory_space<hbm>>) dst(%dma_wait3A_221 : memref<64x128xf32, #tpu.memory_space<vmem>>)
    %dma_wait3A_225 = arith.constant 4 : i32
    %dma_wait3A_226 = arith.constant 0 : i32
    %dma_wait3A_227 = arith.constant 0 : i32
    %dma_wait3A_228 = tpu.memref_slice %arg6[%dma_wait3A_225, %dma_wait3A_226, %dma_wait3A_227] : memref<8x64x128xf32, #tpu.memory_space<vmem>> -> memref<1x64x128xf32, #tpu.memory_space<vmem>>
    %dma_wait3A_229 = tpu.memref_squeeze %dma_wait3A_228 : memref<1x64x128xf32, #tpu.memory_space<vmem>> -> memref<64x128xf32, #tpu.memory_space<vmem>>
    %dma_wait3A_230 = arith.constant 0 : i32
    %dma_wait3A_231 = arith.constant 0 : i32
    %dma_wait3A_232 = tpu.memref_slice %arg2[%dma_wait3A_230, %dma_wait3A_231] : memref<64x1000000xf32, #tpu.memory_space<hbm>> -> memref<64x128xf32, #tpu.memory_space<hbm>>
    %dma_wait3A_233 = arith.constant 0 : i32
    %dma_wait3A_234 = arith.constant 0 : i32
    %dma_wait3A_235 = tpu.memref_slice %arg6[%dma_wait3A_225, %dma_wait3A_233, %dma_wait3A_234] : memref<8x64x128xf32, #tpu.memory_space<vmem>> -> memref<1x64x128xf32, #tpu.memory_space<vmem>>
    %dma_wait3A_236 = tpu.memref_squeeze %dma_wait3A_235 : memref<1x64x128xf32, #tpu.memory_space<vmem>> -> memref<64x128xf32, #tpu.memory_space<vmem>>
    %dma_wait3A_237 = arith.constant 0 : i32
    %dma_wait3A_238 = arith.constant 0 : i32
    %dma_wait3A_239 = tpu.memref_slice %arg2[%dma_wait3A_237, %dma_wait3A_238] : memref<64x1000000xf32, #tpu.memory_space<hbm>> -> memref<64x128xf32, #tpu.memory_space<hbm>>
    tpu.wait_dma2 semaphore(%arg12 : memref<!tpu.dma_semaphore, #tpu.memory_space<semaphore_mem>>) src(%dma_wait3A_239 : memref<64x128xf32, #tpu.memory_space<hbm>>) dst(%dma_wait3A_236 : memref<64x128xf32, #tpu.memory_space<vmem>>)
    %dma_wait3A_240 = arith.constant 5 : i32
    %dma_wait3A_241 = arith.constant 0 : i32
    %dma_wait3A_242 = arith.constant 0 : i32
    %dma_wait3A_243 = tpu.memref_slice %arg6[%dma_wait3A_240, %dma_wait3A_241, %dma_wait3A_242] : memref<8x64x128xf32, #tpu.memory_space<vmem>> -> memref<1x64x128xf32, #tpu.memory_space<vmem>>
    %dma_wait3A_244 = tpu.memref_squeeze %dma_wait3A_243 : memref<1x64x128xf32, #tpu.memory_space<vmem>> -> memref<64x128xf32, #tpu.memory_space<vmem>>
    %dma_wait3A_245 = arith.constant 0 : i32
    %dma_wait3A_246 = arith.constant 0 : i32
    %dma_wait3A_247 = tpu.memref_slice %arg2[%dma_wait3A_245, %dma_wait3A_246] : memref<64x1000000xf32, #tpu.memory_space<hbm>> -> memref<64x128xf32, #tpu.memory_space<hbm>>
    %dma_wait3A_248 = arith.constant 0 : i32
    %dma_wait3A_249 = arith.constant 0 : i32
    %dma_wait3A_250 = tpu.memref_slice %arg6[%dma_wait3A_240, %dma_wait3A_248, %dma_wait3A_249] : memref<8x64x128xf32, #tpu.memory_space<vmem>> -> memref<1x64x128xf32, #tpu.memory_space<vmem>>
    %dma_wait3A_251 = tpu.memref_squeeze %dma_wait3A_250 : memref<1x64x128xf32, #tpu.memory_space<vmem>> -> memref<64x128xf32, #tpu.memory_space<vmem>>
    %dma_wait3A_252 = arith.constant 0 : i32
    %dma_wait3A_253 = arith.constant 0 : i32
    %dma_wait3A_254 = tpu.memref_slice %arg2[%dma_wait3A_252, %dma_wait3A_253] : memref<64x1000000xf32, #tpu.memory_space<hbm>> -> memref<64x128xf32, #tpu.memory_space<hbm>>
    tpu.wait_dma2 semaphore(%arg13 : memref<!tpu.dma_semaphore, #tpu.memory_space<semaphore_mem>>) src(%dma_wait3A_254 : memref<64x128xf32, #tpu.memory_space<hbm>>) dst(%dma_wait3A_251 : memref<64x128xf32, #tpu.memory_space<vmem>>)
    %dma_wait3A_255 = arith.constant 6 : i32
    %dma_wait3A_256 = arith.constant 0 : i32
    %dma_wait3A_257 = arith.constant 0 : i32
    %dma_wait3A_258 = tpu.memref_slice %arg6[%dma_wait3A_255, %dma_wait3A_256, %dma_wait3A_257] : memref<8x64x128xf32, #tpu.memory_space<vmem>> -> memref<1x64x128xf32, #tpu.memory_space<vmem>>
    %dma_wait3A_259 = tpu.memref_squeeze %dma_wait3A_258 : memref<1x64x128xf32, #tpu.memory_space<vmem>> -> memref<64x128xf32, #tpu.memory_space<vmem>>
    %dma_wait3A_260 = arith.constant 0 : i32
    %dma_wait3A_261 = arith.constant 0 : i32
    %dma_wait3A_262 = tpu.memref_slice %arg2[%dma_wait3A_260, %dma_wait3A_261] : memref<64x1000000xf32, #tpu.memory_space<hbm>> -> memref<64x128xf32, #tpu.memory_space<hbm>>
    %dma_wait3A_263 = arith.constant 0 : i32
    %dma_wait3A_264 = arith.constant 0 : i32
    %dma_wait3A_265 = tpu.memref_slice %arg6[%dma_wait3A_255, %dma_wait3A_263, %dma_wait3A_264] : memref<8x64x128xf32, #tpu.memory_space<vmem>> -> memref<1x64x128xf32, #tpu.memory_space<vmem>>
    %dma_wait3A_266 = tpu.memref_squeeze %dma_wait3A_265 : memref<1x64x128xf32, #tpu.memory_space<vmem>> -> memref<64x128xf32, #tpu.memory_space<vmem>>
    %dma_wait3A_267 = arith.constant 0 : i32
    %dma_wait3A_268 = arith.constant 0 : i32
    %dma_wait3A_269 = tpu.memref_slice %arg2[%dma_wait3A_267, %dma_wait3A_268] : memref<64x1000000xf32, #tpu.memory_space<hbm>> -> memref<64x128xf32, #tpu.memory_space<hbm>>
    tpu.wait_dma2 semaphore(%arg14 : memref<!tpu.dma_semaphore, #tpu.memory_space<semaphore_mem>>) src(%dma_wait3A_269 : memref<64x128xf32, #tpu.memory_space<hbm>>) dst(%dma_wait3A_266 : memref<64x128xf32, #tpu.memory_space<vmem>>)
    %dma_wait3A_270 = arith.constant 7 : i32
    %dma_wait3A_271 = arith.constant 0 : i32
    %dma_wait3A_272 = arith.constant 0 : i32
    %dma_wait3A_273 = tpu.memref_slice %arg6[%dma_wait3A_270, %dma_wait3A_271, %dma_wait3A_272] : memref<8x64x128xf32, #tpu.memory_space<vmem>> -> memref<1x64x128xf32, #tpu.memory_space<vmem>>
    %dma_wait3A_274 = tpu.memref_squeeze %dma_wait3A_273 : memref<1x64x128xf32, #tpu.memory_space<vmem>> -> memref<64x128xf32, #tpu.memory_space<vmem>>
    %dma_wait3A_275 = arith.constant 0 : i32
    %dma_wait3A_276 = arith.constant 0 : i32
    %dma_wait3A_277 = tpu.memref_slice %arg2[%dma_wait3A_275, %dma_wait3A_276] : memref<64x1000000xf32, #tpu.memory_space<hbm>> -> memref<64x128xf32, #tpu.memory_space<hbm>>
    %dma_wait3A_278 = arith.constant 0 : i32
    %dma_wait3A_279 = arith.constant 0 : i32
    %dma_wait3A_280 = tpu.memref_slice %arg6[%dma_wait3A_270, %dma_wait3A_278, %dma_wait3A_279] : memref<8x64x128xf32, #tpu.memory_space<vmem>> -> memref<1x64x128xf32, #tpu.memory_space<vmem>>
    %dma_wait3A_281 = tpu.memref_squeeze %dma_wait3A_280 : memref<1x64x128xf32, #tpu.memory_space<vmem>> -> memref<64x128xf32, #tpu.memory_space<vmem>>
    %dma_wait3A_282 = arith.constant 0 : i32
    %dma_wait3A_283 = arith.constant 0 : i32
    %dma_wait3A_284 = tpu.memref_slice %arg2[%dma_wait3A_282, %dma_wait3A_283] : memref<64x1000000xf32, #tpu.memory_space<hbm>> -> memref<64x128xf32, #tpu.memory_space<hbm>>
    tpu.wait_dma2 semaphore(%arg15 : memref<!tpu.dma_semaphore, #tpu.memory_space<semaphore_mem>>) src(%dma_wait3A_284 : memref<64x128xf32, #tpu.memory_space<hbm>>) dst(%dma_wait3A_281 : memref<64x128xf32, #tpu.memory_space<vmem>>)
    "tpu.region"() ({
      %run_scoped3A = tpu.sem_alloc : memref<!tpu.dma_semaphore, #tpu.memory_space<semaphore_mem>>
      %dma_start3A_285 = arith.constant 0 : i32
      %dma_start3A_286 = tpu.memref_slice %arg4[%dma_start3A_285, %multiple_of3A] : memref<64x16384xf32, #tpu.memory_space<hbm>> -> memref<64x512xf32, #tpu.memory_space<hbm>>
      %dma_start3A_287 = arith.constant 0 : i32
      %dma_start3A_288 = tpu.memref_slice %arg4[%dma_start3A_287, %multiple_of3A] : memref<64x16384xf32, #tpu.memory_space<hbm>> -> memref<64x512xf32, #tpu.memory_space<hbm>>
      tpu.enqueue_dma source(%arg7 : memref<64x512xf32, #tpu.memory_space<vmem>>) target(%dma_start3A_288 : memref<64x512xf32, #tpu.memory_space<hbm>>) target_semaphore(%run_scoped3A : memref<!tpu.dma_semaphore, #tpu.memory_space<semaphore_mem>>)
      %dma_wait3A_289 = arith.constant 0 : i32
      %dma_wait3A_290 = tpu.memref_slice %arg4[%dma_wait3A_289, %multiple_of3A] : memref<64x16384xf32, #tpu.memory_space<hbm>> -> memref<64x512xf32, #tpu.memory_space<hbm>>
      %dma_wait3A_291 = arith.constant 0 : i32
      %dma_wait3A_292 = tpu.memref_slice %arg4[%dma_wait3A_291, %multiple_of3A] : memref<64x16384xf32, #tpu.memory_space<hbm>> -> memref<64x512xf32, #tpu.memory_space<hbm>>
      tpu.wait_dma2 semaphore(%run_scoped3A : memref<!tpu.dma_semaphore, #tpu.memory_space<semaphore_mem>>) src(%arg7 : memref<64x512xf32, #tpu.memory_space<vmem>>) dst(%dma_wait3A_292 : memref<64x512xf32, #tpu.memory_space<hbm>>)
      tpu.yield
    }) : () -> ()
    return
  }
}

module attributes {stable_mosaic.version = 14 : i64} {
  func.func @_head_body(%arg0: i32, %arg1: memref<2048x300xf32, #tpu.memory_space<vmem>>, %arg2: memref<300x128xf32, #tpu.memory_space<vmem>>, %arg3: memref<1x128xf32, #tpu.memory_space<vmem>>, %arg4: memref<2048x128xf32, #tpu.memory_space<vmem>>) attributes {dimension_semantics = [#tpu.dimension_semantics<arbitrary>], iteration_bounds = array<i64: 8>, scalar_prefetch = 0 : i64, scratch_operands = 0 : i64, tpu.core_type = #tpu.core_type<tc>, window_params = [{transform_indices = @transform_0, window_bounds = array<i64: 2048, 300>}, {pipeline_mode = #tpu.pipeline_mode<synchronous>, transform_indices = @transform_1, window_bounds = array<i64: 300, 128>}, {pipeline_mode = #tpu.pipeline_mode<synchronous>, transform_indices = @transform_2, window_bounds = array<i64: 1, 128>}, {transform_indices = @transform_3, window_bounds = array<i64: 2048, 128>}]} {
    %get3A = arith.constant 0 : index
    %get3A_0 = arith.constant 0 : index
    %get3A_1 = vector.load %arg1[%get3A, %get3A_0] : memref<2048x300xf32, #tpu.memory_space<vmem>>, vector<2048x300xf32>
    %get3A_2 = arith.constant 0 : index
    %get3A_3 = arith.constant 0 : index
    %get3A_4 = vector.load %arg2[%get3A_2, %get3A_3] : memref<300x128xf32, #tpu.memory_space<vmem>>, vector<300x128xf32>
    %dot_general3A = arith.constant dense<0.000000e+00> : vector<2048x128xf32>
    %dot_general3A_5 = tpu.matmul %get3A_1, %get3A_4, %dot_general3A {dimension_numbers = #tpu.dot_dimension_numbers<[1], [0], [0], [1], [0, 0, 1, 1], [], []>, transpose_lhs_hint = false} : vector<2048x300xf32>, vector<300x128xf32>, vector<2048x128xf32> -> vector<2048x128xf32>
    %get3A_6 = arith.constant 0 : index
    %get3A_7 = arith.constant 0 : index
    %get3A_8 = vector.load %arg3[%get3A_6, %get3A_7] : memref<1x128xf32, #tpu.memory_space<vmem>>, vector<1x128xf32>
    %add3A = vector.broadcast %get3A_8 : vector<1x128xf32> to vector<2048x128xf32>
    %add3A_9 = arith.addf %dot_general3A_5, %add3A : vector<2048x128xf32>
    %swap3A = arith.constant 0 : index
    %swap3A_10 = arith.constant 0 : index
    %swap3A_11 = vector.load %arg4[%swap3A, %swap3A_10] : memref<2048x128xf32, #tpu.memory_space<vmem>>, vector<2048x128xf32>
    tpu.vector_store %arg4[%swap3A, %swap3A_10], %add3A_9 {strides = array<i32>} : memref<2048x128xf32, #tpu.memory_space<vmem>>, vector<2048x128xf32>,
    return
  }
  func.func @transform_0(%arg0: i32) -> (i32, i32) {
    %c0_i32 = arith.constant 0 : i32
    %c0_i32_0 = arith.constant 0 : i32
    return %arg0, %c0_i32 : i32, i32
  }
  func.func @transform_1(%arg0: i32) -> (i32, i32) {
    %c0_i32 = arith.constant 0 : i32
    %c0_i32_0 = arith.constant 0 : i32
    %c0_i32_1 = arith.constant 0 : i32
    return %c0_i32, %c0_i32_0 : i32, i32
  }
  func.func @transform_2(%arg0: i32) -> (i32, i32) {
    %c0_i32 = arith.constant 0 : i32
    %c0_i32_0 = arith.constant 0 : i32
    %c0_i32_1 = arith.constant 0 : i32
    return %c0_i32, %c0_i32_0 : i32, i32
  }
  func.func @transform_3(%arg0: i32) -> (i32, i32) {
    %c0_i32 = arith.constant 0 : i32
    %c0_i32_0 = arith.constant 0 : i32
    return %arg0, %c0_i32 : i32, i32
  }
}

module attributes {stable_mosaic.version = 14 : i64} {
  func.func @_tail_body(%arg0: i32, %arg1: memref<2048x128xf32, #tpu.memory_space<vmem>>, %arg2: memref<64x2048xf32, #tpu.memory_space<vmem>>, %arg3: memref<64x128xf32, #tpu.memory_space<vmem>>, %arg4: memref<128x128xf32, #tpu.memory_space<vmem>>, %arg5: memref<1x128xf32, #tpu.memory_space<vmem>>, %arg6: memref<128x128xf32, #tpu.memory_space<vmem>>, %arg7: memref<1x128xf32, #tpu.memory_space<vmem>>, %arg8: memref<128x1xf32, #tpu.memory_space<vmem>>, %arg9: memref<1x1xf32, #tpu.memory_space<vmem>>, %arg10: memref<2048x1xf32, #tpu.memory_space<vmem>>) attributes {dimension_semantics = [#tpu.dimension_semantics<arbitrary>], iteration_bounds = array<i64: 8>, scalar_prefetch = 0 : i64, scratch_operands = 0 : i64, tpu.core_type = #tpu.core_type<tc>, window_params = [{transform_indices = @transform_0, window_bounds = array<i64: 2048, 128>}, {transform_indices = @transform_1, window_bounds = array<i64: 64, 2048>}, {pipeline_mode = #tpu.pipeline_mode<synchronous>, transform_indices = @transform_2, window_bounds = array<i64: 64, 128>}, {pipeline_mode = #tpu.pipeline_mode<synchronous>, transform_indices = @transform_3, window_bounds = array<i64: 128, 128>}, {pipeline_mode = #tpu.pipeline_mode<synchronous>, transform_indices = @transform_4, window_bounds = array<i64: 1, 128>}, {pipeline_mode = #tpu.pipeline_mode<synchronous>, transform_indices = @transform_5, window_bounds = array<i64: 128, 128>}, {pipeline_mode = #tpu.pipeline_mode<synchronous>, transform_indices = @transform_6, window_bounds = array<i64: 1, 128>}, {pipeline_mode = #tpu.pipeline_mode<synchronous>, transform_indices = @transform_7, window_bounds = array<i64: 128, 1>}, {pipeline_mode = #tpu.pipeline_mode<synchronous>, transform_indices = @transform_8, window_bounds = array<i64: 1, 1>}, {transform_indices = @transform_9, window_bounds = array<i64: 2048, 1>}]} {
    %get3A = arith.constant 0 : index
    %get3A_0 = arith.constant 0 : index
    %get3A_1 = vector.load %arg1[%get3A, %get3A_0] : memref<2048x128xf32, #tpu.memory_space<vmem>>, vector<2048x128xf32>
    %get3A_2 = arith.constant 0 : index
    %get3A_3 = arith.constant 0 : index
    %get3A_4 = vector.load %arg2[%get3A_2, %get3A_3] : memref<64x2048xf32, #tpu.memory_space<vmem>>, vector<64x2048xf32>
    %get3A_5 = arith.constant 0 : index
    %get3A_6 = arith.constant 0 : index
    %get3A_7 = vector.load %arg3[%get3A_5, %get3A_6] : memref<64x128xf32, #tpu.memory_space<vmem>>, vector<64x128xf32>
    %dot_general3A = arith.constant dense<0.000000e+00> : vector<2048x128xf32>
    %dot_general3A_8 = tpu.matmul %get3A_4, %get3A_7, %dot_general3A {dimension_numbers = #tpu.dot_dimension_numbers<[0], [0], [1], [1], [0, 1, 1, 1], [], []>, transpose_lhs_hint = false} : vector<64x2048xf32>, vector<64x128xf32>, vector<2048x128xf32> -> vector<2048x128xf32>
    %add3A = arith.addf %get3A_1, %dot_general3A_8 : vector<2048x128xf32>
    %max3A = arith.constant 0.000000e+00 : f32
    %max3A_9 = vector.broadcast %max3A : f32 to vector<2048x128xf32>
    %max3A_10 = arith.maximumf %add3A, %max3A_9 : vector<2048x128xf32>
    %get3A_11 = arith.constant 0 : index
    %get3A_12 = arith.constant 0 : index
    %get3A_13 = vector.load %arg4[%get3A_11, %get3A_12] : memref<128x128xf32, #tpu.memory_space<vmem>>, vector<128x128xf32>
    %dot_general3A_14 = arith.constant dense<0.000000e+00> : vector<2048x128xf32>
    %dot_general3A_15 = tpu.matmul %max3A_10, %get3A_13, %dot_general3A_14 {dimension_numbers = #tpu.dot_dimension_numbers<[1], [0], [0], [1], [0, 0, 1, 1], [], []>, transpose_lhs_hint = false} : vector<2048x128xf32>, vector<128x128xf32>, vector<2048x128xf32> -> vector<2048x128xf32>
    %get3A_16 = arith.constant 0 : index
    %get3A_17 = arith.constant 0 : index
    %get3A_18 = vector.load %arg5[%get3A_16, %get3A_17] : memref<1x128xf32, #tpu.memory_space<vmem>>, vector<1x128xf32>
    %add3A_19 = vector.broadcast %get3A_18 : vector<1x128xf32> to vector<2048x128xf32>
    %add3A_20 = arith.addf %dot_general3A_15, %add3A_19 : vector<2048x128xf32>
    %max3A_21 = arith.constant 0.000000e+00 : f32
    %max3A_22 = vector.broadcast %max3A_21 : f32 to vector<2048x128xf32>
    %max3A_23 = arith.maximumf %add3A_20, %max3A_22 : vector<2048x128xf32>
    %add3A_24 = arith.addf %max3A_10, %max3A_23 : vector<2048x128xf32>
    %get3A_25 = arith.constant 0 : index
    %get3A_26 = arith.constant 0 : index
    %get3A_27 = vector.load %arg6[%get3A_25, %get3A_26] : memref<128x128xf32, #tpu.memory_space<vmem>>, vector<128x128xf32>
    %dot_general3A_28 = arith.constant dense<0.000000e+00> : vector<2048x128xf32>
    %dot_general3A_29 = tpu.matmul %add3A_24, %get3A_27, %dot_general3A_28 {dimension_numbers = #tpu.dot_dimension_numbers<[1], [0], [0], [1], [0, 0, 1, 1], [], []>, transpose_lhs_hint = false} : vector<2048x128xf32>, vector<128x128xf32>, vector<2048x128xf32> -> vector<2048x128xf32>
    %get3A_30 = arith.constant 0 : index
    %get3A_31 = arith.constant 0 : index
    %get3A_32 = vector.load %arg7[%get3A_30, %get3A_31] : memref<1x128xf32, #tpu.memory_space<vmem>>, vector<1x128xf32>
    %add3A_33 = vector.broadcast %get3A_32 : vector<1x128xf32> to vector<2048x128xf32>
    %add3A_34 = arith.addf %dot_general3A_29, %add3A_33 : vector<2048x128xf32>
    %max3A_35 = arith.constant 0.000000e+00 : f32
    %max3A_36 = vector.broadcast %max3A_35 : f32 to vector<2048x128xf32>
    %max3A_37 = arith.maximumf %add3A_34, %max3A_36 : vector<2048x128xf32>
    %add3A_38 = arith.addf %add3A_24, %max3A_37 : vector<2048x128xf32>
    %get3A_39 = arith.constant 0 : index
    %get3A_40 = arith.constant 0 : index
    %get3A_41 = vector.load %arg8[%get3A_39, %get3A_40] : memref<128x1xf32, #tpu.memory_space<vmem>>, vector<128x1xf32>
    %dot_general3A_42 = arith.constant dense<0.000000e+00> : vector<2048x1xf32>
    %dot_general3A_43 = tpu.matmul %add3A_38, %get3A_41, %dot_general3A_42 {dimension_numbers = #tpu.dot_dimension_numbers<[1], [0], [0], [1], [0, 0, 1, 1], [], []>, transpose_lhs_hint = false} : vector<2048x128xf32>, vector<128x1xf32>, vector<2048x1xf32> -> vector<2048x1xf32>
    %get3A_44 = arith.constant 0 : index
    %get3A_45 = arith.constant 0 : index
    %get3A_46 = vector.load %arg9[%get3A_44, %get3A_45] : memref<1x1xf32, #tpu.memory_space<vmem>>, vector<1x1xf32>
    %add3A_47 = vector.broadcast %get3A_46 : vector<1x1xf32> to vector<2048x1xf32>
    %add3A_48 = arith.addf %dot_general3A_43, %add3A_47 : vector<2048x1xf32>
    %swap3A = arith.constant 0 : index
    %swap3A_49 = arith.constant 0 : index
    %swap3A_50 = vector.load %arg10[%swap3A, %swap3A_49] : memref<2048x1xf32, #tpu.memory_space<vmem>>, vector<2048x1xf32>
    tpu.vector_store %arg10[%swap3A, %swap3A_49], %add3A_48 {strides = array<i32>} : memref<2048x1xf32, #tpu.memory_space<vmem>>, vector<2048x1xf32>,
    return
  }
  func.func @transform_0(%arg0: i32) -> (i32, i32) {
    %c0_i32 = arith.constant 0 : i32
    %c0_i32_0 = arith.constant 0 : i32
    return %arg0, %c0_i32 : i32, i32
  }
  func.func @transform_1(%arg0: i32) -> (i32, i32) {
    %c0_i32 = arith.constant 0 : i32
    %c0_i32_0 = arith.constant 0 : i32
    return %c0_i32, %arg0 : i32, i32
  }
  func.func @transform_2(%arg0: i32) -> (i32, i32) {
    %c0_i32 = arith.constant 0 : i32
    %c0_i32_0 = arith.constant 0 : i32
    %c0_i32_1 = arith.constant 0 : i32
    return %c0_i32, %c0_i32_0 : i32, i32
  }
  func.func @transform_3(%arg0: i32) -> (i32, i32) {
    %c0_i32 = arith.constant 0 : i32
    %c0_i32_0 = arith.constant 0 : i32
    %c0_i32_1 = arith.constant 0 : i32
    return %c0_i32, %c0_i32_0 : i32, i32
  }
  func.func @transform_4(%arg0: i32) -> (i32, i32) {
    %c0_i32 = arith.constant 0 : i32
    %c0_i32_0 = arith.constant 0 : i32
    %c0_i32_1 = arith.constant 0 : i32
    return %c0_i32, %c0_i32_0 : i32, i32
  }
  func.func @transform_5(%arg0: i32) -> (i32, i32) {
    %c0_i32 = arith.constant 0 : i32
    %c0_i32_0 = arith.constant 0 : i32
    %c0_i32_1 = arith.constant 0 : i32
    return %c0_i32, %c0_i32_0 : i32, i32
  }
  func.func @transform_6(%arg0: i32) -> (i32, i32) {
    %c0_i32 = arith.constant 0 : i32
    %c0_i32_0 = arith.constant 0 : i32
    %c0_i32_1 = arith.constant 0 : i32
    return %c0_i32, %c0_i32_0 : i32, i32
  }
  func.func @transform_7(%arg0: i32) -> (i32, i32) {
    %c0_i32 = arith.constant 0 : i32
    %c0_i32_0 = arith.constant 0 : i32
    %c0_i32_1 = arith.constant 0 : i32
    return %c0_i32, %c0_i32_0 : i32, i32
  }
  func.func @transform_8(%arg0: i32) -> (i32, i32) {
    %c0_i32 = arith.constant 0 : i32
    %c0_i32_0 = arith.constant 0 : i32
    %c0_i32_1 = arith.constant 0 : i32
    return %c0_i32, %c0_i32_0 : i32, i32
  }
  func.func @transform_9(%arg0: i32) -> (i32, i32) {
    %c0_i32 = arith.constant 0 : i32
    %c0_i32_0 = arith.constant 0 : i32
    return %arg0, %c0_i32 : i32, i32
  }
}

</mosaic_0001>

<sc_bundles>
// kernel: kernel.5.cloned.1.call-start
scs
__scs_entry_jumppad:
0x0: {  	(pc) =	sbr.rel $0x88, $3  }
0x1: {  	(tag) =	ssettag $0x0;
	lr =	simm.s32 $0x1  }
0x2: {  	[smem:$0x3F97] =	sst lr;
	_ =	strace $0xD0000000  }
0x3: {  	_ = 	snop  }
0x4: {  	_ = 	snop  }
0x5: {  	_ = 	snop  }
0x6: {  	_ = 	snop  }
0x7: {  	_ = 	snop  }
__scs_overlays_trampoline_lowered:
0x8: {  	[smem:$0x3FA6] =	sst s0  }
0x9: {  	[smem:$0x3FA7] =	sst s1  }
0xa: {  	[smem:$0x3FA8] =	sst s2  }
0xb: {  	[smem:$0x3FA9] =	sst s3  }
0xc: {  	[smem:$0x3FAA] =	sst s4  }
0xd: {  	[smem:$0x3FAB] =	sst s5  }
0xe: {  	[smem:$0x3FAC] =	sst s6  }
0xf: {  	[smem:$0x3FAD] =	sst s7  }
0x10: {  	[smem:$0x3FAE] =	sst s8  }
0x11: {  	[smem:$0x3FAF] =	sst s9;
	s0 =	simm.s32 @!p0 $0x0  }
0x12: {  	s1 =	sld [smem:$0x3F95];
	s0 =	simm.s32 @p0 $0x1  }
0x13: {  	[smem:$0x3FB0] =	sst s0;
	s0 =	simm.s32 @!p1 $0x0  }
0x14: {  	s2 =	sld [smem:$0x3F94];
	s0 =	simm.s32 @p1 $0x1  }
0x15: {  	[smem:$0x3FB1] =	sst s0;
	s0 =	simm.s32 @!p2 $0x0  }
0x16: {  	s3 =	sld [smem:$0x3FDB];
	s0 =	simm.s32 @p2 $0x1  }
0x17: {  	s4 =	simm.s32 $0x1BF5;
	[smem:$0x3FB3] =	sst s0  }
0x18: {  	s0 =	sld [smem:$0x3F96];
	_ =	swait.ge [sflag:s4], $0x0  }
0x19: {  	s7 =	sld [smem:$0x3F97]  }
0x1a: {  	s8 =	sadd.s32 $0xFFFFE003, lr  }
0x1b: {  	s9 =	sadd.s32 $0xFFFFFEF7, lr;
	s5 =	simm.s32 $0xFFFFFFFF;
	p2 =	slt.u32 s8, $0xFFFFF086  }
0x1c: {  	p1 =	slt.u32 s9, $0xF7A;
	s5 =	simm.s32 @!p2 $0x0  }
0x1d: {  	s5 =	simm.s32 @p1 $0x1;
	p0 =	seq.s32 s7, s2  }
0x1e: {  	s7 =	smul.u32 @!p0 $0xF7A, s2;
	p2 =	seq.s32 @!p0 s5, $0x0  }
0x1f: {  	s9 =	smul.u32 $0xF7A, s1;
	s8 =	simm.s32 @!p0 $0x1BF5;
	p2 =	por !p2, p0  }
0x20: {  	[sflag:s8] =	ssyncset.s32 @!p0 $0xFFFFF086;
	s6 =	sadd.s32 @!p0 s3, s7;
	s7 =	simm.s32 @!p0 $0x108  }
0x21: {  	s3 =	sadd.s32 s3, s9;
	s6 =	sadd.s32 @!p0 $0x88, s6;
	s7 =	simm.s32 @p2 $0x1082  }
0x22: {  	[simem:s7], [sflag:s8] =	dma.local @!p0 [hbm:s6], $0xF7A  }
0x23: {  	s9 =	sor.u32 $0xD0000000, s2;
	s6 =	simm.s32 $0x108;
	_ =	swait.ge @!p0 [sflag:s8], $0x0  }
0x24: {  	s3 =	sadd.s32 $0x88, s3;
	s6 =	simm.s32 @!p1 $0x1082;
	[sflag:s4] =	ssyncset.s32 $0xFFFFF086  }
0x25: {  	[simem:s6], [sflag:s4] =	dma.local [hbm:s3], $0xF7A  }
0x26: {  	[smem:$0x3F97] =	sst s1;
	(tag) =	ssettag s2;
	_ =	strace s9  }
0x27: {  	s1 =	sld [smem:$0x3FA7]  }
0x28: {  	s2 =	sld [smem:$0x3FA8]  }
0x29: {  	s4 =	sld [smem:$0x3FAA]  }
0x2a: {  	p0 =	seq.s32 s5, $0x0;
	s5 =	sld [smem:$0x3FAB]  }
0x2b: {  	s6 =	sld [smem:$0x3FAC]  }
0x2c: {  	s7 =	sld [smem:$0x3FAD]  }
0x2d: {  	s3 =	simm.s32 $0x108;
	s8 =	sld [smem:$0x3FAE]  }
0x2e: {  	s3 =	simm.s32 @!p0 $0x1082;
	s9 =	sld [smem:$0x3FAF]  }
0x2f: {  	lr =	sadd.s32 s0, s3;
	s0 =	sld [smem:$0x3FA6]  }
0x30: {  	s3 =	sld [smem:$0x3FA9]  }
0x31: {  	[smem:$0x3FB2] =	sst s10  }
0x32: {  	s10 =	sld [smem:$0x3FB0];
	_ =	sdelay $0x3  }
0x33: {  	p0 =	seq.s32 s10, $0x1;
	s10 =	sld [smem:$0x3FB2];
	_ =	sdelay $0x3  }
0x34: {  	[smem:$0x3FB2] =	sst s10  }
0x35: {  	s10 =	sld [smem:$0x3FB1];
	_ =	sdelay $0x3  }
0x36: {  	p1 =	seq.s32 s10, $0x1;
	s10 =	sld [smem:$0x3FB2];
	_ =	sdelay $0x3  }
0x37: {  	[smem:$0x3FB2] =	sst s10  }
0x38: {  	s10 =	sld [smem:$0x3FB3]  }
0x39: {  	_ = 	snop;
	(pc) =	sbr.ind lr, $3  }
0x3a: {  	_ = 	snop  }
0x3b: {  	_ = 	snop  }
0x3c: {  	p2 =	seq.s32 s10, $0x1;
	s10 =	sld [smem:$0x3FB2]  }
0x3d: {  	_ =	shalt  }
0x3e: {  	_ =	shalt  }
0x3f: {  	_ =	shalt  }
0x40: {  	_ =	shalt  }
0x41: {  	_ =	shalt  }
0x42: {  	_ =	shalt  }
0x43: {  	_ =	shalt  }
0x44: {  	_ =	shalt  }
0x45: {  	_ =	shalt  }
0x46: {  	_ =	shalt  }
0x47: {  	_ =	shalt  }
0x48: {  	_ =	shalt  }
0x49: {  	_ =	shalt  }
0x4a: {  	_ =	shalt  }
0x4b: {  	_ =	shalt  }
0x4c: {  	_ =	shalt  }
0x4d: {  	_ =	shalt  }
0x4e: {  	_ =	shalt  }
0x4f: {  	_ =	shalt  }
0x50: {  	_ =	shalt  }
0x51: {  	_ =	shalt  }
0x52: {  	_ =	shalt  }
0x53: {  	_ =	shalt  }
0x54: {  	_ =	shalt  }
0x55: {  	_ =	shalt  }
0x56: {  	_ =	shalt  }
0x57: {  	_ =	shalt  }
0x58: {  	_ =	shalt  }
0x59: {  	_ =	shalt  }
0x5a: {  	_ =	shalt  }
0x5b: {  	_ =	shalt  }
0x5c: {  	_ =	shalt  }
0x5d: {  	_ =	shalt  }
0x5e: {  	_ =	shalt  }
0x5f: {  	_ =	shalt  }
0x60: {  	_ =	shalt  }
0x61: {  	_ =	shalt  }
0x62: {  	_ =	shalt  }
0x63: {  	_ =	shalt  }
0x64: {  	_ =	shalt  }
0x65: {  	_ =	shalt  }
0x66: {  	_ =	shalt  }
0x67: {  	_ =	shalt  }
0x68: {  	_ =	shalt  }
0x69: {  	_ =	shalt  }
0x6a: {  	_ =	shalt  }
0x6b: {  	_ =	shalt  }
0x6c: {  	_ =	shalt  }
0x6d: {  	_ =	shalt  }
0x6e: {  	_ =	shalt  }
0x6f: {  	_ =	shalt  }
0x70: {  	_ =	shalt  }
0x71: {  	_ =	shalt  }
0x72: {  	_ =	shalt  }
0x73: {  	_ =	shalt  }
0x74: {  	_ =	shalt  }
0x75: {  	_ =	shalt  }
0x76: {  	_ =	shalt  }
0x77: {  	_ =	shalt  }
0x78: {  	_ =	shalt  }
0x79: {  	_ =	shalt  }
0x7a: {  	_ =	shalt  }
0x7b: {  	_ =	shalt  }
0x7c: {  	_ =	shalt  }
0x7d: {  	_ =	shalt  }
0x7e: {  	_ =	shalt  }
0x7f: {  	_ =	shalt  }
0x80: {  	_ =	shalt  }
0x81: {  	_ =	shalt  }
0x82: {  	_ =	shalt  }
0x83: {  	_ =	shalt  }
0x84: {  	_ =	shalt  }
0x85: {  	_ =	shalt  }
0x86: {  	_ =	shalt  }
0x87: {  	_ =	shalt  }
.Lfunc_end0:
.L_simem_size_0:
called_computation_lowered:
.L_overlay_start_0:
0x88: {  	s2 =	sld [smem:$0x3FD9]  }
0x89: {  	s3 =	sld [smem:$0x3FFE];
	_ =	sdelay $0x1  }
0x8a: {  	s1 =	srdreg.scid  }
0x8b: {  	s0 =	sand.u32 $0x1, s1  }
0x8c: {  	s17 =	sshll.u32 s0, $0xA;
	s2 =	sadd.s32 s3, s2  }
0x8d: {  	s2 =	sadd.s32 s2, s17  }
0x8e: {  	[smem:$0x3FBE] =	sst s2  }
0x8f: {  	_ = 	snop  }
0x90: {  	s2 =	sld [smem:$0x3FC8]  }
0x91: {  	s18 =	sld [smem:$0x3FD0];
	(tm) =	ssettm $0x1  }
0x92: {  	s4 =	sld [smem:$0x3FFB];
	_ =	sdelay $0x3  }
0x93: {  	_ =	strace s4  }
0x94: {  	s4 =	sld [smem:$0x3FFC];
	_ =	sdelay $0x3  }
0x95: {  	_ =	strace s4  }
0x96: {  	s4 =	sld [smem:$0x3FFD];
	_ =	sdelay $0x3  }
0x97: {  	_ =	strace s4  }
0x98: {  	_ =	strace $0x8FFFFFFF  }
0x99: {  	s19 =	sld [smem:$0x3FDB];
	_ =	sdelay $0x1  }
0x9a: {  	s5 =	simm.s32 $_scs_section_size  }
0x9b: {  	s6 =	simm.s32 $_size__tile_overlayer_lowered;
	s7 =	simm.s32 $_tile_overlayer_lowered  }
0x9c: {  	s22 =	simm.s32 $0x1BFF;
	s21 =	sshll.u32 s7, $0x1;
	s4 =	sadd.s32 s5, s19  }
0x9d: {  	s8 =	simm.s32 $0x0;
	s20 =	sshll.u32 s6, $0x1;
	s6 =	sadd.s32 s21, s4  }
0x9e: {  	[timem:s8], [sflag:s22] =	dma.local [hbm:s6], s20  }
0x9f: {  	_ =	swait.ge [sflag:s22], s20  }
0xa0: {  	s5 =	ssub.s32 $0x0, s20;
	[sflag:s22] =	ssyncset.done $0x0  }
0xa1: {  	[sflag:s22] =	ssyncadd.s32 s5;
	_ =	sdelay $0x1  }
0xa2: {  	s23 =	simm.s32 $0x1B8B  }
0xa3: {  	_ =	swait.ge [sflag:s23], $0x1  }
0xa4: {  	[sflag:s23] =	ssyncset.done $0x0  }
0xa5: {  	s25 =	simm.s32 $0x1B8E;
	s24 =	sld [smem:$0x3FFE];
	[sflag:s23] =	ssyncadd.s32 $0xFFFFFFFF  }
0xa6: {  	s26 =	simm.s32 $execute0_lowered;
	[smem:$0x3FD2] =	sst s25  }
0xa7: {  	s6 =	sshll.u32 s26, $0x1;
	_ =	strace $0x80000046;
	[dreg:$0x1] =	wrdreg $0xFFFFFFFF  }
0xa8: {  	s28 =	simm.s32 $_size_execute0_lowered;
	s4 =	sadd.s32 s4, s6;
	[dreg:$0x0] =	wrdreg $0x0  }
0xa9: {  	s6 =	sshll.u32 s28, $0x1;
	[dreg:$0x2] =	wrdreg s4  }
0xaa: {  	[dreg:$0x3] =	wrdreg s6  }
0xab: {  	[dreg:$0x4] =	wrdreg $0xC0  }
0xac: {  	_ =	task [dreg:s8], $0x5FFFF  }
0xad: {  	[dreg:$0x1] =	wrdreg $0xFFFFFFFF  }
0xae: {  	[dreg:$0x0] =	wrdreg $0x60  }
0xaf: {  	[dreg:$0x2] =	wrdreg s2  }
0xb0: {  	[dreg:$0x3] =	wrdreg s18  }
0xb1: {  	[dreg:$0x4] =	wrdreg s24  }
0xb2: {  	[dreg:$0x5] =	wrdreg $0x9  }
0xb3: {  	_ =	task.clear_ibuf [dreg:s8], $0x6FFFF;
	_ =	strace $0x90000046  }
0xb4: {  	s29 =	simm.s32 $0x9;
	_ =	strace $0x80000048  }
0xb5: {  	_ =	swait.ge [sflag:s29], $0x1  }
0xb6: {  	[sflag:s29] =	ssyncadd.s32 $0xFFFFFFFF  }
0xb7: {  	_ =	strace $0x90000048  }
0xb8: {  	_ =	sfence  }
0xb9: {  	s30 =	sld [smem:$0x0];
	_ =	sdelay $0x2  }
0xba: {  	s31 =	sshll.u32 s1, $0xD;
	s1 =	sshrl.u32 s1, $0x2  }
0xbb: {  	s3 =	sand.u32 $0x4000, s31;
	s1 =	sadd.s32 s1, s30  }
0xbc: {  	s0 =	sor.u32 s3, s0;
	s1 =	sshll.u32 s1, $0x11  }
0xbd: {  	s0 =	sor.u32 s1, s0  }
0xbe: {  	s0 =	sadd.s32 $0x8F2B, s0  }
0xbf: {  	[sflag:s0] =	ssyncadd.remote.s32 $0x1  }
0xc0: {  	_ =	sfence.sel $0xFFFF  }
0xc1: {  	[dreg:$0x0] =	wrdreg $0xFFFFFFFF;
	(pc) =	sbr.abs _section_cstart, $3  }
0xc2: {  	[dreg:$0x1] =	wrdreg $0xFFFFFFFF  }
0xc3: {  	_ =	task.clear_ibuf [dreg:s8], $0x2FFFF;
	_ =	strace $0x9FFFFFFF  }
0xc4: {  	(tm) =	ssettm $0x7FFFFFFF  }
0xc5: {  	_ =	shalt  }
tec
execute0_lowered:
.L_overlay_start_1:
0x0: {  	(tag) =	ssettag $0x1  }
0x1: {  	v0 =	vimm.s32 $0x1380;
	vm14 =	vcmask $0x300;
	vm13 =	vcmask $0x704  }
0x2: {  	vm12 =	vcmask $0xB08;
	vm11 =	vcmask $0xF0C;
	vm10 =	vcmask $0x1310  }
0x3: {  	vm9 =	vcmask $0x1714;
	vm8 =	vcmask $0x1B18;
	vm7 =	vcmask $0x1F1C  }
0x4: {  	vm6 =	vcmask $0x2320;
	vm5 =	vcmask $0x2724;
	vm4 =	vcmask $0x2B28  }
0x5: {  	vm3 =	vcmask $0x2F2C;
	v1 =	vlaneseq.u32;
	vm2 =	vcmask $0x3330  }
0x6: {  	vm1 =	vcmask $0x3734;
	vm0 =	vcmask $0x3B38;
	v3 =	vimm.s32 $0x3380  }
0x7: {  	v4 =	vimm.s32 $0x5380;
	v5 =	vimm.s32 $0x7380;
	v0 =	vsel vm14, $0x0, v0  }
0x8: {  	v3 =	vsel vm14, $0x2000, v3;
	v4 =	vsel vm14, $0x4000, v4;
	v5 =	vsel vm14, $0x6000, v5  }
0x9: {  	v0 =	vsel vm13, $0x80, v0;
	v3 =	vsel vm13, $0x2080, v3;
	v4 =	vsel vm13, $0x4080, v4  }
0xa: {  	v5 =	vsel vm13, $0x6080, v5;
	v0 =	vsel vm12, $0x100, v0;
	v3 =	vsel vm12, $0x2100, v3  }
0xb: {  	v4 =	vsel vm12, $0x4100, v4;
	v5 =	vsel vm12, $0x6100, v5;
	v0 =	vsel vm11, $0x180, v0  }
0xc: {  	v3 =	vsel vm11, $0x2180, v3;
	v4 =	vsel vm11, $0x4180, v4;
	v5 =	vsel vm11, $0x6180, v5  }
0xd: {  	s0 =	rddreg [dreg:$0x0];
	v0 =	vsel vm10, $0x200, v0;
	v3 =	vsel vm10, $0x2200, v3;
	v4 =	vsel vm10, $0x4200, v4  }
0xe: {  	s1 =	rddreg [dreg:$0x1];
	v5 =	vsel vm10, $0x6200, v5;
	v0 =	vsel vm9, $0x280, v0;
	v3 =	vsel vm9, $0x2280, v3  }
0xf: {  	s2 =	rddreg [dreg:$0x2];
	v4 =	vsel vm9, $0x4280, v4;
	v5 =	vsel vm9, $0x6280, v5;
	v0 =	vsel vm8, $0x300, v0  }
0x10: {  	s3 =	srdreg.scid;
	s5 =	simm.s32 $0x0;
	s8 =	simm.s32 $0x7A1400;
	v3 =	vsel vm8, $0x2300, v3;
	v4 =	vsel vm8, $0x4300, v4;
	v5 =	vsel vm8, $0x6300, v5  }
0x11: {  	s4 =	stileid.u32;
	s9 =	simm.s32 $0x400;
	s6 =	simm.s32 $0x4200;
	v0 =	vsel vm7, $0x380, v0;
	v3 =	vsel vm7, $0x2380, v3;
	v4 =	vsel vm7, $0x4380, v4  }
0x12: {  	s7 =	simm.s32 $0x6200;
	s10 =	simm.s32 $0x8200;
	s11 =	simm.s32 $0xA200;
	v5 =	vsel vm7, $0x6380, v5;
	v0 =	vsel vm6, $0x1000, v0;
	v3 =	vsel vm6, $0x3000, v3  }
0x13: {  	s12 =	simm.s32 $0xC200;
	s13 =	simm.s32 $0xE200;
	s28 =	simm.s32 $0x1;
	v4 =	vsel vm6, $0x5000, v4;
	v5 =	vsel vm6, $0x7000, v5;
	v0 =	vsel vm5, $0x1080, v0  }
0x14: {  	s19 =	simm.s32 $0x10200;
	s16 =	simm.s32 $0x2200;
	s22 =	simm.s32 $0x3;
	v3 =	vsel vm5, $0x3080, v3;
	v4 =	vsel vm5, $0x5080, v4;
	v5 =	vsel vm5, $0x7080, v5  }
0x15: {  	s14 =	simm.s32 $0x4200;
	s17 =	simm.s32 $0x6200;
	s3 =	sand.u32 $0x1, s3;
	v0 =	vsel vm4, $0x1100, v0;
	v3 =	vsel vm4, $0x3100, v3;
	v4 =	vsel vm4, $0x5100, v4  }
0x16: {  	s30 =	simm.s32 $0xC200;
	s4 =	sshll.u32 s4, $0xA;
	s25 =	sshll.u32 s3, $0x9;
	v5 =	vsel vm4, $0x7100, v5;
	v2 =	vsel vm3, $0x1180, v0;
	v0 =	vmul.u32 $0x80, v1  }
0x17: {  	[smem:$0x7FF] =	sst s5;
	s5 =	simm.s32 $0x2200;
	s4 =	sor.u32 s25, s4;
	v3 =	vsel vm3, $0x3180, v3;
	v4 =	vsel vm3, $0x5180, v4;
	v5 =	vsel vm3, $0x7180, v5  }
0x18: {  	s3 =	ssub.s32 $0x2, s3;
	s2 =	sadd.s32 s4, s2;
	s4 =	sshrl.u32 s4, $0x3;
	v1 =	vsel vm2, $0x1200, v2;
	v3 =	vsel vm2, $0x3200, v3;
	v6 =	vsel vm2, $0x5200, v4  }
0x19: {  	_ =	strace $0x80000047;
	s26 =	sshrl.u32 s3, $0x1;
	s1 =	sadd.s32 s1, s4;
	v5 =	vsel vm2, $0x7200, v5;
	v1 =	vsel vm1, $0x1280, v1;
	v2 =	vor.u32 $0x800, v0  }
0x1a: {  	s3 =	ssub.s32 s3, s26;
	s29 =	sadd.s32 $0x1C00, s2;
	[dreg:$0x4] =	wrdreg s1;
	v3 =	vsel vm1, $0x3280, v3;
	v4 =	vor.u32 $0x1000, v0;
	v6 =	vsel vm1, $0x5280, v6  }
0x1b: {  	s31 =	smax.u32 s3, $0x1;
	s3 =	simm.s32 $0x9;
	[dreg:$0x5] =	wrdreg s29;
	v7 =	vsel vm1, $0x7280, v5;
	v1 =	vsel vm0, $0x1300, v1;
	v3 =	vsel vm0, $0x3300, v3  }
0x1c: {  	s4 =	simm.s32 $0x200;
	s2 =	simm.s32 $0x0;
	[dreg:$0x6] =	wrdreg s31;
	v5 =	vsel vm0, $0x5300, v6;
	v6 =	vor.u32 $0x1800, v0;
	v7 =	vsel vm0, $0x7300, v7  }
.LBB2_1:
0x1d: {  	[dreg:$0x7] =	wrdreg s2  }
0x1e: {  	s1 =	simm.s32 $0x0;
	s29 =	rddreg [dreg:$0x4]  }
0x1f: {  	[tilespmem:s1], [sflag:$0x9] =	stream.linear.gather [hbm4b:s29+s1], $0x200, $0x38;
	[tilespmem:$0x18200] =	vst v63  }
0x20: {  	_ =	swait.ge [sflag:s3], $0x200  }
0x21: {  	[sflag:s3] =	ssyncset.done $0x0  }
0x22: {  	[sflag:s3] =	ssyncadd.s32 $0xFFFFFE00  }
0x23: {  	v8 =	vld [tilespmem:$0x0];
	_ =	sdelay $0x4  }
0x24: {  	(v2sf) =	vpush v8, $0x0;
	_ =	sdelay $0x3  }
0x25: {  	(v2sf) =	vpush v8, $0x1;
	_ =	sdelay $0x4  }
0x26: {  	(v2sf) =	vpush v8, $0x2  }
0x27: {  	(v2sf) =	vpush v8, $0x3  }
0x28: {  	(v2sf) =	vpush v8, $0x4;
	_ =	sdelay $0x3  }
0x29: {  	s3 =	spop (v2sf)  }
0x2a: {  	s1 =	sand.u32 $0xFFFFF80, s3  }
0x2b: {  	(v2sf) =	vpush v8, $0x5;
	s1 =	sadd.s32 s0, s1  }
0x2c: {  	[tilespmem:s4], [sflag:$0x1] =	stream.strided.gather [hbm4b:s1+s9], $0x2000, s8, s9, $0x38;
	[tilespmem:$0x18200] =	vst v63  }
0x2d: {  	s4 =	spop (v2sf);
	(v2sf) =	vpush v8, $0x6;
	_ =	sdelay $0x1  }
0x2e: {  	s1 =	sand.u32 $0xFFFFF80, s4  }
0x2f: {  	s1 =	sadd.s32 s0, s1  }
0x30: {  	[tilespmem:s5], [sflag:$0x2] =	stream.strided.gather [hbm4b:s1+s9], $0x2000, s8, s9, $0x38;
	[tilespmem:$0x18200] =	vst v63  }
0x31: {  	s5 =	spop (v2sf);
	(v2sf) =	vpush v8, $0x7  }
0x32: {  	s1 =	sand.u32 $0xFFFFF80, s5;
	s15 =	spop (v2sf)  }
0x33: {  	s1 =	sadd.s32 s0, s1;
	s18 =	sand.u32 $0xFFFFF80, s15;
	s20 =	spop (v2sf)  }
0x34: {  	[tilespmem:s6], [sflag:$0x3] =	stream.strided.gather [hbm4b:s1+s9], $0x2000, s8, s9, $0x38;
	[tilespmem:$0x18200] =	vst v63  }
0x35: {  	s1 =	sadd.s32 s0, s18;
	s21 =	sand.u32 $0xFFFFF80, s20  }
0x36: {  	[tilespmem:s7], [sflag:$0x4] =	stream.strided.gather [hbm4b:s1+s9], $0x2000, s8, s9, $0x38;
	[tilespmem:$0x18200] =	vst v63  }
0x37: {  	s1 =	sadd.s32 s0, s21  }
0x38: {  	[tilespmem:s10], [sflag:$0x5] =	stream.strided.gather [hbm4b:s1+s9], $0x2000, s8, s9, $0x38;
	[tilespmem:$0x18200] =	vst v63  }
0x39: {  	s23 =	spop (v2sf)  }
0x3a: {  	s24 =	sand.u32 $0xFFFFF80, s23  }
0x3b: {  	s1 =	sadd.s32 s0, s24;
	s25 =	spop (v2sf)  }
0x3c: {  	[tilespmem:s11], [sflag:$0x6] =	stream.strided.gather [hbm4b:s1+s9], $0x2000, s8, s9, $0x38;
	[tilespmem:$0x18200] =	vst v63  }
0x3d: {  	s26 =	sand.u32 $0xFFFFF80, s25  }
0x3e: {  	s1 =	sadd.s32 s0, s26  }
0x3f: {  	[tilespmem:s12], [sflag:$0x7] =	stream.strided.gather [hbm4b:s1+s9], $0x2000, s8, s9, $0x38;
	[tilespmem:$0x18200] =	vst v63  }
0x40: {  	s29 =	spop (v2sf)  }
0x41: {  	s1 =	sand.u32 $0xFFFFF80, s29  }
0x42: {  	s1 =	sadd.s32 s0, s1  }
0x43: {  	[tilespmem:s13], [sflag:$0x8] =	stream.strided.gather [hbm4b:s1+s9], $0x2000, s8, s9, $0x38;
	[tilespmem:$0x18200] =	vst v63  }
0x44: {  	s31 =	simm.s32 $0xF;
	s2 =	simm.s32 $0x1;
	s1 =	simm.s32 $0x0  }
.LBB2_2:
0x45: {  	v8 =	vld [tilespmem:s1+$0x0];
	_ =	sdelay $0x4  }
0x46: {  	(v2sf) =	vpush v8, $0x0  }
0x47: {  	(v2sf) =	vpush v8, $0x2  }
0x48: {  	(v2sf) =	vpush v8, $0x3  }
0x49: {  	(v2sf) =	vpush v8, $0x4  }
0x4a: {  	(v2sf) =	vpush v8, $0x5  }
0x4b: {  	(v2sf) =	vpush v8, $0x6  }
0x4c: {  	(v2sf) =	vpush v8, $0x7  }
0x4d: {  	(v2sf) =	vpush v8, $0x8  }
0x4e: {  	s3 =	smin.u32 s2, $0x1F;
	(v2sf) =	vpush v8, $0x9  }
0x4f: {  	s3 =	sshll.u32 s3, $0x4;
	(v2sf) =	vpush v8, $0xA  }
0x50: {  	v9 =	vld [tilespmem:s3+$0x0];
	(v2sf) =	vpush v8, $0xB  }
0x51: {  	(v2sf) =	vpush v8, $0xC  }
0x52: {  	(v2sf) =	vpush v8, $0xD  }
0x53: {  	(v2sf) =	vpush v8, $0xE  }
0x54: {  	(v2sf) =	vpush v8, $0xF  }
0x55: {  	s29 =	spop (v2sf);
	(v2sf) =	vpush v9, $0x0  }
0x56: {  	s3 =	spop (v2sf);
	(v2sf) =	vpush v9, $0x1  }
0x57: {  	s7 =	spop (v2sf);
	(v2sf) =	vpush v9, $0x2  }
0x58: {  	s10 =	spop (v2sf);
	(v2sf) =	vpush v9, $0x3  }
0x59: {  	s26 =	spop (v2sf);
	(v2sf) =	vpush v9, $0x4  }
0x5a: {  	s25 =	spop (v2sf);
	(v2sf) =	vpush v9, $0x5  }
0x5b: {  	s24 =	spop (v2sf);
	(v2sf) =	vpush v9, $0x6  }
0x5c: {  	s23 =	spop (v2sf);
	(v2sf) =	vpush v9, $0x7  }
0x5d: {  	s21 =	spop (v2sf)  }
0x5e: {  	s5 =	spop (v2sf)  }
0x5f: {  	s11 =	spop (v2sf)  }
0x60: {  	s13 =	spop (v2sf)  }
0x61: {  	s6 =	spop (v2sf)  }
0x62: {  	s18 =	spop (v2sf)  }
0x63: {  	[dreg:$0x11] =	wrdreg s11;
	s15 =	spop (v2sf)  }
0x64: {  	[dreg:$0x10] =	wrdreg s13;
	s4 =	spop (v2sf)  }
0x65: {  	[dreg:$0xf] =	wrdreg s4;
	s12 =	spop (v2sf)  }
0x66: {  	[dreg:$0xe] =	wrdreg s12;
	s20 =	spop (v2sf)  }
0x67: {  	[dreg:$0xd] =	wrdreg s20;
	s12 =	spop (v2sf)  }
0x68: {  	[dreg:$0xc] =	wrdreg s12;
	s20 =	spop (v2sf)  }
0x69: {  	[dreg:$0xb] =	wrdreg s20;
	s12 =	spop (v2sf)  }
0x6a: {  	s29 =	sand.u32 $0x7F, s29;
	[dreg:$0xa] =	wrdreg s12;
	s20 =	spop (v2sf)  }
0x6b: {  	v58 =	vor.u32 s29, v0;
	[dreg:$0x9] =	wrdreg s20;
	s20 =	sadd.s32 $0xFFFFFFF1, s31;
	s12 =	spop (v2sf)  }
0x6c: {  	[dreg:$0x8] =	wrdreg s12;
	v10 =	vmov s20  }
0x6d: {  	_ =	swait.ge [sflag:s28], $0x2000;
	v11 =	vshll.u32 v10, $0x3  }
0x6e: {  	v10 =	vand.u32 $0x70, v10;
	[sflag:s28] =	ssyncset.done $0x0;
	v11 =	vand.u32 $0xC00, v11  }
0x6f: {  	s12 =	simm.s32 $0x200;
	[sflag:s28] =	ssyncadd.s32 $0xFFFFE000;
	v10 =	vor.u32 v10, v11  }
0x70: {  	v9 =	vld.idx.msk [tilespmem:v58+s12+$0x0], $0xffff;
	v11 =	vor.u32 v1, v10  }
0x71: {  	v12 =	vor.u32 s29, v2;
	_ =	sdelay $0x3  }
0x72: {  	[tilespmem:v11+s19+$0x0] =	vst.idx.msk $0xffff, v9  }
0x73: {  	v59 =	vor.u32 v3, v10;
	v9 =	vld.idx.msk [tilespmem:v12+s12+$0x0], $0xffff  }
0x74: {  	(v2sf) =	vpush v8, $0x1;
	v8 =	vor.u32 s29, v4;
	_ =	sdelay $0x3  }
0x75: {  	[tilespmem:v59+s19+$0x0] =	vst.idx.msk $0xffff, v9  }
0x76: {  	v60 =	vor.u32 v5, v10;
	v8 =	vld.idx.msk [tilespmem:v8+s12+$0x0], $0xffff  }
0x77: {  	v61 =	vor.u32 s29, v6;
	_ =	sdelay $0x3  }
0x78: {  	[tilespmem:v60+s19+$0x0] =	vst.idx.msk $0xffff, v8  }
0x79: {  	v62 =	vor.u32 v7, v10;
	v8 =	vld.idx.msk [tilespmem:v61+s12+$0x0], $0xffff;
	_ =	sdelay $0x3  }
0x7a: {  	s4 =	sand.u32 $0xFFFFF80, s23;
	s20 =	spop (v2sf)  }
0x7b: {  	s29 =	sadd.s32 s0, s4;
	s28 =	sadd.s32 $0xFFFFFFF2, s31;
	s20 =	sand.u32 $0x7F, s20;
	[tilespmem:v62+s19+$0x0] =	vst.idx.msk $0xffff, v8  }
0x7c: {  	v8 =	vor.u32 s20, v0;
	[tilespmem:s12], [sflag:$0x1] =	stream.strided.gather [hbm4b:s29+s9], $0x2000, s8, s9, $0x38;
	[tilespmem:$0x18200] =	vst v63  }
0x7d: {  	v63 =	vmov s28;
	s29 =	simm.s32 $0x2  }
0x7e: {  	v12 =	vshll.u32 v63, $0x3;
	_ =	swait.ge [sflag:s29], $0x2000  }
0x7f: {  	v10 =	vand.u32 $0xC00, v12;
	v9 =	vand.u32 $0x71, v63;
	[sflag:s29] =	ssyncset.done $0x0  }
0x80: {  	v9 =	vor.u32 v9, v10;
	[sflag:s29] =	ssyncadd.s32 $0xFFFFE000  }
0x81: {  	v10 =	vor.u32 v1, v9;
	v8 =	vld.idx.msk [tilespmem:v8+s16+$0x0], $0xffff  }
0x82: {  	v13 =	vor.u32 s20, v2;
	_ =	sdelay $0x3  }
0x83: {  	[tilespmem:v10+s19+$0x0] =	vst.idx.msk $0xffff, v8  }
0x84: {  	v14 =	vor.u32 v3, v9;
	v8 =	vld.idx.msk [tilespmem:v13+s16+$0x0], $0xffff  }
0x85: {  	v15 =	vor.u32 s20, v4;
	_ =	sdelay $0x3  }
0x86: {  	[tilespmem:v14+s19+$0x0] =	vst.idx.msk $0xffff, v8  }
0x87: {  	v16 =	vor.u32 v5, v9;
	v8 =	vld.idx.msk [tilespmem:v15+s16+$0x0], $0xffff  }
0x88: {  	v17 =	vor.u32 s20, v6;
	_ =	sdelay $0x3  }
0x89: {  	[tilespmem:v16+s19+$0x0] =	vst.idx.msk $0xffff, v8  }
0x8a: {  	v9 =	vor.u32 v7, v9;
	v8 =	vld.idx.msk [tilespmem:v17+s16+$0x0], $0xffff;
	_ =	sdelay $0x3  }
0x8b: {  	s3 =	sand.u32 $0x7F, s3;
	s4 =	sand.u32 $0xFFFFF80, s21  }
0x8c: {  	s28 =	sadd.s32 $0xFFFFFFF3, s31;
	s20 =	sadd.s32 s0, s4;
	[tilespmem:v9+s19+$0x0] =	vst.idx.msk $0xffff, v8;
	v8 =	vor.u32 s3, v0  }
0x8d: {  	v18 =	vmov s28;
	[tilespmem:s16], [sflag:$0x2] =	stream.strided.gather [hbm4b:s20+s9], $0x2000, s8, s9, $0x38;
	[tilespmem:$0x18200] =	vst v63  }
0x8e: {  	v19 =	vshll.u32 v18, $0x3;
	_ =	swait.ge [sflag:s22], $0x2000  }
0x8f: {  	v10 =	vand.u32 $0xC00, v19;
	v9 =	vand.u32 $0x72, v18;
	[sflag:s22] =	ssyncset.done $0x0  }
0x90: {  	v9 =	vor.u32 v9, v10;
	[sflag:s22] =	ssyncadd.s32 $0xFFFFE000  }
0x91: {  	v10 =	vor.u32 v1, v9;
	v8 =	vld.idx.msk [tilespmem:v8+s14+$0x0], $0xffff  }
0x92: {  	v20 =	vor.u32 s3, v2;
	_ =	sdelay $0x3  }
0x93: {  	[tilespmem:v10+s19+$0x0] =	vst.idx.msk $0xffff, v8  }
0x94: {  	v21 =	vor.u32 v3, v9;
	v8 =	vld.idx.msk [tilespmem:v20+s14+$0x0], $0xffff  }
0x95: {  	v22 =	vor.u32 s3, v4;
	_ =	sdelay $0x3  }
0x96: {  	[tilespmem:v21+s19+$0x0] =	vst.idx.msk $0xffff, v8  }
0x97: {  	v23 =	vor.u32 v5, v9;
	v8 =	vld.idx.msk [tilespmem:v22+s14+$0x0], $0xffff  }
0x98: {  	v24 =	vor.u32 s3, v6;
	_ =	sdelay $0x3  }
0x99: {  	[tilespmem:v23+s19+$0x0] =	vst.idx.msk $0xffff, v8  }
0x9a: {  	v9 =	vor.u32 v7, v9;
	v8 =	vld.idx.msk [tilespmem:v24+s14+$0x0], $0xffff;
	_ =	sdelay $0x3  }
0x9b: {  	s7 =	sand.u32 $0x7F, s7;
	s29 =	sand.u32 $0xFFFFF80, s5  }
0x9c: {  	s4 =	sadd.s32 $0xFFFFFFF4, s31;
	s3 =	sadd.s32 s0, s29;
	s20 =	simm.s32 $0x4;
	[tilespmem:v9+s19+$0x0] =	vst.idx.msk $0xffff, v8;
	v8 =	vor.u32 s7, v0  }
0x9d: {  	v25 =	vmov s4;
	[tilespmem:s14], [sflag:$0x3] =	stream.strided.gather [hbm4b:s3+s9], $0x2000, s8, s9, $0x38;
	[tilespmem:$0x18200] =	vst v63  }
0x9e: {  	v26 =	vshll.u32 v25, $0x3;
	_ =	swait.ge [sflag:s20], $0x2000  }
0x9f: {  	v10 =	vand.u32 $0xC00, v26;
	v9 =	vand.u32 $0x73, v25;
	[sflag:s20] =	ssyncset.done $0x0  }
0xa0: {  	v9 =	vor.u32 v9, v10;
	[sflag:s20] =	ssyncadd.s32 $0xFFFFE000  }
0xa1: {  	v10 =	vor.u32 v1, v9;
	v8 =	vld.idx.msk [tilespmem:v8+s17+$0x0], $0xffff  }
0xa2: {  	v27 =	vor.u32 s7, v2;
	_ =	sdelay $0x3  }
0xa3: {  	[tilespmem:v10+s19+$0x0] =	vst.idx.msk $0xffff, v8  }
0xa4: {  	v28 =	vor.u32 v3, v9;
	v8 =	vld.idx.msk [tilespmem:v27+s17+$0x0], $0xffff  }
0xa5: {  	v29 =	vor.u32 s7, v4;
	_ =	sdelay $0x3  }
0xa6: {  	[tilespmem:v28+s19+$0x0] =	vst.idx.msk $0xffff, v8  }
0xa7: {  	v30 =	vor.u32 v5, v9;
	v8 =	vld.idx.msk [tilespmem:v29+s17+$0x0], $0xffff  }
0xa8: {  	v31 =	vor.u32 s7, v6;
	_ =	sdelay $0x3  }
0xa9: {  	[tilespmem:v30+s19+$0x0] =	vst.idx.msk $0xffff, v8  }
0xaa: {  	v9 =	vor.u32 v7, v9;
	v8 =	vld.idx.msk [tilespmem:v31+s17+$0x0], $0xffff;
	_ =	sdelay $0x3  }
0xab: {  	s11 =	sand.u32 $0xFFFFF80, s11;
	s29 =	sand.u32 $0x7F, s10  }
0xac: {  	s4 =	simm.s32 $0x5;
	s3 =	sadd.s32 s0, s11;
	s11 =	sadd.s32 $0xFFFFFFF5, s31;
	[tilespmem:v9+s19+$0x0] =	vst.idx.msk $0xffff, v8;
	v8 =	vor.u32 s29, v0  }
0xad: {  	v32 =	vmov s11;
	[tilespmem:s17], [sflag:$0x4] =	stream.strided.gather [hbm4b:s3+s9], $0x2000, s8, s9, $0x38;
	[tilespmem:$0x18200] =	vst v63  }
0xae: {  	v33 =	vshll.u32 v32, $0x3;
	_ =	swait.ge [sflag:s4], $0x2000  }
0xaf: {  	v10 =	vand.u32 $0xC00, v33;
	v9 =	vand.u32 $0x74, v32;
	[sflag:s4] =	ssyncset.done $0x0  }
0xb0: {  	s11 =	simm.s32 $0x8200;
	v9 =	vor.u32 v9, v10;
	[sflag:s4] =	ssyncadd.s32 $0xFFFFE000  }
0xb1: {  	v10 =	vor.u32 v1, v9;
	v8 =	vld.idx.msk [tilespmem:v8+s11+$0x0], $0xffff  }
0xb2: {  	v34 =	vor.u32 s29, v2;
	_ =	sdelay $0x3  }
0xb3: {  	[tilespmem:v10+s19+$0x0] =	vst.idx.msk $0xffff, v8  }
0xb4: {  	v35 =	vor.u32 v3, v9;
	v8 =	vld.idx.msk [tilespmem:v34+s11+$0x0], $0xffff  }
0xb5: {  	v36 =	vor.u32 s29, v4;
	_ =	sdelay $0x3  }
0xb6: {  	[tilespmem:v35+s19+$0x0] =	vst.idx.msk $0xffff, v8  }
0xb7: {  	v37 =	vor.u32 v5, v9;
	v8 =	vld.idx.msk [tilespmem:v36+s11+$0x0], $0xffff  }
0xb8: {  	v38 =	vor.u32 s29, v6;
	_ =	sdelay $0x3  }
0xb9: {  	[tilespmem:v37+s19+$0x0] =	vst.idx.msk $0xffff, v8  }
0xba: {  	v9 =	vor.u32 v7, v9;
	v8 =	vld.idx.msk [tilespmem:v38+s11+$0x0], $0xffff;
	_ =	sdelay $0x3  }
0xbb: {  	s13 =	sand.u32 $0xFFFFF80, s13;
	s7 =	sand.u32 $0x7F, s26  }
0xbc: {  	s26 =	simm.s32 $0x6;
	s29 =	sadd.s32 $0xFFFFFFF6, s31;
	s3 =	sadd.s32 s0, s13;
	[tilespmem:v9+s19+$0x0] =	vst.idx.msk $0xffff, v8;
	v8 =	vor.u32 s7, v0  }
0xbd: {  	v39 =	vmov s29;
	[tilespmem:s11], [sflag:$0x5] =	stream.strided.gather [hbm4b:s3+s9], $0x2000, s8, s9, $0x38;
	[tilespmem:$0x18200] =	vst v63  }
0xbe: {  	v40 =	vshll.u32 v39, $0x3;
	_ =	swait.ge [sflag:s26], $0x2000  }
0xbf: {  	v10 =	vand.u32 $0xC00, v40;
	v9 =	vand.u32 $0x75, v39;
	[sflag:s26] =	ssyncset.done $0x0  }
0xc0: {  	s13 =	simm.s32 $0xA200;
	v9 =	vor.u32 v9, v10;
	[sflag:s26] =	ssyncadd.s32 $0xFFFFE000  }
0xc1: {  	v10 =	vor.u32 v1, v9;
	v8 =	vld.idx.msk [tilespmem:v8+s13+$0x0], $0xffff  }
0xc2: {  	v41 =	vor.u32 s7, v2;
	_ =	sdelay $0x3  }
0xc3: {  	[tilespmem:v10+s19+$0x0] =	vst.idx.msk $0xffff, v8  }
0xc4: {  	v42 =	vor.u32 v3, v9;
	v8 =	vld.idx.msk [tilespmem:v41+s13+$0x0], $0xffff  }
0xc5: {  	v43 =	vor.u32 s7, v4;
	_ =	sdelay $0x3  }
0xc6: {  	[tilespmem:v42+s19+$0x0] =	vst.idx.msk $0xffff, v8  }
0xc7: {  	v44 =	vor.u32 v5, v9;
	v8 =	vld.idx.msk [tilespmem:v43+s13+$0x0], $0xffff  }
0xc8: {  	v45 =	vor.u32 s7, v6;
	_ =	sdelay $0x3  }
0xc9: {  	[tilespmem:v44+s19+$0x0] =	vst.idx.msk $0xffff, v8  }
0xca: {  	v9 =	vor.u32 v7, v9;
	v8 =	vld.idx.msk [tilespmem:v45+s13+$0x0], $0xffff;
	_ =	sdelay $0x3  }
0xcb: {  	s10 =	sand.u32 $0xFFFFF80, s6;
	s7 =	sand.u32 $0x7F, s25  }
0xcc: {  	s29 =	sadd.s32 $0xFFFFFFF7, s31;
	s25 =	simm.s32 $0x7;
	s3 =	sadd.s32 s0, s10;
	[tilespmem:v9+s19+$0x0] =	vst.idx.msk $0xffff, v8;
	v8 =	vor.u32 s7, v0  }
0xcd: {  	v46 =	vmov s29;
	[tilespmem:s13], [sflag:$0x6] =	stream.strided.gather [hbm4b:s3+s9], $0x2000, s8, s9, $0x38;
	[tilespmem:$0x18200] =	vst v63  }
0xce: {  	v47 =	vshll.u32 v46, $0x3;
	_ =	swait.ge [sflag:s25], $0x2000  }
0xcf: {  	v10 =	vand.u32 $0xC00, v47;
	v9 =	vand.u32 $0x76, v46;
	[sflag:s25] =	ssyncset.done $0x0  }
0xd0: {  	v9 =	vor.u32 v9, v10;
	[sflag:s25] =	ssyncadd.s32 $0xFFFFE000  }
0xd1: {  	v10 =	vor.u32 v1, v9;
	v8 =	vld.idx.msk [tilespmem:v8+s30+$0x0], $0xffff  }
0xd2: {  	v48 =	vor.u32 s7, v2;
	_ =	sdelay $0x3  }
0xd3: {  	[tilespmem:v10+s19+$0x0] =	vst.idx.msk $0xffff, v8  }
0xd4: {  	v49 =	vor.u32 v3, v9;
	v8 =	vld.idx.msk [tilespmem:v48+s30+$0x0], $0xffff  }
0xd5: {  	v50 =	vor.u32 s7, v4;
	_ =	sdelay $0x3  }
0xd6: {  	[tilespmem:v49+s19+$0x0] =	vst.idx.msk $0xffff, v8  }
0xd7: {  	v51 =	vor.u32 v5, v9;
	v8 =	vld.idx.msk [tilespmem:v50+s30+$0x0], $0xffff  }
0xd8: {  	v52 =	vor.u32 s7, v6;
	_ =	sdelay $0x3  }
0xd9: {  	[tilespmem:v51+s19+$0x0] =	vst.idx.msk $0xffff, v8  }
0xda: {  	v9 =	vor.u32 v7, v9;
	v8 =	vld.idx.msk [tilespmem:v52+s30+$0x0], $0xffff;
	_ =	sdelay $0x3  }
0xdb: {  	s10 =	sand.u32 $0xFFFFF80, s18;
	s7 =	sand.u32 $0x7F, s24  }
0xdc: {  	s29 =	sadd.s32 $0xFFFFFFF8, s31;
	s24 =	simm.s32 $0x8;
	s3 =	sadd.s32 s0, s10;
	[tilespmem:v9+s19+$0x0] =	vst.idx.msk $0xffff, v8;
	v8 =	vor.u32 s7, v0  }
0xdd: {  	v53 =	vmov s29;
	[tilespmem:s30], [sflag:$0x7] =	stream.strided.gather [hbm4b:s3+s9], $0x2000, s8, s9, $0x38;
	[tilespmem:$0x18200] =	vst v63  }
0xde: {  	v54 =	vshll.u32 v53, $0x3;
	_ =	swait.ge [sflag:s24], $0x2000  }
0xdf: {  	v10 =	vand.u32 $0xC00, v54;
	v9 =	vand.u32 $0x77, v53;
	[sflag:s24] =	ssyncset.done $0x0  }
0xe0: {  	s29 =	simm.s32 $0xE200;
	v9 =	vor.u32 v9, v10;
	[sflag:s24] =	ssyncadd.s32 $0xFFFFE000  }
0xe1: {  	v10 =	vor.u32 v1, v9;
	v8 =	vld.idx.msk [tilespmem:v8+s29+$0x0], $0xffff  }
0xe2: {  	v55 =	vor.u32 s7, v2;
	_ =	sdelay $0x3  }
0xe3: {  	[tilespmem:v10+s19+$0x0] =	vst.idx.msk $0xffff, v8  }
0xe4: {  	v56 =	vor.u32 v3, v9;
	v8 =	vld.idx.msk [tilespmem:v55+s29+$0x0], $0xffff  }
0xe5: {  	v57 =	vor.u32 s7, v4;
	_ =	sdelay $0x3  }
0xe6: {  	[tilespmem:v56+s19+$0x0] =	vst.idx.msk $0xffff, v8  }
0xe7: {  	v58 =	vor.u32 v5, v9;
	v8 =	vld.idx.msk [tilespmem:v57+s29+$0x0], $0xffff  }
0xe8: {  	v59 =	vor.u32 s7, v6;
	_ =	sdelay $0x3  }
0xe9: {  	[tilespmem:v58+s19+$0x0] =	vst.idx.msk $0xffff, v8  }
0xea: {  	v9 =	vor.u32 v7, v9;
	v8 =	vld.idx.msk [tilespmem:v59+s29+$0x0], $0xffff;
	_ =	sdelay $0x3  }
0xeb: {  	s10 =	sand.u32 $0xFFFFF80, s15;
	s7 =	sand.u32 $0x7F, s23  }
0xec: {  	s28 =	simm.s32 $0x1;
	s23 =	sadd.s32 $0xFFFFFFF9, s31;
	s3 =	sadd.s32 s0, s10;
	[tilespmem:v9+s19+$0x0] =	vst.idx.msk $0xffff, v8;
	v8 =	vor.u32 s7, v0  }
0xed: {  	v60 =	vmov s23;
	[tilespmem:s29], [sflag:$0x8] =	stream.strided.gather [hbm4b:s3+s9], $0x2000, s8, s9, $0x38;
	[tilespmem:$0x18200] =	vst v63  }
0xee: {  	v61 =	vshll.u32 v60, $0x3;
	_ =	swait.ge [sflag:s28], $0x2000  }
0xef: {  	v10 =	vand.u32 $0xC00, v61;
	v9 =	vand.u32 $0x78, v60;
	[sflag:s28] =	ssyncset.done $0x0  }
0xf0: {  	v9 =	vor.u32 v9, v10;
	[sflag:s28] =	ssyncadd.s32 $0xFFFFE000  }
0xf1: {  	v10 =	vor.u32 v1, v9;
	v8 =	vld.idx.msk [tilespmem:v8+s12+$0x0], $0xffff  }
0xf2: {  	v62 =	vor.u32 s7, v2;
	_ =	sdelay $0x3  }
0xf3: {  	[tilespmem:v10+s19+$0x0] =	vst.idx.msk $0xffff, v8  }
0xf4: {  	v63 =	vor.u32 v3, v9;
	v8 =	vld.idx.msk [tilespmem:v62+s12+$0x0], $0xffff  }
0xf5: {  	v12 =	vor.u32 s7, v4;
	_ =	sdelay $0x3  }
0xf6: {  	[tilespmem:v63+s19+$0x0] =	vst.idx.msk $0xffff, v8  }
0xf7: {  	v13 =	vor.u32 v5, v9;
	v8 =	vld.idx.msk [tilespmem:v12+s12+$0x0], $0xffff  }
0xf8: {  	v14 =	vor.u32 s7, v6;
	_ =	sdelay $0x3  }
0xf9: {  	[tilespmem:v13+s19+$0x0] =	vst.idx.msk $0xffff, v8  }
0xfa: {  	v9 =	vor.u32 v7, v9;
	v8 =	vld.idx.msk [tilespmem:v14+s12+$0x0], $0xffff;
	_ =	sdelay $0x2  }
0xfb: {  	s10 =	rddreg [dreg:$0xf]  }
0xfc: {  	s21 =	sand.u32 $0x7F, s21;
	s3 =	sand.u32 $0xFFFFF80, s10  }
0xfd: {  	s23 =	sadd.s32 $0xFFFFFFFA, s31;
	s10 =	simm.s32 $0x2;
	s3 =	sadd.s32 s0, s3;
	[tilespmem:v9+s19+$0x0] =	vst.idx.msk $0xffff, v8;
	v8 =	vor.u32 s21, v0  }
0xfe: {  	v15 =	vmov s23;
	[tilespmem:s12], [sflag:$0x1] =	stream.strided.gather [hbm4b:s3+s9], $0x2000, s8, s9, $0x38;
	[tilespmem:$0x18200] =	vst v63  }
0xff: {  	v16 =	vshll.u32 v15, $0x3;
	_ =	swait.ge [sflag:s10], $0x2000  }
0x100: {  	v10 =	vand.u32 $0xC00, v16;
	v9 =	vand.u32 $0x79, v15;
	[sflag:s10] =	ssyncset.done $0x0  }
0x101: {  	v9 =	vor.u32 v9, v10;
	[sflag:s10] =	ssyncadd.s32 $0xFFFFE000  }
0x102: {  	v10 =	vor.u32 v1, v9;
	v8 =	vld.idx.msk [tilespmem:v8+s16+$0x0], $0xffff  }
0x103: {  	v17 =	vor.u32 s21, v2;
	_ =	sdelay $0x3  }
0x104: {  	[tilespmem:v10+s19+$0x0] =	vst.idx.msk $0xffff, v8  }
0x105: {  	v18 =	vor.u32 v3, v9;
	v8 =	vld.idx.msk [tilespmem:v17+s16+$0x0], $0xffff  }
0x106: {  	v19 =	vor.u32 s21, v4;
	_ =	sdelay $0x3  }
0x107: {  	[tilespmem:v18+s19+$0x0] =	vst.idx.msk $0xffff, v8  }
0x108: {  	v20 =	vor.u32 v5, v9;
	v8 =	vld.idx.msk [tilespmem:v19+s16+$0x0], $0xffff  }
0x109: {  	v21 =	vor.u32 s21, v6;
	_ =	sdelay $0x3  }
0x10a: {  	[tilespmem:v20+s19+$0x0] =	vst.idx.msk $0xffff, v8  }
0x10b: {  	v9 =	vor.u32 v7, v9;
	v8 =	vld.idx.msk [tilespmem:v21+s16+$0x0], $0xffff;
	_ =	sdelay $0x2  }
0x10c: {  	s21 =	rddreg [dreg:$0xe]  }
0x10d: {  	s5 =	sand.u32 $0x7F, s5;
	s3 =	sand.u32 $0xFFFFF80, s21  }
0x10e: {  	s23 =	sadd.s32 $0xFFFFFFFB, s31;
	s3 =	sadd.s32 s0, s3;
	[tilespmem:v9+s19+$0x0] =	vst.idx.msk $0xffff, v8;
	v8 =	vor.u32 s5, v0  }
0x10f: {  	v22 =	vmov s23;
	[tilespmem:s16], [sflag:$0x2] =	stream.strided.gather [hbm4b:s3+s9], $0x2000, s8, s9, $0x38;
	[tilespmem:$0x18200] =	vst v63  }
0x110: {  	v23 =	vshll.u32 v22, $0x3;
	_ =	swait.ge [sflag:s22], $0x2000  }
0x111: {  	v10 =	vand.u32 $0xC00, v23;
	v9 =	vand.u32 $0x7A, v22;
	[sflag:s22] =	ssyncset.done $0x0  }
0x112: {  	v9 =	vor.u32 v9, v10;
	[sflag:s22] =	ssyncadd.s32 $0xFFFFE000  }
0x113: {  	v10 =	vor.u32 v1, v9;
	v8 =	vld.idx.msk [tilespmem:v8+s14+$0x0], $0xffff  }
0x114: {  	v24 =	vor.u32 s5, v2;
	_ =	sdelay $0x3  }
0x115: {  	[tilespmem:v10+s19+$0x0] =	vst.idx.msk $0xffff, v8  }
0x116: {  	v25 =	vor.u32 v3, v9;
	v8 =	vld.idx.msk [tilespmem:v24+s14+$0x0], $0xffff  }
0x117: {  	v26 =	vor.u32 s5, v4;
	_ =	sdelay $0x3  }
0x118: {  	[tilespmem:v25+s19+$0x0] =	vst.idx.msk $0xffff, v8  }
0x119: {  	v27 =	vor.u32 v5, v9;
	v8 =	vld.idx.msk [tilespmem:v26+s14+$0x0], $0xffff  }
0x11a: {  	v28 =	vor.u32 s5, v6;
	_ =	sdelay $0x3  }
0x11b: {  	[tilespmem:v27+s19+$0x0] =	vst.idx.msk $0xffff, v8  }
0x11c: {  	v9 =	vor.u32 v7, v9;
	v8 =	vld.idx.msk [tilespmem:v28+s14+$0x0], $0xffff;
	_ =	sdelay $0x1  }
0x11d: {  	s12 =	rddreg [dreg:$0xd]  }
0x11e: {  	s21 =	rddreg [dreg:$0x11]  }
0x11f: {  	s3 =	sand.u32 $0xFFFFF80, s12;
	s5 =	sand.u32 $0x7F, s21  }
0x120: {  	s23 =	sadd.s32 $0xFFFFFFFC, s31;
	s3 =	sadd.s32 s0, s3;
	[tilespmem:v9+s19+$0x0] =	vst.idx.msk $0xffff, v8;
	v8 =	vor.u32 s5, v0  }
0x121: {  	v29 =	vmov s23;
	[tilespmem:s14], [sflag:$0x3] =	stream.strided.gather [hbm4b:s3+s9], $0x2000, s8, s9, $0x38;
	[tilespmem:$0x18200] =	vst v63  }
0x122: {  	v30 =	vshll.u32 v29, $0x3;
	_ =	swait.ge [sflag:s20], $0x2000  }
0x123: {  	v10 =	vand.u32 $0xC00, v30;
	v9 =	vand.u32 $0x7B, v29;
	[sflag:s20] =	ssyncset.done $0x0  }
0x124: {  	v9 =	vor.u32 v9, v10;
	[sflag:s20] =	ssyncadd.s32 $0xFFFFE000  }
0x125: {  	v10 =	vor.u32 v1, v9;
	v8 =	vld.idx.msk [tilespmem:v8+s17+$0x0], $0xffff  }
0x126: {  	v31 =	vor.u32 s5, v2;
	_ =	sdelay $0x3  }
0x127: {  	[tilespmem:v10+s19+$0x0] =	vst.idx.msk $0xffff, v8  }
0x128: {  	v32 =	vor.u32 v3, v9;
	v8 =	vld.idx.msk [tilespmem:v31+s17+$0x0], $0xffff  }
0x129: {  	v33 =	vor.u32 s5, v4;
	_ =	sdelay $0x3  }
0x12a: {  	[tilespmem:v32+s19+$0x0] =	vst.idx.msk $0xffff, v8  }
0x12b: {  	v34 =	vor.u32 v5, v9;
	v8 =	vld.idx.msk [tilespmem:v33+s17+$0x0], $0xffff  }
0x12c: {  	v35 =	vor.u32 s5, v6;
	_ =	sdelay $0x3  }
0x12d: {  	[tilespmem:v34+s19+$0x0] =	vst.idx.msk $0xffff, v8  }
0x12e: {  	v9 =	vor.u32 v7, v9;
	v8 =	vld.idx.msk [tilespmem:v35+s17+$0x0], $0xffff;
	_ =	sdelay $0x1  }
0x12f: {  	s5 =	rddreg [dreg:$0xc]  }
0x130: {  	s7 =	rddreg [dreg:$0x10]  }
0x131: {  	s3 =	sand.u32 $0xFFFFF80, s5;
	s5 =	sand.u32 $0x7F, s7  }
0x132: {  	s12 =	sadd.s32 $0xFFFFFFFD, s31;
	s3 =	sadd.s32 s0, s3;
	[tilespmem:v9+s19+$0x0] =	vst.idx.msk $0xffff, v8;
	v8 =	vor.u32 s5, v0  }
0x133: {  	v36 =	vmov s12;
	[tilespmem:s17], [sflag:$0x4] =	stream.strided.gather [hbm4b:s3+s9], $0x2000, s8, s9, $0x38;
	[tilespmem:$0x18200] =	vst v63  }
0x134: {  	v37 =	vshll.u32 v36, $0x3;
	_ =	swait.ge [sflag:s4], $0x2000  }
0x135: {  	v10 =	vand.u32 $0xC00, v37;
	v9 =	vand.u32 $0x7C, v36;
	[sflag:s4] =	ssyncset.done $0x0  }
0x136: {  	v9 =	vor.u32 v9, v10;
	[sflag:s4] =	ssyncadd.s32 $0xFFFFE000  }
0x137: {  	v10 =	vor.u32 v1, v9;
	v8 =	vld.idx.msk [tilespmem:v8+s11+$0x0], $0xffff  }
0x138: {  	v38 =	vor.u32 s5, v2;
	_ =	sdelay $0x3  }
0x139: {  	[tilespmem:v10+s19+$0x0] =	vst.idx.msk $0xffff, v8  }
0x13a: {  	v39 =	vor.u32 v3, v9;
	v8 =	vld.idx.msk [tilespmem:v38+s11+$0x0], $0xffff  }
0x13b: {  	v40 =	vor.u32 s5, v4;
	_ =	sdelay $0x3  }
0x13c: {  	[tilespmem:v39+s19+$0x0] =	vst.idx.msk $0xffff, v8  }
0x13d: {  	v41 =	vor.u32 v5, v9;
	v8 =	vld.idx.msk [tilespmem:v40+s11+$0x0], $0xffff  }
0x13e: {  	v42 =	vor.u32 s5, v6;
	_ =	sdelay $0x3  }
0x13f: {  	[tilespmem:v41+s19+$0x0] =	vst.idx.msk $0xffff, v8  }
0x140: {  	v9 =	vor.u32 v7, v9;
	v8 =	vld.idx.msk [tilespmem:v42+s11+$0x0], $0xffff;
	_ =	sdelay $0x2  }
0x141: {  	s21 =	rddreg [dreg:$0xb]  }
0x142: {  	s23 =	sand.u32 $0x7F, s6;
	s3 =	sand.u32 $0xFFFFF80, s21  }
0x143: {  	s4 =	sadd.s32 $0xFFFFFFFE, s31;
	s3 =	sadd.s32 s0, s3;
	[tilespmem:v9+s19+$0x0] =	vst.idx.msk $0xffff, v8;
	v8 =	vor.u32 s23, v0  }
0x144: {  	v43 =	vmov s4;
	[tilespmem:s11], [sflag:$0x5] =	stream.strided.gather [hbm4b:s3+s9], $0x2000, s8, s9, $0x38;
	[tilespmem:$0x18200] =	vst v63  }
0x145: {  	v44 =	vshll.u32 v43, $0x3;
	_ =	swait.ge [sflag:s26], $0x2000  }
0x146: {  	v10 =	vand.u32 $0xC00, v44;
	v9 =	vand.u32 $0x7D, v43;
	[sflag:s26] =	ssyncset.done $0x0  }
0x147: {  	v9 =	vor.u32 v9, v10;
	[sflag:s26] =	ssyncadd.s32 $0xFFFFE000  }
0x148: {  	v10 =	vor.u32 v1, v9;
	v8 =	vld.idx.msk [tilespmem:v8+s13+$0x0], $0xffff  }
0x149: {  	v45 =	vor.u32 s23, v2;
	_ =	sdelay $0x3  }
0x14a: {  	[tilespmem:v10+s19+$0x0] =	vst.idx.msk $0xffff, v8  }
0x14b: {  	v46 =	vor.u32 v3, v9;
	v8 =	vld.idx.msk [tilespmem:v45+s13+$0x0], $0xffff  }
0x14c: {  	v47 =	vor.u32 s23, v4;
	_ =	sdelay $0x3  }
0x14d: {  	[tilespmem:v46+s19+$0x0] =	vst.idx.msk $0xffff, v8  }
0x14e: {  	v48 =	vor.u32 v5, v9;
	v8 =	vld.idx.msk [tilespmem:v47+s13+$0x0], $0xffff  }
0x14f: {  	v49 =	vor.u32 s23, v6;
	_ =	sdelay $0x3  }
0x150: {  	[tilespmem:v48+s19+$0x0] =	vst.idx.msk $0xffff, v8  }
0x151: {  	v9 =	vor.u32 v7, v9;
	v8 =	vld.idx.msk [tilespmem:v49+s13+$0x0], $0xffff;
	_ =	sdelay $0x2  }
0x152: {  	s7 =	rddreg [dreg:$0xa]  }
0x153: {  	s11 =	sand.u32 $0x7F, s18;
	s3 =	sand.u32 $0xFFFFF80, s7  }
0x154: {  	s12 =	sadd.s32 $0xFFFFFFFF, s31;
	s3 =	sadd.s32 s0, s3;
	[tilespmem:v9+s19+$0x0] =	vst.idx.msk $0xffff, v8;
	v8 =	vor.u32 s11, v0  }
0x155: {  	v50 =	vmov s12;
	[tilespmem:s13], [sflag:$0x6] =	stream.strided.gather [hbm4b:s3+s9], $0x2000, s8, s9, $0x38;
	[tilespmem:$0x18200] =	vst v63  }
0x156: {  	v51 =	vshll.u32 v50, $0x3;
	_ =	swait.ge [sflag:s25], $0x2000  }
0x157: {  	v10 =	vand.u32 $0xC00, v51;
	v9 =	vand.u32 $0x7E, v50;
	[sflag:s25] =	ssyncset.done $0x0  }
0x158: {  	v9 =	vor.u32 v9, v10;
	[sflag:s25] =	ssyncadd.s32 $0xFFFFE000  }
0x159: {  	v10 =	vor.u32 v1, v9;
	v8 =	vld.idx.msk [tilespmem:v8+s30+$0x0], $0xffff  }
0x15a: {  	v52 =	vor.u32 s11, v2;
	_ =	sdelay $0x3  }
0x15b: {  	[tilespmem:v10+s19+$0x0] =	vst.idx.msk $0xffff, v8  }
0x15c: {  	v53 =	vor.u32 v3, v9;
	v8 =	vld.idx.msk [tilespmem:v52+s30+$0x0], $0xffff  }
0x15d: {  	v54 =	vor.u32 s11, v4;
	_ =	sdelay $0x3  }
0x15e: {  	[tilespmem:v53+s19+$0x0] =	vst.idx.msk $0xffff, v8  }
0x15f: {  	v55 =	vor.u32 v5, v9;
	v8 =	vld.idx.msk [tilespmem:v54+s30+$0x0], $0xffff  }
0x160: {  	v56 =	vor.u32 s11, v6;
	_ =	sdelay $0x3  }
0x161: {  	[tilespmem:v55+s19+$0x0] =	vst.idx.msk $0xffff, v8  }
0x162: {  	v9 =	vor.u32 v7, v9;
	v8 =	vld.idx.msk [tilespmem:v56+s30+$0x0], $0xffff;
	_ =	sdelay $0x2  }
0x163: {  	s18 =	rddreg [dreg:$0x9]  }
0x164: {  	s21 =	sand.u32 $0x7F, s15;
	s3 =	sand.u32 $0xFFFFF80, s18  }
0x165: {  	s3 =	sadd.s32 s0, s3;
	[tilespmem:v9+s19+$0x0] =	vst.idx.msk $0xffff, v8;
	v8 =	vor.u32 s21, v0  }
0x166: {  	v57 =	vmov s31;
	[tilespmem:s30], [sflag:$0x7] =	stream.strided.gather [hbm4b:s3+s9], $0x2000, s8, s9, $0x38;
	[tilespmem:$0x18200] =	vst v63  }
0x167: {  	v58 =	vshll.u32 v57, $0x3;
	_ =	swait.ge [sflag:s24], $0x2000  }
0x168: {  	v10 =	vand.u32 $0xC00, v58;
	v9 =	vand.u32 $0x7F, v57;
	[sflag:s24] =	ssyncset.done $0x0  }
0x169: {  	v9 =	vor.u32 v9, v10;
	[sflag:s24] =	ssyncadd.s32 $0xFFFFE000  }
0x16a: {  	v10 =	vor.u32 v1, v9;
	v8 =	vld.idx.msk [tilespmem:v8+s29+$0x0], $0xffff  }
0x16b: {  	v59 =	vor.u32 s21, v2;
	_ =	sdelay $0x3  }
0x16c: {  	[tilespmem:v10+s19+$0x0] =	vst.idx.msk $0xffff, v8  }
0x16d: {  	v60 =	vor.u32 v3, v9;
	v8 =	vld.idx.msk [tilespmem:v59+s29+$0x0], $0xffff  }
0x16e: {  	v61 =	vor.u32 s21, v4;
	_ =	sdelay $0x3  }
0x16f: {  	[tilespmem:v60+s19+$0x0] =	vst.idx.msk $0xffff, v8  }
0x170: {  	v62 =	vor.u32 v5, v9;
	v8 =	vld.idx.msk [tilespmem:v61+s29+$0x0], $0xffff  }
0x171: {  	v63 =	vor.u32 s21, v6;
	_ =	sdelay $0x3  }
0x172: {  	[tilespmem:v62+s19+$0x0] =	vst.idx.msk $0xffff, v8  }
0x173: {  	v9 =	vor.u32 v7, v9;
	v8 =	vld.idx.msk [tilespmem:v63+s29+$0x0], $0xffff  }
0x174: {  	p0 =	sne.s32 s31, $0x1FF  }
.Ltmp0:
0x175: {  	_ = 	snop;
	(pc) =	sbr.rel @p0 .LBB2_2-.Ltmp0, $4  }
0x176: {  	s23 =	rddreg [dreg:$0x8]  }
0x177: {  	s2 =	sadd.s32 $0x1, s2;
	s3 =	sand.u32 $0xFFFFF80, s23  }
0x178: {  	s1 =	sadd.s32 $0x10, s1;
	s31 =	sadd.s32 $0x10, s31;
	s3 =	sadd.s32 s0, s3;
	[tilespmem:v9+s19+$0x0] =	vst.idx.msk $0xffff, v8  }
0x179: {  	[tilespmem:s29], [sflag:$0x8] =	stream.strided.gather [hbm4b:s3+s9], $0x2000, s8, s9, $0x38;
	[tilespmem:$0x18200] =	vst v63  }
0x17a: {  	_ =	swait.ge [sflag:s28], $0x2000  }
0x17b: {  	[sflag:s28] =	ssyncset.done $0x0  }
0x17c: {  	[sflag:s28] =	ssyncadd.s32 $0xFFFFE000  }
0x17d: {  	_ =	swait.ge [sflag:s10], $0x2000  }
0x17e: {  	[sflag:s10] =	ssyncset.done $0x0  }
0x17f: {  	s1 =	simm.s32 $0x3;
	[sflag:s10] =	ssyncadd.s32 $0xFFFFE000  }
0x180: {  	_ =	swait.ge [sflag:s1], $0x2000  }
0x181: {  	[sflag:s1] =	ssyncset.done $0x0  }
0x182: {  	[sflag:s1] =	ssyncadd.s32 $0xFFFFE000  }
0x183: {  	_ =	swait.ge [sflag:s20], $0x2000  }
0x184: {  	[sflag:s20] =	ssyncset.done $0x0  }
0x185: {  	s23 =	simm.s32 $0x5;
	[sflag:s20] =	ssyncadd.s32 $0xFFFFE000  }
0x186: {  	_ =	swait.ge [sflag:s23], $0x2000  }
0x187: {  	[sflag:s23] =	ssyncset.done $0x0  }
0x188: {  	[sflag:s23] =	ssyncadd.s32 $0xFFFFE000  }
0x189: {  	_ =	swait.ge [sflag:s26], $0x2000  }
0x18a: {  	[sflag:s26] =	ssyncset.done $0x0  }
0x18b: {  	[sflag:s26] =	ssyncadd.s32 $0xFFFFE000  }
0x18c: {  	_ =	swait.ge [sflag:s25], $0x2000  }
0x18d: {  	[sflag:s25] =	ssyncset.done $0x0  }
0x18e: {  	[sflag:s25] =	ssyncadd.s32 $0xFFFFE000  }
0x18f: {  	_ =	swait.ge [sflag:s24], $0x2000  }
0x190: {  	s2 =	simm.s32 $0x1000;
	[sflag:s24] =	ssyncset.done $0x0  }
0x191: {  	s3 =	simm.s32 $0x20000;
	s26 =	rddreg [dreg:$0x5];
	[sflag:s24] =	ssyncadd.s32 $0xFFFFE000  }
0x192: {  	[hbm4b:s26+s2] =	stream.strided.scatter [tilespmem:s19], [sflag:$0x9], $0x8000, s3, s2, $0x38;
	[tilespmem:$0x18200] =	vst v63  }
0x193: {  	s3 =	simm.s32 $0x9  }
0x194: {  	_ =	swait.ge [sflag:s3], $0x8000  }
0x195: {  	s29 =	rddreg [dreg:$0x7]  }
0x196: {  	s31 =	rddreg [dreg:$0x6];
	s2 =	sadd.s32 $0x1, s29  }
0x197: {  	p0 =	sne.s32 s2, s31  }
.Ltmp1:
0x198: {  	_ = 	snop;
	(pc) =	sbr.rel @p0 .LBB2_1-.Ltmp1, $4  }
0x199: {  	s4 =	simm.s32 $0x200  }
0x19a: {  	s5 =	simm.s32 $0x2200;
	s6 =	simm.s32 $0x4200;
	s7 =	simm.s32 $0x6200  }
0x19b: {  	s11 =	simm.s32 $0xA200;
	s12 =	simm.s32 $0xC200;
	[sflag:s3] =	ssyncset.done $0x0  }
0x19c: {  	s13 =	simm.s32 $0xE200;
	s10 =	simm.s32 $0x8200;
	[sflag:s3] =	ssyncadd.s32 $0xFFFF8000  }
0x19d: {  	_ =	sfence.sel $0x180000  }
0x19e: {  	[bflag:$0x0] =	sbarrier.arrive $0xFFFF  }
0x19f: {  	_ =	strace $0x90000047  }
0x1a0: {  	s0 =	stileid.u32;
	[bflag:$0x2] =	sbarrier.arrive $0xFFFF  }
0x1a1: {  	p0 =	sne.s32 s0, $0x0;
	s0 =	rddreg [dreg:$0x3]  }
0x1a2: {  	s0 =	sadd.s32 @!p0 $0x100000, s0  }
0x1a3: {  	[sflag:s0] =	ssyncadd.tile.s32 @!p0 $0x1;
	_ =	shalt  }
.Lfunc_end2:
_tile_overlayer_lowered:
.L_overlay_start_2:
0x1a4: {  	(tag) =	ssettag $0x2  }
0x1a5: {  	s0 =	rddreg [dreg:$0x0];
	s2 =	stileid.u32  }
0x1a6: {  	s1 =	rddreg [dreg:$0x1];
	p0 =	sne.s32 s2, $0x0  }
0x1a7: {  	s3 =	rddreg [dreg:$0x2];
	[bflag:$0x3] =	sbarrier.arrive $0xFFFF;
	s2 =	simm.s32 @!p0 $0x1C09  }
0x1a8: {  	[timem:s3], [sflag:s2] =	dma.local @!p0 [hbm:s0], s1  }
0x1a9: {  	s0 =	simm.s32 @!p0 $0x9  }
0x1aa: {  	_ =	swait.ge @!p0 [sflag:s0], s1  }
0x1ab: {  	s1 =	ssub.s32 @!p0 $0x0, s1;
	[sflag:s0] =	ssyncset.done @!p0 $0x0  }
0x1ac: {  	[sflag:s0] =	ssyncadd.s32 @!p0 s1  }
0x1ad: {  	[bflag:$0x3] =	sbarrier.arrive $0xFFFF  }
0x1ae: {  	_ =	shalt  }

</sc_bundles>
